<compile_context>
chip_gen: v7x
topology: tpu7x:2x2x1
jax: 0.10.2.dev20260603
libtpu: 0.0.44.dev20260713+nightly
codegen_flags: <defaults>
</compile_context>

<pallas_src>
import functools

import jax
import jax.numpy as jnp
from jax import lax
from jax.experimental import pallas as pl
from jax.experimental.pallas import tpu as pltpu
from jax.experimental.pallas import tpu_sc as plsc

_NUM_FIXED = 900000
_EMBED_DIM = 64
_PADW = 128
_LANES = 16

_NC = 2
_NS = 16
_NW = _NC * _NS

_CHUNK = 320
_BLK = 128
_NBLK = 3
_FBLKS = (128, 128, 64)


def _sc_body(n_rows, per_w, idx_hbm, fixed_hbm, train_hbm, out_hbm,
             idx_v0, idx_v1, fidx0, fidx1, fidx2, ct_idx, lpos,
             rows_v, trows_v, isem, gsem, tsem):
    idx_bufs = (idx_v0, idx_v1)
    fidx = (fidx0, fidx1, fidx2)
    wid = lax.axis_index("s") * _NC + lax.axis_index("c")
    base = wid * per_w
    lane = lax.iota(jnp.int32, _LANES)
    n_chunks = per_w // _CHUNK

    def issue_idx(c, p):
        pltpu.async_copy(idx_hbm.at[pl.ds(base + c * _CHUNK, _CHUNK)],
                         idx_bufs[p], isem)

    def drain_idx(p):
        pltpu.make_async_copy(idx_hbm.at[pl.ds(0, _CHUNK)], idx_bufs[p],
                              isem).wait()

    def process_chunk(c, p):
        cbase = base + c * _CHUNK
        drain_idx(p)

        @pl.when(c + 1 < n_chunks)
        def _():
            issue_idx(c + 1, 1 - p)

        off = jnp.int32(0)
        for g in range(_CHUNK // _LANES):
            v = idx_bufs[p][pl.ds(g * _LANES, _LANES)]
            co = lane + (g * _LANES)
            m = v < _NUM_FIXED
            fj, col = (g // 8, (g % 8) * _LANES) if g < 16 else \
                      (2, (g - 16) * _LANES)
            fidx[fj][pl.ds(col, _LANES)] = jnp.where(m, v, co)
            tmi = jnp.where(m, 0, 1)
            incl = plsc.cumsum(tmi)
            dest = (incl - tmi) + off
            plsc.store_scatter(ct_idx, [dest >> 7, dest & 127],
                               v - _NUM_FIXED, mask=~m)
            plsc.store_scatter(lpos, [dest >> 7, dest & 127], co, mask=~m)
            off = off + jnp.max(incl)

        nt = off
        nblk_t = (nt + _BLK - 1) // _BLK

        fb = 0
        fcp = []
        for jj, sz in enumerate(_FBLKS):
            pltpu.async_copy(fixed_hbm.at[fidx[jj]],
                             rows_v.at[pl.ds(fb, sz)], gsem)
            fb += sz

        def tg_issue(j, carry):
            pltpu.async_copy(train_hbm.at[ct_idx.at[j]],
                             trows_v.at[pl.ds(j * _BLK, _BLK)], tsem)
            return carry

        lax.fori_loop(0, nblk_t, tg_issue, 0)

        fb = 0
        for jj, sz in enumerate(_FBLKS):
            pltpu.make_async_copy(fixed_hbm.at[fidx[jj]],
                                  rows_v.at[pl.ds(fb, sz)], gsem).wait()
            fb += sz

        def tg_drain(j, carry):
            pltpu.make_async_copy(train_hbm.at[ct_idx.at[j]],
                                  trows_v.at[pl.ds(j * _BLK, _BLK)],
                                  tsem).wait()
            return carry

        lax.fori_loop(0, nblk_t, tg_drain, 0)

        def patch(g, carry):
            eidx = g * _LANES + lane
            e = eidx >> 6
            colp = eidx & 63
            val = plsc.load_gather(trows_v, [e, colp])
            dst = plsc.load_gather(lpos, [e >> 7, e & 127])
            plsc.store_scatter(rows_v, [dst, colp], val,
                               mask=eidx < nt * _EMBED_DIM)
            return carry

        lax.fori_loop(0, nt * (_EMBED_DIM // _LANES), patch, 0)

        pltpu.sync_copy(rows_v, out_hbm.at[pl.ds(cbase, _CHUNK)])

    for g in range(_NBLK * _BLK // _LANES):
        ct_idx[g // 8, pl.ds((g % 8) * _LANES, _LANES)] = lane + g * _LANES

    issue_idx(0, 0)

    def loop_body(k, carry):
        process_chunk(2 * k, 0)
        process_chunk(2 * k + 1, 1)
        return carry

    lax.fori_loop(0, n_chunks // 2, loop_body, 0)


@jax.jit
def _embed_lookup(idx_flat, fixed_p, train_p):
    n_rows = idx_flat.shape[0]
    per_w = n_rows // _NW
    mesh = plsc.VectorSubcoreMesh(core_axis_name="c", subcore_axis_name="s",
                                  num_cores=_NC, num_subcores=_NS)
    body = functools.partial(_sc_body, n_rows, per_w)
    out = pl.kernel(
        body,
        out_type=jax.ShapeDtypeStruct((n_rows, _PADW), jnp.float32),
        mesh=mesh,
        compiler_params=pltpu.CompilerParams(use_tc_tiling_on_sc=True,
                                             needs_layout_passes=False),
        scratch_types=(
            [pltpu.VMEM((_CHUNK,), jnp.int32) for _ in range(2)]
            + [pltpu.VMEM((sz,), jnp.int32) for sz in _FBLKS]
            + [pltpu.VMEM((_NBLK, _BLK), jnp.int32) for _ in range(2)]
            + [pltpu.VMEM((_CHUNK, _PADW), jnp.float32),
               pltpu.VMEM((_NBLK * _BLK, _PADW), jnp.float32)]
            + [pltpu.SemaphoreType.DMA for _ in range(3)]
        ),
    )(idx_flat, fixed_p, train_p)
    return out


def kernel(inp, fixed_weights, trainable_weight):
    b, s = inp.shape
    idx_flat = inp.reshape(-1).astype(jnp.int32)
    fixed_p = jnp.pad(fixed_weights, ((0, 0), (0, _PADW - _EMBED_DIM)))
    train_p = jnp.pad(trainable_weight, ((0, 0), (0, _PADW - _EMBED_DIM)))
    out = _embed_lookup(idx_flat, fixed_p, train_p)
    return out[:, :_EMBED_DIM].reshape(b, s, _EMBED_DIM)

# --- scband reference (transcript-rebuilt; emitter-appended) ---
"""Pipeline reference for scband-partially-fixed-embedding-30837865185767 (READ-ONLY COPY).

The authoritative reference and input builder live on the scoring server;
editing this copy changes nothing except your own understanding.
"""

import jax, jax.numpy as jnp
import numpy as np

NUM_FIXED = 900000
NUM_TO_LEARN = 100000
EMBED_DIM = 64

def setup_inputs(seed: int = 0) -> dict:
    key = jax.random.key(seed)
    k1, k2, k3 = jax.random.split(key, 3)
    inp = jax.random.randint(k1, (4096, 200), 0, NUM_FIXED + NUM_TO_LEARN)
    fixed_weights = jax.random.normal(k2, (NUM_FIXED, EMBED_DIM), dtype=jnp.float32) * 0.02
    # kaiming_uniform_ default (a=sqrt(5)) -> bound = sqrt(6 / ((1 + a^2) * fan_in)) = sqrt(1/fan_in)
    bound = float(np.sqrt(1.0 / EMBED_DIM))
    trainable_weight = jax.random.uniform(k3, (NUM_TO_LEARN, EMBED_DIM), minval=-bound, maxval=bound, dtype=jnp.float32)
    return {"inp": inp, "fixed_weights": fixed_weights, "trainable_weight": trainable_weight}

def reference(inp, fixed_weights, trainable_weight):
    # weight buffer = [fixed ; trainable] rebuilt each forward (as in torch module)
    weight = jnp.concatenate([fixed_weights, trainable_weight], axis=0)
    # F.embedding forward with padding_idx only affects gradients, forward is a plain gather
    return jnp.take(weight, inp, axis=0)

if __name__ == "__main__":
    import jax
    _d = setup_inputs()
    print(jax.jit(kernel)(*tuple(_d.values())))

</pallas_src>

<mosaic_0001>
#map = affine_map<(d0, d1) -> (0)>
#map1 = affine_map<(d0, d1) -> (0, 0)>
module attributes {stable_mosaic.version = 14 : i64} {
  func.func @_sc_body(%arg0: i32, %arg1: i32, %arg2: memref<819200xi32, #tpu.memory_space<hbm>>, %arg3: memref<900000x128xf32, #tpu.memory_space<hbm>>, %arg4: memref<100000x128xf32, #tpu.memory_space<hbm>>, %arg5: memref<819200x128xf32, #tpu.memory_space<hbm>>, %arg6: memref<320xi32, #tpu.memory_space<vmem>>, %arg7: memref<320xi32, #tpu.memory_space<vmem>>, %arg8: memref<128xi32, #tpu.memory_space<vmem>>, %arg9: memref<128xi32, #tpu.memory_space<vmem>>, %arg10: memref<64xi32, #tpu.memory_space<vmem>>, %arg11: memref<3x128xi32, #tpu.memory_space<vmem>>, %arg12: memref<3x128xi32, #tpu.memory_space<vmem>>, %arg13: memref<320x128xf32, #tpu.memory_space<vmem>>, %arg14: memref<384x128xf32, #tpu.memory_space<vmem>>, %arg15: memref<!tpu.dma_semaphore, #tpu.memory_space<semaphore_mem>>, %arg16: memref<!tpu.dma_semaphore, #tpu.memory_space<semaphore_mem>>, %arg17: memref<!tpu.dma_semaphore, #tpu.memory_space<semaphore_mem>>) attributes {dimension_semantics = [#tpu.dimension_semantics<core_parallel>, #tpu.dimension_semantics<subcore_parallel>], iteration_bounds = array<i64: 2, 16>, scalar_prefetch = 0 : i64, scratch_operands = 12 : i64, tpu.core_type = #tpu.core_type<sc_vector_subcore>, window_params = [{transform_indices = #map}, {transform_indices = #map1}, {transform_indices = #map1}, {transform_indices = #map1}]} {
    %mul3A = arith.constant 2 : i32
    %mul3A_0 = arith.muli %arg1, %mul3A : i32
    %add3A = arith.addi %mul3A_0, %arg0 : i32
    %mul3A_1 = arith.constant 25600 : i32
    %mul3A_2 = arith.muli %add3A, %mul3A_1 : i32
    %iota3A = tpu.iota {dimensions = array<i32: 0>} : vector<16xi32>
    %add3A_3 = arith.constant 0 : i32
    %add3A_4 = vector.broadcast %add3A_3 : i32 to vector<16xi32>
    %add3A_5 = arith.addi %iota3A, %add3A_4 : vector<16xi32>
    %swap3A = arith.constant 0 : i32
    %swap3A_6 = arith.index_cast %swap3A : i32 to index
    %swap3A_7 = arith.constant 0 : index
    %swap3A_8 = tpu.vector_load %arg11[%swap3A_6, %swap3A_7] {strides = array<i32>} : memref<3x128xi32, #tpu.memory_space<vmem>>, vector<16xi32>,
    tpu.vector_store %arg11[%swap3A_6, %swap3A_7], %add3A_5 {strides = array<i32>} : memref<3x128xi32, #tpu.memory_space<vmem>>, vector<16xi32>,
    %add3A_9 = arith.constant 16 : i32
    %add3A_10 = vector.broadcast %add3A_9 : i32 to vector<16xi32>
    %add3A_11 = arith.addi %iota3A, %add3A_10 : vector<16xi32>
    %swap3A_12 = arith.constant 0 : i32
    %swap3A_13 = arith.index_cast %swap3A_12 : i32 to index
    %swap3A_14 = arith.constant 16 : index
    %swap3A_15 = tpu.vector_load %arg11[%swap3A_13, %swap3A_14] {strides = array<i32>} : memref<3x128xi32, #tpu.memory_space<vmem>>, vector<16xi32>,
    tpu.vector_store %arg11[%swap3A_13, %swap3A_14], %add3A_11 {strides = array<i32>} : memref<3x128xi32, #tpu.memory_space<vmem>>, vector<16xi32>,
    %add3A_16 = arith.constant 32 : i32
    %add3A_17 = vector.broadcast %add3A_16 : i32 to vector<16xi32>
    %add3A_18 = arith.addi %iota3A, %add3A_17 : vector<16xi32>
    %swap3A_19 = arith.constant 0 : i32
    %swap3A_20 = arith.index_cast %swap3A_19 : i32 to index
    %swap3A_21 = arith.constant 32 : index
    %swap3A_22 = tpu.vector_load %arg11[%swap3A_20, %swap3A_21] {strides = array<i32>} : memref<3x128xi32, #tpu.memory_space<vmem>>, vector<16xi32>,
    tpu.vector_store %arg11[%swap3A_20, %swap3A_21], %add3A_18 {strides = array<i32>} : memref<3x128xi32, #tpu.memory_space<vmem>>, vector<16xi32>,
    %add3A_23 = arith.constant 48 : i32
    %add3A_24 = vector.broadcast %add3A_23 : i32 to vector<16xi32>
    %add3A_25 = arith.addi %iota3A, %add3A_24 : vector<16xi32>
    %swap3A_26 = arith.constant 0 : i32
    %swap3A_27 = arith.index_cast %swap3A_26 : i32 to index
    %swap3A_28 = arith.constant 48 : index
    %swap3A_29 = tpu.vector_load %arg11[%swap3A_27, %swap3A_28] {strides = array<i32>} : memref<3x128xi32, #tpu.memory_space<vmem>>, vector<16xi32>,
    tpu.vector_store %arg11[%swap3A_27, %swap3A_28], %add3A_25 {strides = array<i32>} : memref<3x128xi32, #tpu.memory_space<vmem>>, vector<16xi32>,
    %add3A_30 = arith.constant 64 : i32
    %add3A_31 = vector.broadcast %add3A_30 : i32 to vector<16xi32>
    %add3A_32 = arith.addi %iota3A, %add3A_31 : vector<16xi32>
    %swap3A_33 = arith.constant 0 : i32
    %swap3A_34 = arith.index_cast %swap3A_33 : i32 to index
    %swap3A_35 = arith.constant 64 : index
    %swap3A_36 = tpu.vector_load %arg11[%swap3A_34, %swap3A_35] {strides = array<i32>} : memref<3x128xi32, #tpu.memory_space<vmem>>, vector<16xi32>,
    tpu.vector_store %arg11[%swap3A_34, %swap3A_35], %add3A_32 {strides = array<i32>} : memref<3x128xi32, #tpu.memory_space<vmem>>, vector<16xi32>,
    %add3A_37 = arith.constant 80 : i32
    %add3A_38 = vector.broadcast %add3A_37 : i32 to vector<16xi32>
    %add3A_39 = arith.addi %iota3A, %add3A_38 : vector<16xi32>
    %swap3A_40 = arith.constant 0 : i32
    %swap3A_41 = arith.index_cast %swap3A_40 : i32 to index
    %swap3A_42 = arith.constant 80 : index
    %swap3A_43 = tpu.vector_load %arg11[%swap3A_41, %swap3A_42] {strides = array<i32>} : memref<3x128xi32, #tpu.memory_space<vmem>>, vector<16xi32>,
    tpu.vector_store %arg11[%swap3A_41, %swap3A_42], %add3A_39 {strides = array<i32>} : memref<3x128xi32, #tpu.memory_space<vmem>>, vector<16xi32>,
    %add3A_44 = arith.constant 96 : i32
    %add3A_45 = vector.broadcast %add3A_44 : i32 to vector<16xi32>
    %add3A_46 = arith.addi %iota3A, %add3A_45 : vector<16xi32>
    %swap3A_47 = arith.constant 0 : i32
    %swap3A_48 = arith.index_cast %swap3A_47 : i32 to index
    %swap3A_49 = arith.constant 96 : index
    %swap3A_50 = tpu.vector_load %arg11[%swap3A_48, %swap3A_49] {strides = array<i32>} : memref<3x128xi32, #tpu.memory_space<vmem>>, vector<16xi32>,
    tpu.vector_store %arg11[%swap3A_48, %swap3A_49], %add3A_46 {strides = array<i32>} : memref<3x128xi32, #tpu.memory_space<vmem>>, vector<16xi32>,
    %add3A_51 = arith.constant 112 : i32
    %add3A_52 = vector.broadcast %add3A_51 : i32 to vector<16xi32>
    %add3A_53 = arith.addi %iota3A, %add3A_52 : vector<16xi32>
    %swap3A_54 = arith.constant 0 : i32
    %swap3A_55 = arith.index_cast %swap3A_54 : i32 to index
    %swap3A_56 = arith.constant 112 : index
    %swap3A_57 = tpu.vector_load %arg11[%swap3A_55, %swap3A_56] {strides = array<i32>} : memref<3x128xi32, #tpu.memory_space<vmem>>, vector<16xi32>,
    tpu.vector_store %arg11[%swap3A_55, %swap3A_56], %add3A_53 {strides = array<i32>} : memref<3x128xi32, #tpu.memory_space<vmem>>, vector<16xi32>,
    %add3A_58 = arith.constant 128 : i32
    %add3A_59 = vector.broadcast %add3A_58 : i32 to vector<16xi32>
    %add3A_60 = arith.addi %iota3A, %add3A_59 : vector<16xi32>
    %swap3A_61 = arith.constant 1 : i32
    %swap3A_62 = arith.index_cast %swap3A_61 : i32 to index
    %swap3A_63 = arith.constant 0 : index
    %swap3A_64 = tpu.vector_load %arg11[%swap3A_62, %swap3A_63] {strides = array<i32>} : memref<3x128xi32, #tpu.memory_space<vmem>>, vector<16xi32>,
    tpu.vector_store %arg11[%swap3A_62, %swap3A_63], %add3A_60 {strides = array<i32>} : memref<3x128xi32, #tpu.memory_space<vmem>>, vector<16xi32>,
    %add3A_65 = arith.constant 144 : i32
    %add3A_66 = vector.broadcast %add3A_65 : i32 to vector<16xi32>
    %add3A_67 = arith.addi %iota3A, %add3A_66 : vector<16xi32>
    %swap3A_68 = arith.constant 1 : i32
    %swap3A_69 = arith.index_cast %swap3A_68 : i32 to index
    %swap3A_70 = arith.constant 16 : index
    %swap3A_71 = tpu.vector_load %arg11[%swap3A_69, %swap3A_70] {strides = array<i32>} : memref<3x128xi32, #tpu.memory_space<vmem>>, vector<16xi32>,
    tpu.vector_store %arg11[%swap3A_69, %swap3A_70], %add3A_67 {strides = array<i32>} : memref<3x128xi32, #tpu.memory_space<vmem>>, vector<16xi32>,
    %add3A_72 = arith.constant 160 : i32
    %add3A_73 = vector.broadcast %add3A_72 : i32 to vector<16xi32>
    %add3A_74 = arith.addi %iota3A, %add3A_73 : vector<16xi32>
    %swap3A_75 = arith.constant 1 : i32
    %swap3A_76 = arith.index_cast %swap3A_75 : i32 to index
    %swap3A_77 = arith.constant 32 : index
    %swap3A_78 = tpu.vector_load %arg11[%swap3A_76, %swap3A_77] {strides = array<i32>} : memref<3x128xi32, #tpu.memory_space<vmem>>, vector<16xi32>,
    tpu.vector_store %arg11[%swap3A_76, %swap3A_77], %add3A_74 {strides = array<i32>} : memref<3x128xi32, #tpu.memory_space<vmem>>, vector<16xi32>,
    %add3A_79 = arith.constant 176 : i32
    %add3A_80 = vector.broadcast %add3A_79 : i32 to vector<16xi32>
    %add3A_81 = arith.addi %iota3A, %add3A_80 : vector<16xi32>
    %swap3A_82 = arith.constant 1 : i32
    %swap3A_83 = arith.index_cast %swap3A_82 : i32 to index
    %swap3A_84 = arith.constant 48 : index
    %swap3A_85 = tpu.vector_load %arg11[%swap3A_83, %swap3A_84] {strides = array<i32>} : memref<3x128xi32, #tpu.memory_space<vmem>>, vector<16xi32>,
    tpu.vector_store %arg11[%swap3A_83, %swap3A_84], %add3A_81 {strides = array<i32>} : memref<3x128xi32, #tpu.memory_space<vmem>>, vector<16xi32>,
    %add3A_86 = arith.constant 192 : i32
    %add3A_87 = vector.broadcast %add3A_86 : i32 to vector<16xi32>
    %add3A_88 = arith.addi %iota3A, %add3A_87 : vector<16xi32>
    %swap3A_89 = arith.constant 1 : i32
    %swap3A_90 = arith.index_cast %swap3A_89 : i32 to index
    %swap3A_91 = arith.constant 64 : index
    %swap3A_92 = tpu.vector_load %arg11[%swap3A_90, %swap3A_91] {strides = array<i32>} : memref<3x128xi32, #tpu.memory_space<vmem>>, vector<16xi32>,
    tpu.vector_store %arg11[%swap3A_90, %swap3A_91], %add3A_88 {strides = array<i32>} : memref<3x128xi32, #tpu.memory_space<vmem>>, vector<16xi32>,
    %add3A_93 = arith.constant 208 : i32
    %add3A_94 = vector.broadcast %add3A_93 : i32 to vector<16xi32>
    %add3A_95 = arith.addi %iota3A, %add3A_94 : vector<16xi32>
    %swap3A_96 = arith.constant 1 : i32
    %swap3A_97 = arith.index_cast %swap3A_96 : i32 to index
    %swap3A_98 = arith.constant 80 : index
    %swap3A_99 = tpu.vector_load %arg11[%swap3A_97, %swap3A_98] {strides = array<i32>} : memref<3x128xi32, #tpu.memory_space<vmem>>, vector<16xi32>,
    tpu.vector_store %arg11[%swap3A_97, %swap3A_98], %add3A_95 {strides = array<i32>} : memref<3x128xi32, #tpu.memory_space<vmem>>, vector<16xi32>,
    %add3A_100 = arith.constant 224 : i32
    %add3A_101 = vector.broadcast %add3A_100 : i32 to vector<16xi32>
    %add3A_102 = arith.addi %iota3A, %add3A_101 : vector<16xi32>
    %swap3A_103 = arith.constant 1 : i32
    %swap3A_104 = arith.index_cast %swap3A_103 : i32 to index
    %swap3A_105 = arith.constant 96 : index
    %swap3A_106 = tpu.vector_load %arg11[%swap3A_104, %swap3A_105] {strides = array<i32>} : memref<3x128xi32, #tpu.memory_space<vmem>>, vector<16xi32>,
    tpu.vector_store %arg11[%swap3A_104, %swap3A_105], %add3A_102 {strides = array<i32>} : memref<3x128xi32, #tpu.memory_space<vmem>>, vector<16xi32>,
    %add3A_107 = arith.constant 240 : i32
    %add3A_108 = vector.broadcast %add3A_107 : i32 to vector<16xi32>
    %add3A_109 = arith.addi %iota3A, %add3A_108 : vector<16xi32>
    %swap3A_110 = arith.constant 1 : i32
    %swap3A_111 = arith.index_cast %swap3A_110 : i32 to index
    %swap3A_112 = arith.constant 112 : index
    %swap3A_113 = tpu.vector_load %arg11[%swap3A_111, %swap3A_112] {strides = array<i32>} : memref<3x128xi32, #tpu.memory_space<vmem>>, vector<16xi32>,
    tpu.vector_store %arg11[%swap3A_111, %swap3A_112], %add3A_109 {strides = array<i32>} : memref<3x128xi32, #tpu.memory_space<vmem>>, vector<16xi32>,
    %add3A_114 = arith.constant 256 : i32
    %add3A_115 = vector.broadcast %add3A_114 : i32 to vector<16xi32>
    %add3A_116 = arith.addi %iota3A, %add3A_115 : vector<16xi32>
    %swap3A_117 = arith.constant 2 : i32
    %swap3A_118 = arith.index_cast %swap3A_117 : i32 to index
    %swap3A_119 = arith.constant 0 : index
    %swap3A_120 = tpu.vector_load %arg11[%swap3A_118, %swap3A_119] {strides = array<i32>} : memref<3x128xi32, #tpu.memory_space<vmem>>, vector<16xi32>,
    tpu.vector_store %arg11[%swap3A_118, %swap3A_119], %add3A_116 {strides = array<i32>} : memref<3x128xi32, #tpu.memory_space<vmem>>, vector<16xi32>,
    %add3A_121 = arith.constant 272 : i32
    %add3A_122 = vector.broadcast %add3A_121 : i32 to vector<16xi32>
    %add3A_123 = arith.addi %iota3A, %add3A_122 : vector<16xi32>
    %swap3A_124 = arith.constant 2 : i32
    %swap3A_125 = arith.index_cast %swap3A_124 : i32 to index
    %swap3A_126 = arith.constant 16 : index
    %swap3A_127 = tpu.vector_load %arg11[%swap3A_125, %swap3A_126] {strides = array<i32>} : memref<3x128xi32, #tpu.memory_space<vmem>>, vector<16xi32>,
    tpu.vector_store %arg11[%swap3A_125, %swap3A_126], %add3A_123 {strides = array<i32>} : memref<3x128xi32, #tpu.memory_space<vmem>>, vector<16xi32>,
    %add3A_128 = arith.constant 288 : i32
    %add3A_129 = vector.broadcast %add3A_128 : i32 to vector<16xi32>
    %add3A_130 = arith.addi %iota3A, %add3A_129 : vector<16xi32>
    %swap3A_131 = arith.constant 2 : i32
    %swap3A_132 = arith.index_cast %swap3A_131 : i32 to index
    %swap3A_133 = arith.constant 32 : index
    %swap3A_134 = tpu.vector_load %arg11[%swap3A_132, %swap3A_133] {strides = array<i32>} : memref<3x128xi32, #tpu.memory_space<vmem>>, vector<16xi32>,
    tpu.vector_store %arg11[%swap3A_132, %swap3A_133], %add3A_130 {strides = array<i32>} : memref<3x128xi32, #tpu.memory_space<vmem>>, vector<16xi32>,
    %add3A_135 = arith.constant 304 : i32
    %add3A_136 = vector.broadcast %add3A_135 : i32 to vector<16xi32>
    %add3A_137 = arith.addi %iota3A, %add3A_136 : vector<16xi32>
    %swap3A_138 = arith.constant 2 : i32
    %swap3A_139 = arith.index_cast %swap3A_138 : i32 to index
    %swap3A_140 = arith.constant 48 : index
    %swap3A_141 = tpu.vector_load %arg11[%swap3A_139, %swap3A_140] {strides = array<i32>} : memref<3x128xi32, #tpu.memory_space<vmem>>, vector<16xi32>,
    tpu.vector_store %arg11[%swap3A_139, %swap3A_140], %add3A_137 {strides = array<i32>} : memref<3x128xi32, #tpu.memory_space<vmem>>, vector<16xi32>,
    %add3A_142 = arith.constant 320 : i32
    %add3A_143 = vector.broadcast %add3A_142 : i32 to vector<16xi32>
    %add3A_144 = arith.addi %iota3A, %add3A_143 : vector<16xi32>
    %swap3A_145 = arith.constant 2 : i32
    %swap3A_146 = arith.index_cast %swap3A_145 : i32 to index
    %swap3A_147 = arith.constant 64 : index
    %swap3A_148 = tpu.vector_load %arg11[%swap3A_146, %swap3A_147] {strides = array<i32>} : memref<3x128xi32, #tpu.memory_space<vmem>>, vector<16xi32>,
    tpu.vector_store %arg11[%swap3A_146, %swap3A_147], %add3A_144 {strides = array<i32>} : memref<3x128xi32, #tpu.memory_space<vmem>>, vector<16xi32>,
    %add3A_149 = arith.constant 336 : i32
    %add3A_150 = vector.broadcast %add3A_149 : i32 to vector<16xi32>
    %add3A_151 = arith.addi %iota3A, %add3A_150 : vector<16xi32>
    %swap3A_152 = arith.constant 2 : i32
    %swap3A_153 = arith.index_cast %swap3A_152 : i32 to index
    %swap3A_154 = arith.constant 80 : index
    %swap3A_155 = tpu.vector_load %arg11[%swap3A_153, %swap3A_154] {strides = array<i32>} : memref<3x128xi32, #tpu.memory_space<vmem>>, vector<16xi32>,
    tpu.vector_store %arg11[%swap3A_153, %swap3A_154], %add3A_151 {strides = array<i32>} : memref<3x128xi32, #tpu.memory_space<vmem>>, vector<16xi32>,
    %add3A_156 = arith.constant 352 : i32
    %add3A_157 = vector.broadcast %add3A_156 : i32 to vector<16xi32>
    %add3A_158 = arith.addi %iota3A, %add3A_157 : vector<16xi32>
    %swap3A_159 = arith.constant 2 : i32
    %swap3A_160 = arith.index_cast %swap3A_159 : i32 to index
    %swap3A_161 = arith.constant 96 : index
    %swap3A_162 = tpu.vector_load %arg11[%swap3A_160, %swap3A_161] {strides = array<i32>} : memref<3x128xi32, #tpu.memory_space<vmem>>, vector<16xi32>,
    tpu.vector_store %arg11[%swap3A_160, %swap3A_161], %add3A_158 {strides = array<i32>} : memref<3x128xi32, #tpu.memory_space<vmem>>, vector<16xi32>,
    %add3A_163 = arith.constant 368 : i32
    %add3A_164 = vector.broadcast %add3A_163 : i32 to vector<16xi32>
    %add3A_165 = arith.addi %iota3A, %add3A_164 : vector<16xi32>
    %swap3A_166 = arith.constant 2 : i32
    %swap3A_167 = arith.index_cast %swap3A_166 : i32 to index
    %swap3A_168 = arith.constant 112 : index
    %swap3A_169 = tpu.vector_load %arg11[%swap3A_167, %swap3A_168] {strides = array<i32>} : memref<3x128xi32, #tpu.memory_space<vmem>>, vector<16xi32>,
    tpu.vector_store %arg11[%swap3A_167, %swap3A_168], %add3A_165 {strides = array<i32>} : memref<3x128xi32, #tpu.memory_space<vmem>>, vector<16xi32>,
    %add3A_170 = arith.constant 0 : i32
    %add3A_171 = arith.addi %mul3A_2, %add3A_170 : i32
    %dma_start3A = tpu.memref_slice %arg2[%add3A_171] : memref<819200xi32, #tpu.memory_space<hbm>> -> memref<320xi32, #tpu.memory_space<hbm>>
    %dma_start3A_172 = tpu.memref_slice %arg2[%add3A_171] : memref<819200xi32, #tpu.memory_space<hbm>> -> memref<320xi32, #tpu.memory_space<hbm>>
    tpu.enqueue_dma source(%dma_start3A_172 : memref<320xi32, #tpu.memory_space<hbm>>) target(%arg6 : memref<320xi32, #tpu.memory_space<vmem>>) target_semaphore(%arg15 : memref<!tpu.dma_semaphore, #tpu.memory_space<semaphore_mem>>)
    %scan3A = arith.constant 0 : i32
    %scan3A_173 = arith.constant 0 : i32
    %scan3A_174 = arith.constant 40 : i32
    %scan3A_175 = arith.addi %scan3A_173, %scan3A_174 : i32
    %scan3A_176 = arith.constant 1 : i32
    scf.for %scan3A_178 = %scan3A_173 to %scan3A_175 step %scan3A_176  : i32 {
      %mul3A_179 = arith.constant 2 : i32
      %mul3A_180 = arith.muli %mul3A_179, %scan3A_178 : i32
      %mul3A_181 = arith.constant 320 : i32
      %mul3A_182 = arith.muli %mul3A_180, %mul3A_181 : i32
      %add3A_183 = arith.addi %mul3A_2, %mul3A_182 : i32
      %dma_wait3A = arith.constant 0 : i32
      %dma_wait3A_184 = tpu.memref_slice %arg2[%dma_wait3A] : memref<819200xi32, #tpu.memory_space<hbm>> -> memref<320xi32, #tpu.memory_space<hbm>>
      %dma_wait3A_185 = arith.constant 0 : i32
      %dma_wait3A_186 = tpu.memref_slice %arg2[%dma_wait3A_185] : memref<819200xi32, #tpu.memory_space<hbm>> -> memref<320xi32, #tpu.memory_space<hbm>>
      tpu.wait_dma2 semaphore(%arg15 : memref<!tpu.dma_semaphore, #tpu.memory_space<semaphore_mem>>) src(%dma_wait3A_186 : memref<320xi32, #tpu.memory_space<hbm>>) dst(%arg6 : memref<320xi32, #tpu.memory_space<vmem>>)
      %add3A_187 = arith.constant 1 : i32
      %add3A_188 = arith.addi %mul3A_180, %add3A_187 : i32
      %lt3A = arith.constant 80 : i32
      %lt3A_189 = arith.cmpi slt, %add3A_188, %lt3A : i32
      %convert_element_type3A = arith.extui %lt3A_189 : i1 to i32
      %cond3A = arith.constant 0 : i32
      %cond3A_190 = arith.cmpi ne, %convert_element_type3A, %cond3A : i32
      scf.if %cond3A_190 {
        %add3A_2390 = arith.constant 1 : i32
        %add3A_2391 = arith.addi %mul3A_180, %add3A_2390 : i32
        %mul3A_2392 = arith.constant 320 : i32
        %mul3A_2393 = arith.muli %add3A_2391, %mul3A_2392 : i32
        %add3A_2394 = arith.addi %mul3A_2, %mul3A_2393 : i32
        %dma_start3A_2395 = tpu.memref_slice %arg2[%add3A_2394] : memref<819200xi32, #tpu.memory_space<hbm>> -> memref<320xi32, #tpu.memory_space<hbm>>
        %dma_start3A_2396 = tpu.memref_slice %arg2[%add3A_2394] : memref<819200xi32, #tpu.memory_space<hbm>> -> memref<320xi32, #tpu.memory_space<hbm>>
        tpu.enqueue_dma source(%dma_start3A_2396 : memref<320xi32, #tpu.memory_space<hbm>>) target(%arg7 : memref<320xi32, #tpu.memory_space<vmem>>) target_semaphore(%arg15 : memref<!tpu.dma_semaphore, #tpu.memory_space<semaphore_mem>>)
      } else {
      }
      %get3A = arith.constant 0 : index
      %get3A_191 = tpu.vector_load %arg6[%get3A] {strides = array<i32>} : memref<320xi32, #tpu.memory_space<vmem>>, vector<16xi32>,
      %add3A_192 = arith.constant 0 : i32
      %add3A_193 = vector.broadcast %add3A_192 : i32 to vector<16xi32>
      %add3A_194 = arith.addi %iota3A, %add3A_193 : vector<16xi32>
      %lt3A_195 = arith.constant 900000 : i32
      %lt3A_196 = vector.broadcast %lt3A_195 : i32 to vector<16xi32>
      %lt3A_197 = arith.cmpi slt, %get3A_191, %lt3A_196 : vector<16xi32>
      %select_n3A = arith.select %lt3A_197, %get3A_191, %add3A_194 : vector<16xi1>, vector<16xi32>
      %swap3A_198 = arith.constant 0 : index
      %swap3A_199 = tpu.vector_load %arg8[%swap3A_198] {strides = array<i32>} : memref<128xi32, #tpu.memory_space<vmem>>, vector<16xi32>,
      tpu.vector_store %arg8[%swap3A_198], %select_n3A {strides = array<i32>} : memref<128xi32, #tpu.memory_space<vmem>>, vector<16xi32>,
      %jit3A = arith.constant 0 : i32
      %jit3A_200 = arith.constant 1 : i32
      %broadcast_in_dim3A = vector.broadcast %jit3A : i32 to vector<16xi32>
      %broadcast_in_dim3A_201 = vector.broadcast %jit3A_200 : i32 to vector<16xi32>
      %select_n3A_202 = arith.select %lt3A_197, %broadcast_in_dim3A, %broadcast_in_dim3A_201 : vector<16xi1>, vector<16xi32>
      %broadcast_in_dim3A_203 = arith.constant true
      %broadcast_in_dim3A_204 = vector.broadcast %broadcast_in_dim3A_203 : i1 to vector<16xi1>
      %masked_cumsum3A = tpu.scan <sum>, %select_n3A_202 masked %broadcast_in_dim3A_204 : vector<16xi32>, vector<16xi1> -> vector<16xi32>
      %sub3A = arith.subi %masked_cumsum3A, %select_n3A_202 : vector<16xi32>
      %add3A_205 = arith.constant 0 : i32
      %add3A_206 = vector.broadcast %add3A_205 : i32 to vector<16xi32>
      %add3A_207 = arith.addi %sub3A, %add3A_206 : vector<16xi32>
      %shift_right_arithmetic3A = arith.constant 7 : i32
      %shift_right_arithmetic3A_208 = vector.broadcast %shift_right_arithmetic3A : i32 to vector<16xi32>
      %shift_right_arithmetic3A_209 = arith.shrsi %add3A_207, %shift_right_arithmetic3A_208 : vector<16xi32>
      %and3A = arith.constant 127 : i32
      %and3A_210 = vector.broadcast %and3A : i32 to vector<16xi32>
      %and3A_211 = arith.andi %add3A_207, %and3A_210 : vector<16xi32>
      %sub3A_212 = arith.constant 900000 : i32
      %sub3A_213 = vector.broadcast %sub3A_212 : i32 to vector<16xi32>
      %sub3A_214 = arith.subi %get3A_191, %sub3A_213 : vector<16xi32>
      %not3A = arith.constant dense<true> : vector<16xi1>
      %not3A_215 = arith.xori %lt3A_197, %not3A : vector<16xi1>
      tpu.vector_store_idx %arg11[%shift_right_arithmetic3A_209, %and3A_211], %sub3A_214 masked %not3A_215 : memref<3x128xi32, #tpu.memory_space<vmem>>[vector<16xi32>, vector<16xi32>], vector<16xi32>, vector<16xi1>
      %shift_right_arithmetic3A_216 = arith.constant 7 : i32
      %shift_right_arithmetic3A_217 = vector.broadcast %shift_right_arithmetic3A_216 : i32 to vector<16xi32>
      %shift_right_arithmetic3A_218 = arith.shrsi %add3A_207, %shift_right_arithmetic3A_217 : vector<16xi32>
      %and3A_219 = arith.constant 127 : i32
      %and3A_220 = vector.broadcast %and3A_219 : i32 to vector<16xi32>
      %and3A_221 = arith.andi %add3A_207, %and3A_220 : vector<16xi32>
      %not3A_222 = arith.constant dense<true> : vector<16xi1>
      %not3A_223 = arith.xori %lt3A_197, %not3A_222 : vector<16xi1>
      tpu.vector_store_idx %arg12[%shift_right_arithmetic3A_218, %and3A_221], %add3A_194 masked %not3A_223 : memref<3x128xi32, #tpu.memory_space<vmem>>[vector<16xi32>, vector<16xi32>], vector<16xi32>, vector<16xi1>
      %reduce_max3A = arith.constant true
      %reduce_max3A_224 = vector.broadcast %reduce_max3A : i1 to vector<16xi1>
      %reduce_max3A_225 = arith.constant -2147483648 : i32
      %reduce_max3A_226 = vector.broadcast %reduce_max3A_225 : i32 to vector<16xi32>
      %reduce_max3A_227 = arith.xori %masked_cumsum3A, %reduce_max3A_226 : vector<16xi32>
      %reduce_max3A_228 = tpu.scan <max>, %reduce_max3A_227 masked %reduce_max3A_224 : vector<16xi32>, vector<16xi1> -> vector<16xi32>
      %reduce_max3A_229 = arith.xori %reduce_max3A_228, %reduce_max3A_226 : vector<16xi32>
      %reduce_max3A_230 = vector.extract %reduce_max3A_229[15] : i32 from vector<16xi32>
      %add3A_231 = arith.constant 0 : i32
      %add3A_232 = arith.addi %add3A_231, %reduce_max3A_230 : i32
      %get3A_233 = arith.constant 16 : index
      %get3A_234 = tpu.vector_load %arg6[%get3A_233] {strides = array<i32>} : memref<320xi32, #tpu.memory_space<vmem>>, vector<16xi32>,
      %add3A_235 = arith.constant 16 : i32
      %add3A_236 = vector.broadcast %add3A_235 : i32 to vector<16xi32>
      %add3A_237 = arith.addi %iota3A, %add3A_236 : vector<16xi32>
      %lt3A_238 = arith.constant 900000 : i32
      %lt3A_239 = vector.broadcast %lt3A_238 : i32 to vector<16xi32>
      %lt3A_240 = arith.cmpi slt, %get3A_234, %lt3A_239 : vector<16xi32>
      %select_n3A_241 = arith.select %lt3A_240, %get3A_234, %add3A_237 : vector<16xi1>, vector<16xi32>
      %swap3A_242 = arith.constant 16 : index
      %swap3A_243 = tpu.vector_load %arg8[%swap3A_242] {strides = array<i32>} : memref<128xi32, #tpu.memory_space<vmem>>, vector<16xi32>,
      tpu.vector_store %arg8[%swap3A_242], %select_n3A_241 {strides = array<i32>} : memref<128xi32, #tpu.memory_space<vmem>>, vector<16xi32>,
      %jit3A_244 = arith.constant 0 : i32
      %jit3A_245 = arith.constant 1 : i32
      %broadcast_in_dim3A_246 = vector.broadcast %jit3A_244 : i32 to vector<16xi32>
      %broadcast_in_dim3A_247 = vector.broadcast %jit3A_245 : i32 to vector<16xi32>
      %select_n3A_248 = arith.select %lt3A_240, %broadcast_in_dim3A_246, %broadcast_in_dim3A_247 : vector<16xi1>, vector<16xi32>
      %broadcast_in_dim3A_249 = arith.constant true
      %broadcast_in_dim3A_250 = vector.broadcast %broadcast_in_dim3A_249 : i1 to vector<16xi1>
      %masked_cumsum3A_251 = tpu.scan <sum>, %select_n3A_248 masked %broadcast_in_dim3A_250 : vector<16xi32>, vector<16xi1> -> vector<16xi32>
      %sub3A_252 = arith.subi %masked_cumsum3A_251, %select_n3A_248 : vector<16xi32>
      %add3A_253 = vector.broadcast %add3A_232 : i32 to vector<16xi32>
      %add3A_254 = arith.addi %sub3A_252, %add3A_253 : vector<16xi32>
      %shift_right_arithmetic3A_255 = arith.constant 7 : i32
      %shift_right_arithmetic3A_256 = vector.broadcast %shift_right_arithmetic3A_255 : i32 to vector<16xi32>
      %shift_right_arithmetic3A_257 = arith.shrsi %add3A_254, %shift_right_arithmetic3A_256 : vector<16xi32>
      %and3A_258 = arith.constant 127 : i32
      %and3A_259 = vector.broadcast %and3A_258 : i32 to vector<16xi32>
      %and3A_260 = arith.andi %add3A_254, %and3A_259 : vector<16xi32>
      %sub3A_261 = arith.constant 900000 : i32
      %sub3A_262 = vector.broadcast %sub3A_261 : i32 to vector<16xi32>
      %sub3A_263 = arith.subi %get3A_234, %sub3A_262 : vector<16xi32>
      %not3A_264 = arith.constant dense<true> : vector<16xi1>
      %not3A_265 = arith.xori %lt3A_240, %not3A_264 : vector<16xi1>
      tpu.vector_store_idx %arg11[%shift_right_arithmetic3A_257, %and3A_260], %sub3A_263 masked %not3A_265 : memref<3x128xi32, #tpu.memory_space<vmem>>[vector<16xi32>, vector<16xi32>], vector<16xi32>, vector<16xi1>
      %shift_right_arithmetic3A_266 = arith.constant 7 : i32
      %shift_right_arithmetic3A_267 = vector.broadcast %shift_right_arithmetic3A_266 : i32 to vector<16xi32>
      %shift_right_arithmetic3A_268 = arith.shrsi %add3A_254, %shift_right_arithmetic3A_267 : vector<16xi32>
      %and3A_269 = arith.constant 127 : i32
      %and3A_270 = vector.broadcast %and3A_269 : i32 to vector<16xi32>
      %and3A_271 = arith.andi %add3A_254, %and3A_270 : vector<16xi32>
      %not3A_272 = arith.constant dense<true> : vector<16xi1>
      %not3A_273 = arith.xori %lt3A_240, %not3A_272 : vector<16xi1>
      tpu.vector_store_idx %arg12[%shift_right_arithmetic3A_268, %and3A_271], %add3A_237 masked %not3A_273 : memref<3x128xi32, #tpu.memory_space<vmem>>[vector<16xi32>, vector<16xi32>], vector<16xi32>, vector<16xi1>
      %reduce_max3A_274 = arith.constant true
      %reduce_max3A_275 = vector.broadcast %reduce_max3A_274 : i1 to vector<16xi1>
      %reduce_max3A_276 = arith.constant -2147483648 : i32
      %reduce_max3A_277 = vector.broadcast %reduce_max3A_276 : i32 to vector<16xi32>
      %reduce_max3A_278 = arith.xori %masked_cumsum3A_251, %reduce_max3A_277 : vector<16xi32>
      %reduce_max3A_279 = tpu.scan <max>, %reduce_max3A_278 masked %reduce_max3A_275 : vector<16xi32>, vector<16xi1> -> vector<16xi32>
      %reduce_max3A_280 = arith.xori %reduce_max3A_279, %reduce_max3A_277 : vector<16xi32>
      %reduce_max3A_281 = vector.extract %reduce_max3A_280[15] : i32 from vector<16xi32>
      %add3A_282 = arith.addi %add3A_232, %reduce_max3A_281 : i32
      %get3A_283 = arith.constant 32 : index
      %get3A_284 = tpu.vector_load %arg6[%get3A_283] {strides = array<i32>} : memref<320xi32, #tpu.memory_space<vmem>>, vector<16xi32>,
      %add3A_285 = arith.constant 32 : i32
      %add3A_286 = vector.broadcast %add3A_285 : i32 to vector<16xi32>
      %add3A_287 = arith.addi %iota3A, %add3A_286 : vector<16xi32>
      %lt3A_288 = arith.constant 900000 : i32
      %lt3A_289 = vector.broadcast %lt3A_288 : i32 to vector<16xi32>
      %lt3A_290 = arith.cmpi slt, %get3A_284, %lt3A_289 : vector<16xi32>
      %select_n3A_291 = arith.select %lt3A_290, %get3A_284, %add3A_287 : vector<16xi1>, vector<16xi32>
      %swap3A_292 = arith.constant 32 : index
      %swap3A_293 = tpu.vector_load %arg8[%swap3A_292] {strides = array<i32>} : memref<128xi32, #tpu.memory_space<vmem>>, vector<16xi32>,
      tpu.vector_store %arg8[%swap3A_292], %select_n3A_291 {strides = array<i32>} : memref<128xi32, #tpu.memory_space<vmem>>, vector<16xi32>,
      %jit3A_294 = arith.constant 0 : i32
      %jit3A_295 = arith.constant 1 : i32
      %broadcast_in_dim3A_296 = vector.broadcast %jit3A_294 : i32 to vector<16xi32>
      %broadcast_in_dim3A_297 = vector.broadcast %jit3A_295 : i32 to vector<16xi32>
      %select_n3A_298 = arith.select %lt3A_290, %broadcast_in_dim3A_296, %broadcast_in_dim3A_297 : vector<16xi1>, vector<16xi32>
      %broadcast_in_dim3A_299 = arith.constant true
      %broadcast_in_dim3A_300 = vector.broadcast %broadcast_in_dim3A_299 : i1 to vector<16xi1>
      %masked_cumsum3A_301 = tpu.scan <sum>, %select_n3A_298 masked %broadcast_in_dim3A_300 : vector<16xi32>, vector<16xi1> -> vector<16xi32>
      %sub3A_302 = arith.subi %masked_cumsum3A_301, %select_n3A_298 : vector<16xi32>
      %add3A_303 = vector.broadcast %add3A_282 : i32 to vector<16xi32>
      %add3A_304 = arith.addi %sub3A_302, %add3A_303 : vector<16xi32>
      %shift_right_arithmetic3A_305 = arith.constant 7 : i32
      %shift_right_arithmetic3A_306 = vector.broadcast %shift_right_arithmetic3A_305 : i32 to vector<16xi32>
      %shift_right_arithmetic3A_307 = arith.shrsi %add3A_304, %shift_right_arithmetic3A_306 : vector<16xi32>
      %and3A_308 = arith.constant 127 : i32
      %and3A_309 = vector.broadcast %and3A_308 : i32 to vector<16xi32>
      %and3A_310 = arith.andi %add3A_304, %and3A_309 : vector<16xi32>
      %sub3A_311 = arith.constant 900000 : i32
      %sub3A_312 = vector.broadcast %sub3A_311 : i32 to vector<16xi32>
      %sub3A_313 = arith.subi %get3A_284, %sub3A_312 : vector<16xi32>
      %not3A_314 = arith.constant dense<true> : vector<16xi1>
      %not3A_315 = arith.xori %lt3A_290, %not3A_314 : vector<16xi1>
      tpu.vector_store_idx %arg11[%shift_right_arithmetic3A_307, %and3A_310], %sub3A_313 masked %not3A_315 : memref<3x128xi32, #tpu.memory_space<vmem>>[vector<16xi32>, vector<16xi32>], vector<16xi32>, vector<16xi1>
      %shift_right_arithmetic3A_316 = arith.constant 7 : i32
      %shift_right_arithmetic3A_317 = vector.broadcast %shift_right_arithmetic3A_316 : i32 to vector<16xi32>
      %shift_right_arithmetic3A_318 = arith.shrsi %add3A_304, %shift_right_arithmetic3A_317 : vector<16xi32>
      %and3A_319 = arith.constant 127 : i32
      %and3A_320 = vector.broadcast %and3A_319 : i32 to vector<16xi32>
      %and3A_321 = arith.andi %add3A_304, %and3A_320 : vector<16xi32>
      %not3A_322 = arith.constant dense<true> : vector<16xi1>
      %not3A_323 = arith.xori %lt3A_290, %not3A_322 : vector<16xi1>
      tpu.vector_store_idx %arg12[%shift_right_arithmetic3A_318, %and3A_321], %add3A_287 masked %not3A_323 : memref<3x128xi32, #tpu.memory_space<vmem>>[vector<16xi32>, vector<16xi32>], vector<16xi32>, vector<16xi1>
      %reduce_max3A_324 = arith.constant true
      %reduce_max3A_325 = vector.broadcast %reduce_max3A_324 : i1 to vector<16xi1>
      %reduce_max3A_326 = arith.constant -2147483648 : i32
      %reduce_max3A_327 = vector.broadcast %reduce_max3A_326 : i32 to vector<16xi32>
      %reduce_max3A_328 = arith.xori %masked_cumsum3A_301, %reduce_max3A_327 : vector<16xi32>
      %reduce_max3A_329 = tpu.scan <max>, %reduce_max3A_328 masked %reduce_max3A_325 : vector<16xi32>, vector<16xi1> -> vector<16xi32>
      %reduce_max3A_330 = arith.xori %reduce_max3A_329, %reduce_max3A_327 : vector<16xi32>
      %reduce_max3A_331 = vector.extract %reduce_max3A_330[15] : i32 from vector<16xi32>
      %add3A_332 = arith.addi %add3A_282, %reduce_max3A_331 : i32
      %get3A_333 = arith.constant 48 : index
      %get3A_334 = tpu.vector_load %arg6[%get3A_333] {strides = array<i32>} : memref<320xi32, #tpu.memory_space<vmem>>, vector<16xi32>,
      %add3A_335 = arith.constant 48 : i32
      %add3A_336 = vector.broadcast %add3A_335 : i32 to vector<16xi32>
      %add3A_337 = arith.addi %iota3A, %add3A_336 : vector<16xi32>
      %lt3A_338 = arith.constant 900000 : i32
      %lt3A_339 = vector.broadcast %lt3A_338 : i32 to vector<16xi32>
      %lt3A_340 = arith.cmpi slt, %get3A_334, %lt3A_339 : vector<16xi32>
      %select_n3A_341 = arith.select %lt3A_340, %get3A_334, %add3A_337 : vector<16xi1>, vector<16xi32>
      %swap3A_342 = arith.constant 48 : index
      %swap3A_343 = tpu.vector_load %arg8[%swap3A_342] {strides = array<i32>} : memref<128xi32, #tpu.memory_space<vmem>>, vector<16xi32>,
      tpu.vector_store %arg8[%swap3A_342], %select_n3A_341 {strides = array<i32>} : memref<128xi32, #tpu.memory_space<vmem>>, vector<16xi32>,
      %jit3A_344 = arith.constant 0 : i32
      %jit3A_345 = arith.constant 1 : i32
      %broadcast_in_dim3A_346 = vector.broadcast %jit3A_344 : i32 to vector<16xi32>
      %broadcast_in_dim3A_347 = vector.broadcast %jit3A_345 : i32 to vector<16xi32>
      %select_n3A_348 = arith.select %lt3A_340, %broadcast_in_dim3A_346, %broadcast_in_dim3A_347 : vector<16xi1>, vector<16xi32>
      %broadcast_in_dim3A_349 = arith.constant true
      %broadcast_in_dim3A_350 = vector.broadcast %broadcast_in_dim3A_349 : i1 to vector<16xi1>
      %masked_cumsum3A_351 = tpu.scan <sum>, %select_n3A_348 masked %broadcast_in_dim3A_350 : vector<16xi32>, vector<16xi1> -> vector<16xi32>
      %sub3A_352 = arith.subi %masked_cumsum3A_351, %select_n3A_348 : vector<16xi32>
      %add3A_353 = vector.broadcast %add3A_332 : i32 to vector<16xi32>
      %add3A_354 = arith.addi %sub3A_352, %add3A_353 : vector<16xi32>
      %shift_right_arithmetic3A_355 = arith.constant 7 : i32
      %shift_right_arithmetic3A_356 = vector.broadcast %shift_right_arithmetic3A_355 : i32 to vector<16xi32>
      %shift_right_arithmetic3A_357 = arith.shrsi %add3A_354, %shift_right_arithmetic3A_356 : vector<16xi32>
      %and3A_358 = arith.constant 127 : i32
      %and3A_359 = vector.broadcast %and3A_358 : i32 to vector<16xi32>
      %and3A_360 = arith.andi %add3A_354, %and3A_359 : vector<16xi32>
      %sub3A_361 = arith.constant 900000 : i32
      %sub3A_362 = vector.broadcast %sub3A_361 : i32 to vector<16xi32>
      %sub3A_363 = arith.subi %get3A_334, %sub3A_362 : vector<16xi32>
      %not3A_364 = arith.constant dense<true> : vector<16xi1>
      %not3A_365 = arith.xori %lt3A_340, %not3A_364 : vector<16xi1>
      tpu.vector_store_idx %arg11[%shift_right_arithmetic3A_357, %and3A_360], %sub3A_363 masked %not3A_365 : memref<3x128xi32, #tpu.memory_space<vmem>>[vector<16xi32>, vector<16xi32>], vector<16xi32>, vector<16xi1>
      %shift_right_arithmetic3A_366 = arith.constant 7 : i32
      %shift_right_arithmetic3A_367 = vector.broadcast %shift_right_arithmetic3A_366 : i32 to vector<16xi32>
      %shift_right_arithmetic3A_368 = arith.shrsi %add3A_354, %shift_right_arithmetic3A_367 : vector<16xi32>
      %and3A_369 = arith.constant 127 : i32
      %and3A_370 = vector.broadcast %and3A_369 : i32 to vector<16xi32>
      %and3A_371 = arith.andi %add3A_354, %and3A_370 : vector<16xi32>
      %not3A_372 = arith.constant dense<true> : vector<16xi1>
      %not3A_373 = arith.xori %lt3A_340, %not3A_372 : vector<16xi1>
      tpu.vector_store_idx %arg12[%shift_right_arithmetic3A_368, %and3A_371], %add3A_337 masked %not3A_373 : memref<3x128xi32, #tpu.memory_space<vmem>>[vector<16xi32>, vector<16xi32>], vector<16xi32>, vector<16xi1>
      %reduce_max3A_374 = arith.constant true
      %reduce_max3A_375 = vector.broadcast %reduce_max3A_374 : i1 to vector<16xi1>
      %reduce_max3A_376 = arith.constant -2147483648 : i32
      %reduce_max3A_377 = vector.broadcast %reduce_max3A_376 : i32 to vector<16xi32>
      %reduce_max3A_378 = arith.xori %masked_cumsum3A_351, %reduce_max3A_377 : vector<16xi32>
      %reduce_max3A_379 = tpu.scan <max>, %reduce_max3A_378 masked %reduce_max3A_375 : vector<16xi32>, vector<16xi1> -> vector<16xi32>
      %reduce_max3A_380 = arith.xori %reduce_max3A_379, %reduce_max3A_377 : vector<16xi32>
      %reduce_max3A_381 = vector.extract %reduce_max3A_380[15] : i32 from vector<16xi32>
      %add3A_382 = arith.addi %add3A_332, %reduce_max3A_381 : i32
      %get3A_383 = arith.constant 64 : index
      %get3A_384 = tpu.vector_load %arg6[%get3A_383] {strides = array<i32>} : memref<320xi32, #tpu.memory_space<vmem>>, vector<16xi32>,
      %add3A_385 = arith.constant 64 : i32
      %add3A_386 = vector.broadcast %add3A_385 : i32 to vector<16xi32>
      %add3A_387 = arith.addi %iota3A, %add3A_386 : vector<16xi32>
      %lt3A_388 = arith.constant 900000 : i32
      %lt3A_389 = vector.broadcast %lt3A_388 : i32 to vector<16xi32>
      %lt3A_390 = arith.cmpi slt, %get3A_384, %lt3A_389 : vector<16xi32>
      %select_n3A_391 = arith.select %lt3A_390, %get3A_384, %add3A_387 : vector<16xi1>, vector<16xi32>
      %swap3A_392 = arith.constant 64 : index
      %swap3A_393 = tpu.vector_load %arg8[%swap3A_392] {strides = array<i32>} : memref<128xi32, #tpu.memory_space<vmem>>, vector<16xi32>,
      tpu.vector_store %arg8[%swap3A_392], %select_n3A_391 {strides = array<i32>} : memref<128xi32, #tpu.memory_space<vmem>>, vector<16xi32>,
      %jit3A_394 = arith.constant 0 : i32
      %jit3A_395 = arith.constant 1 : i32
      %broadcast_in_dim3A_396 = vector.broadcast %jit3A_394 : i32 to vector<16xi32>
      %broadcast_in_dim3A_397 = vector.broadcast %jit3A_395 : i32 to vector<16xi32>
      %select_n3A_398 = arith.select %lt3A_390, %broadcast_in_dim3A_396, %broadcast_in_dim3A_397 : vector<16xi1>, vector<16xi32>
      %broadcast_in_dim3A_399 = arith.constant true
      %broadcast_in_dim3A_400 = vector.broadcast %broadcast_in_dim3A_399 : i1 to vector<16xi1>
      %masked_cumsum3A_401 = tpu.scan <sum>, %select_n3A_398 masked %broadcast_in_dim3A_400 : vector<16xi32>, vector<16xi1> -> vector<16xi32>
      %sub3A_402 = arith.subi %masked_cumsum3A_401, %select_n3A_398 : vector<16xi32>
      %add3A_403 = vector.broadcast %add3A_382 : i32 to vector<16xi32>
      %add3A_404 = arith.addi %sub3A_402, %add3A_403 : vector<16xi32>
      %shift_right_arithmetic3A_405 = arith.constant 7 : i32
      %shift_right_arithmetic3A_406 = vector.broadcast %shift_right_arithmetic3A_405 : i32 to vector<16xi32>
      %shift_right_arithmetic3A_407 = arith.shrsi %add3A_404, %shift_right_arithmetic3A_406 : vector<16xi32>
      %and3A_408 = arith.constant 127 : i32
      %and3A_409 = vector.broadcast %and3A_408 : i32 to vector<16xi32>
      %and3A_410 = arith.andi %add3A_404, %and3A_409 : vector<16xi32>
      %sub3A_411 = arith.constant 900000 : i32
      %sub3A_412 = vector.broadcast %sub3A_411 : i32 to vector<16xi32>
      %sub3A_413 = arith.subi %get3A_384, %sub3A_412 : vector<16xi32>
      %not3A_414 = arith.constant dense<true> : vector<16xi1>
      %not3A_415 = arith.xori %lt3A_390, %not3A_414 : vector<16xi1>
      tpu.vector_store_idx %arg11[%shift_right_arithmetic3A_407, %and3A_410], %sub3A_413 masked %not3A_415 : memref<3x128xi32, #tpu.memory_space<vmem>>[vector<16xi32>, vector<16xi32>], vector<16xi32>, vector<16xi1>
      %shift_right_arithmetic3A_416 = arith.constant 7 : i32
      %shift_right_arithmetic3A_417 = vector.broadcast %shift_right_arithmetic3A_416 : i32 to vector<16xi32>
      %shift_right_arithmetic3A_418 = arith.shrsi %add3A_404, %shift_right_arithmetic3A_417 : vector<16xi32>
      %and3A_419 = arith.constant 127 : i32
      %and3A_420 = vector.broadcast %and3A_419 : i32 to vector<16xi32>
      %and3A_421 = arith.andi %add3A_404, %and3A_420 : vector<16xi32>
      %not3A_422 = arith.constant dense<true> : vector<16xi1>
      %not3A_423 = arith.xori %lt3A_390, %not3A_422 : vector<16xi1>
      tpu.vector_store_idx %arg12[%shift_right_arithmetic3A_418, %and3A_421], %add3A_387 masked %not3A_423 : memref<3x128xi32, #tpu.memory_space<vmem>>[vector<16xi32>, vector<16xi32>], vector<16xi32>, vector<16xi1>
      %reduce_max3A_424 = arith.constant true
      %reduce_max3A_425 = vector.broadcast %reduce_max3A_424 : i1 to vector<16xi1>
      %reduce_max3A_426 = arith.constant -2147483648 : i32
      %reduce_max3A_427 = vector.broadcast %reduce_max3A_426 : i32 to vector<16xi32>
      %reduce_max3A_428 = arith.xori %masked_cumsum3A_401, %reduce_max3A_427 : vector<16xi32>
      %reduce_max3A_429 = tpu.scan <max>, %reduce_max3A_428 masked %reduce_max3A_425 : vector<16xi32>, vector<16xi1> -> vector<16xi32>
      %reduce_max3A_430 = arith.xori %reduce_max3A_429, %reduce_max3A_427 : vector<16xi32>
      %reduce_max3A_431 = vector.extract %reduce_max3A_430[15] : i32 from vector<16xi32>
      %add3A_432 = arith.addi %add3A_382, %reduce_max3A_431 : i32
      %get3A_433 = arith.constant 80 : index
      %get3A_434 = tpu.vector_load %arg6[%get3A_433] {strides = array<i32>} : memref<320xi32, #tpu.memory_space<vmem>>, vector<16xi32>,
      %add3A_435 = arith.constant 80 : i32
      %add3A_436 = vector.broadcast %add3A_435 : i32 to vector<16xi32>
      %add3A_437 = arith.addi %iota3A, %add3A_436 : vector<16xi32>
      %lt3A_438 = arith.constant 900000 : i32
      %lt3A_439 = vector.broadcast %lt3A_438 : i32 to vector<16xi32>
      %lt3A_440 = arith.cmpi slt, %get3A_434, %lt3A_439 : vector<16xi32>
      %select_n3A_441 = arith.select %lt3A_440, %get3A_434, %add3A_437 : vector<16xi1>, vector<16xi32>
      %swap3A_442 = arith.constant 80 : index
      %swap3A_443 = tpu.vector_load %arg8[%swap3A_442] {strides = array<i32>} : memref<128xi32, #tpu.memory_space<vmem>>, vector<16xi32>,
      tpu.vector_store %arg8[%swap3A_442], %select_n3A_441 {strides = array<i32>} : memref<128xi32, #tpu.memory_space<vmem>>, vector<16xi32>,
      %jit3A_444 = arith.constant 0 : i32
      %jit3A_445 = arith.constant 1 : i32
      %broadcast_in_dim3A_446 = vector.broadcast %jit3A_444 : i32 to vector<16xi32>
      %broadcast_in_dim3A_447 = vector.broadcast %jit3A_445 : i32 to vector<16xi32>
      %select_n3A_448 = arith.select %lt3A_440, %broadcast_in_dim3A_446, %broadcast_in_dim3A_447 : vector<16xi1>, vector<16xi32>
      %broadcast_in_dim3A_449 = arith.constant true
      %broadcast_in_dim3A_450 = vector.broadcast %broadcast_in_dim3A_449 : i1 to vector<16xi1>
      %masked_cumsum3A_451 = tpu.scan <sum>, %select_n3A_448 masked %broadcast_in_dim3A_450 : vector<16xi32>, vector<16xi1> -> vector<16xi32>
      %sub3A_452 = arith.subi %masked_cumsum3A_451, %select_n3A_448 : vector<16xi32>
      %add3A_453 = vector.broadcast %add3A_432 : i32 to vector<16xi32>
      %add3A_454 = arith.addi %sub3A_452, %add3A_453 : vector<16xi32>
      %shift_right_arithmetic3A_455 = arith.constant 7 : i32
      %shift_right_arithmetic3A_456 = vector.broadcast %shift_right_arithmetic3A_455 : i32 to vector<16xi32>
      %shift_right_arithmetic3A_457 = arith.shrsi %add3A_454, %shift_right_arithmetic3A_456 : vector<16xi32>
      %and3A_458 = arith.constant 127 : i32
      %and3A_459 = vector.broadcast %and3A_458 : i32 to vector<16xi32>
      %and3A_460 = arith.andi %add3A_454, %and3A_459 : vector<16xi32>
      %sub3A_461 = arith.constant 900000 : i32
      %sub3A_462 = vector.broadcast %sub3A_461 : i32 to vector<16xi32>
      %sub3A_463 = arith.subi %get3A_434, %sub3A_462 : vector<16xi32>
      %not3A_464 = arith.constant dense<true> : vector<16xi1>
      %not3A_465 = arith.xori %lt3A_440, %not3A_464 : vector<16xi1>
      tpu.vector_store_idx %arg11[%shift_right_arithmetic3A_457, %and3A_460], %sub3A_463 masked %not3A_465 : memref<3x128xi32, #tpu.memory_space<vmem>>[vector<16xi32>, vector<16xi32>], vector<16xi32>, vector<16xi1>
      %shift_right_arithmetic3A_466 = arith.constant 7 : i32
      %shift_right_arithmetic3A_467 = vector.broadcast %shift_right_arithmetic3A_466 : i32 to vector<16xi32>
      %shift_right_arithmetic3A_468 = arith.shrsi %add3A_454, %shift_right_arithmetic3A_467 : vector<16xi32>
      %and3A_469 = arith.constant 127 : i32
      %and3A_470 = vector.broadcast %and3A_469 : i32 to vector<16xi32>
      %and3A_471 = arith.andi %add3A_454, %and3A_470 : vector<16xi32>
      %not3A_472 = arith.constant dense<true> : vector<16xi1>
      %not3A_473 = arith.xori %lt3A_440, %not3A_472 : vector<16xi1>
      tpu.vector_store_idx %arg12[%shift_right_arithmetic3A_468, %and3A_471], %add3A_437 masked %not3A_473 : memref<3x128xi32, #tpu.memory_space<vmem>>[vector<16xi32>, vector<16xi32>], vector<16xi32>, vector<16xi1>
      %reduce_max3A_474 = arith.constant true
      %reduce_max3A_475 = vector.broadcast %reduce_max3A_474 : i1 to vector<16xi1>
      %reduce_max3A_476 = arith.constant -2147483648 : i32
      %reduce_max3A_477 = vector.broadcast %reduce_max3A_476 : i32 to vector<16xi32>
      %reduce_max3A_478 = arith.xori %masked_cumsum3A_451, %reduce_max3A_477 : vector<16xi32>
      %reduce_max3A_479 = tpu.scan <max>, %reduce_max3A_478 masked %reduce_max3A_475 : vector<16xi32>, vector<16xi1> -> vector<16xi32>
      %reduce_max3A_480 = arith.xori %reduce_max3A_479, %reduce_max3A_477 : vector<16xi32>
      %reduce_max3A_481 = vector.extract %reduce_max3A_480[15] : i32 from vector<16xi32>
      %add3A_482 = arith.addi %add3A_432, %reduce_max3A_481 : i32
      %get3A_483 = arith.constant 96 : index
      %get3A_484 = tpu.vector_load %arg6[%get3A_483] {strides = array<i32>} : memref<320xi32, #tpu.memory_space<vmem>>, vector<16xi32>,
      %add3A_485 = arith.constant 96 : i32
      %add3A_486 = vector.broadcast %add3A_485 : i32 to vector<16xi32>
      %add3A_487 = arith.addi %iota3A, %add3A_486 : vector<16xi32>
      %lt3A_488 = arith.constant 900000 : i32
      %lt3A_489 = vector.broadcast %lt3A_488 : i32 to vector<16xi32>
      %lt3A_490 = arith.cmpi slt, %get3A_484, %lt3A_489 : vector<16xi32>
      %select_n3A_491 = arith.select %lt3A_490, %get3A_484, %add3A_487 : vector<16xi1>, vector<16xi32>
      %swap3A_492 = arith.constant 96 : index
      %swap3A_493 = tpu.vector_load %arg8[%swap3A_492] {strides = array<i32>} : memref<128xi32, #tpu.memory_space<vmem>>, vector<16xi32>,
      tpu.vector_store %arg8[%swap3A_492], %select_n3A_491 {strides = array<i32>} : memref<128xi32, #tpu.memory_space<vmem>>, vector<16xi32>,
      %jit3A_494 = arith.constant 0 : i32
      %jit3A_495 = arith.constant 1 : i32
      %broadcast_in_dim3A_496 = vector.broadcast %jit3A_494 : i32 to vector<16xi32>
      %broadcast_in_dim3A_497 = vector.broadcast %jit3A_495 : i32 to vector<16xi32>
      %select_n3A_498 = arith.select %lt3A_490, %broadcast_in_dim3A_496, %broadcast_in_dim3A_497 : vector<16xi1>, vector<16xi32>
      %broadcast_in_dim3A_499 = arith.constant true
      %broadcast_in_dim3A_500 = vector.broadcast %broadcast_in_dim3A_499 : i1 to vector<16xi1>
      %masked_cumsum3A_501 = tpu.scan <sum>, %select_n3A_498 masked %broadcast_in_dim3A_500 : vector<16xi32>, vector<16xi1> -> vector<16xi32>
      %sub3A_502 = arith.subi %masked_cumsum3A_501, %select_n3A_498 : vector<16xi32>
      %add3A_503 = vector.broadcast %add3A_482 : i32 to vector<16xi32>
      %add3A_504 = arith.addi %sub3A_502, %add3A_503 : vector<16xi32>
      %shift_right_arithmetic3A_505 = arith.constant 7 : i32
      %shift_right_arithmetic3A_506 = vector.broadcast %shift_right_arithmetic3A_505 : i32 to vector<16xi32>
      %shift_right_arithmetic3A_507 = arith.shrsi %add3A_504, %shift_right_arithmetic3A_506 : vector<16xi32>
      %and3A_508 = arith.constant 127 : i32
      %and3A_509 = vector.broadcast %and3A_508 : i32 to vector<16xi32>
      %and3A_510 = arith.andi %add3A_504, %and3A_509 : vector<16xi32>
      %sub3A_511 = arith.constant 900000 : i32
      %sub3A_512 = vector.broadcast %sub3A_511 : i32 to vector<16xi32>
      %sub3A_513 = arith.subi %get3A_484, %sub3A_512 : vector<16xi32>
      %not3A_514 = arith.constant dense<true> : vector<16xi1>
      %not3A_515 = arith.xori %lt3A_490, %not3A_514 : vector<16xi1>
      tpu.vector_store_idx %arg11[%shift_right_arithmetic3A_507, %and3A_510], %sub3A_513 masked %not3A_515 : memref<3x128xi32, #tpu.memory_space<vmem>>[vector<16xi32>, vector<16xi32>], vector<16xi32>, vector<16xi1>
      %shift_right_arithmetic3A_516 = arith.constant 7 : i32
      %shift_right_arithmetic3A_517 = vector.broadcast %shift_right_arithmetic3A_516 : i32 to vector<16xi32>
      %shift_right_arithmetic3A_518 = arith.shrsi %add3A_504, %shift_right_arithmetic3A_517 : vector<16xi32>
      %and3A_519 = arith.constant 127 : i32
      %and3A_520 = vector.broadcast %and3A_519 : i32 to vector<16xi32>
      %and3A_521 = arith.andi %add3A_504, %and3A_520 : vector<16xi32>
      %not3A_522 = arith.constant dense<true> : vector<16xi1>
      %not3A_523 = arith.xori %lt3A_490, %not3A_522 : vector<16xi1>
      tpu.vector_store_idx %arg12[%shift_right_arithmetic3A_518, %and3A_521], %add3A_487 masked %not3A_523 : memref<3x128xi32, #tpu.memory_space<vmem>>[vector<16xi32>, vector<16xi32>], vector<16xi32>, vector<16xi1>
      %reduce_max3A_524 = arith.constant true
      %reduce_max3A_525 = vector.broadcast %reduce_max3A_524 : i1 to vector<16xi1>
      %reduce_max3A_526 = arith.constant -2147483648 : i32
      %reduce_max3A_527 = vector.broadcast %reduce_max3A_526 : i32 to vector<16xi32>
      %reduce_max3A_528 = arith.xori %masked_cumsum3A_501, %reduce_max3A_527 : vector<16xi32>
      %reduce_max3A_529 = tpu.scan <max>, %reduce_max3A_528 masked %reduce_max3A_525 : vector<16xi32>, vector<16xi1> -> vector<16xi32>
      %reduce_max3A_530 = arith.xori %reduce_max3A_529, %reduce_max3A_527 : vector<16xi32>
      %reduce_max3A_531 = vector.extract %reduce_max3A_530[15] : i32 from vector<16xi32>
      %add3A_532 = arith.addi %add3A_482, %reduce_max3A_531 : i32
      %get3A_533 = arith.constant 112 : index
      %get3A_534 = tpu.vector_load %arg6[%get3A_533] {strides = array<i32>} : memref<320xi32, #tpu.memory_space<vmem>>, vector<16xi32>,
      %add3A_535 = arith.constant 112 : i32
      %add3A_536 = vector.broadcast %add3A_535 : i32 to vector<16xi32>
      %add3A_537 = arith.addi %iota3A, %add3A_536 : vector<16xi32>
      %lt3A_538 = arith.constant 900000 : i32
      %lt3A_539 = vector.broadcast %lt3A_538 : i32 to vector<16xi32>
      %lt3A_540 = arith.cmpi slt, %get3A_534, %lt3A_539 : vector<16xi32>
      %select_n3A_541 = arith.select %lt3A_540, %get3A_534, %add3A_537 : vector<16xi1>, vector<16xi32>
      %swap3A_542 = arith.constant 112 : index
      %swap3A_543 = tpu.vector_load %arg8[%swap3A_542] {strides = array<i32>} : memref<128xi32, #tpu.memory_space<vmem>>, vector<16xi32>,
      tpu.vector_store %arg8[%swap3A_542], %select_n3A_541 {strides = array<i32>} : memref<128xi32, #tpu.memory_space<vmem>>, vector<16xi32>,
      %jit3A_544 = arith.constant 0 : i32
      %jit3A_545 = arith.constant 1 : i32
      %broadcast_in_dim3A_546 = vector.broadcast %jit3A_544 : i32 to vector<16xi32>
      %broadcast_in_dim3A_547 = vector.broadcast %jit3A_545 : i32 to vector<16xi32>
      %select_n3A_548 = arith.select %lt3A_540, %broadcast_in_dim3A_546, %broadcast_in_dim3A_547 : vector<16xi1>, vector<16xi32>
      %broadcast_in_dim3A_549 = arith.constant true
      %broadcast_in_dim3A_550 = vector.broadcast %broadcast_in_dim3A_549 : i1 to vector<16xi1>
      %masked_cumsum3A_551 = tpu.scan <sum>, %select_n3A_548 masked %broadcast_in_dim3A_550 : vector<16xi32>, vector<16xi1> -> vector<16xi32>
      %sub3A_552 = arith.subi %masked_cumsum3A_551, %select_n3A_548 : vector<16xi32>
      %add3A_553 = vector.broadcast %add3A_532 : i32 to vector<16xi32>
      %add3A_554 = arith.addi %sub3A_552, %add3A_553 : vector<16xi32>
      %shift_right_arithmetic3A_555 = arith.constant 7 : i32
      %shift_right_arithmetic3A_556 = vector.broadcast %shift_right_arithmetic3A_555 : i32 to vector<16xi32>
      %shift_right_arithmetic3A_557 = arith.shrsi %add3A_554, %shift_right_arithmetic3A_556 : vector<16xi32>
      %and3A_558 = arith.constant 127 : i32
      %and3A_559 = vector.broadcast %and3A_558 : i32 to vector<16xi32>
      %and3A_560 = arith.andi %add3A_554, %and3A_559 : vector<16xi32>
      %sub3A_561 = arith.constant 900000 : i32
      %sub3A_562 = vector.broadcast %sub3A_561 : i32 to vector<16xi32>
      %sub3A_563 = arith.subi %get3A_534, %sub3A_562 : vector<16xi32>
      %not3A_564 = arith.constant dense<true> : vector<16xi1>
      %not3A_565 = arith.xori %lt3A_540, %not3A_564 : vector<16xi1>
      tpu.vector_store_idx %arg11[%shift_right_arithmetic3A_557, %and3A_560], %sub3A_563 masked %not3A_565 : memref<3x128xi32, #tpu.memory_space<vmem>>[vector<16xi32>, vector<16xi32>], vector<16xi32>, vector<16xi1>
      %shift_right_arithmetic3A_566 = arith.constant 7 : i32
      %shift_right_arithmetic3A_567 = vector.broadcast %shift_right_arithmetic3A_566 : i32 to vector<16xi32>
      %shift_right_arithmetic3A_568 = arith.shrsi %add3A_554, %shift_right_arithmetic3A_567 : vector<16xi32>
      %and3A_569 = arith.constant 127 : i32
      %and3A_570 = vector.broadcast %and3A_569 : i32 to vector<16xi32>
      %and3A_571 = arith.andi %add3A_554, %and3A_570 : vector<16xi32>
      %not3A_572 = arith.constant dense<true> : vector<16xi1>
      %not3A_573 = arith.xori %lt3A_540, %not3A_572 : vector<16xi1>
      tpu.vector_store_idx %arg12[%shift_right_arithmetic3A_568, %and3A_571], %add3A_537 masked %not3A_573 : memref<3x128xi32, #tpu.memory_space<vmem>>[vector<16xi32>, vector<16xi32>], vector<16xi32>, vector<16xi1>
      %reduce_max3A_574 = arith.constant true
      %reduce_max3A_575 = vector.broadcast %reduce_max3A_574 : i1 to vector<16xi1>
      %reduce_max3A_576 = arith.constant -2147483648 : i32
      %reduce_max3A_577 = vector.broadcast %reduce_max3A_576 : i32 to vector<16xi32>
      %reduce_max3A_578 = arith.xori %masked_cumsum3A_551, %reduce_max3A_577 : vector<16xi32>
      %reduce_max3A_579 = tpu.scan <max>, %reduce_max3A_578 masked %reduce_max3A_575 : vector<16xi32>, vector<16xi1> -> vector<16xi32>
      %reduce_max3A_580 = arith.xori %reduce_max3A_579, %reduce_max3A_577 : vector<16xi32>
      %reduce_max3A_581 = vector.extract %reduce_max3A_580[15] : i32 from vector<16xi32>
      %add3A_582 = arith.addi %add3A_532, %reduce_max3A_581 : i32
      %get3A_583 = arith.constant 128 : index
      %get3A_584 = tpu.vector_load %arg6[%get3A_583] {strides = array<i32>} : memref<320xi32, #tpu.memory_space<vmem>>, vector<16xi32>,
      %add3A_585 = arith.constant 128 : i32
      %add3A_586 = vector.broadcast %add3A_585 : i32 to vector<16xi32>
      %add3A_587 = arith.addi %iota3A, %add3A_586 : vector<16xi32>
      %lt3A_588 = arith.constant 900000 : i32
      %lt3A_589 = vector.broadcast %lt3A_588 : i32 to vector<16xi32>
      %lt3A_590 = arith.cmpi slt, %get3A_584, %lt3A_589 : vector<16xi32>
      %select_n3A_591 = arith.select %lt3A_590, %get3A_584, %add3A_587 : vector<16xi1>, vector<16xi32>
      %swap3A_592 = arith.constant 0 : index
      %swap3A_593 = tpu.vector_load %arg9[%swap3A_592] {strides = array<i32>} : memref<128xi32, #tpu.memory_space<vmem>>, vector<16xi32>,
      tpu.vector_store %arg9[%swap3A_592], %select_n3A_591 {strides = array<i32>} : memref<128xi32, #tpu.memory_space<vmem>>, vector<16xi32>,
      %jit3A_594 = arith.constant 0 : i32
      %jit3A_595 = arith.constant 1 : i32
      %broadcast_in_dim3A_596 = vector.broadcast %jit3A_594 : i32 to vector<16xi32>
      %broadcast_in_dim3A_597 = vector.broadcast %jit3A_595 : i32 to vector<16xi32>
      %select_n3A_598 = arith.select %lt3A_590, %broadcast_in_dim3A_596, %broadcast_in_dim3A_597 : vector<16xi1>, vector<16xi32>
      %broadcast_in_dim3A_599 = arith.constant true
      %broadcast_in_dim3A_600 = vector.broadcast %broadcast_in_dim3A_599 : i1 to vector<16xi1>
      %masked_cumsum3A_601 = tpu.scan <sum>, %select_n3A_598 masked %broadcast_in_dim3A_600 : vector<16xi32>, vector<16xi1> -> vector<16xi32>
      %sub3A_602 = arith.subi %masked_cumsum3A_601, %select_n3A_598 : vector<16xi32>
      %add3A_603 = vector.broadcast %add3A_582 : i32 to vector<16xi32>
      %add3A_604 = arith.addi %sub3A_602, %add3A_603 : vector<16xi32>
      %shift_right_arithmetic3A_605 = arith.constant 7 : i32
      %shift_right_arithmetic3A_606 = vector.broadcast %shift_right_arithmetic3A_605 : i32 to vector<16xi32>
      %shift_right_arithmetic3A_607 = arith.shrsi %add3A_604, %shift_right_arithmetic3A_606 : vector<16xi32>
      %and3A_608 = arith.constant 127 : i32
      %and3A_609 = vector.broadcast %and3A_608 : i32 to vector<16xi32>
      %and3A_610 = arith.andi %add3A_604, %and3A_609 : vector<16xi32>
      %sub3A_611 = arith.constant 900000 : i32
      %sub3A_612 = vector.broadcast %sub3A_611 : i32 to vector<16xi32>
      %sub3A_613 = arith.subi %get3A_584, %sub3A_612 : vector<16xi32>
      %not3A_614 = arith.constant dense<true> : vector<16xi1>
      %not3A_615 = arith.xori %lt3A_590, %not3A_614 : vector<16xi1>
      tpu.vector_store_idx %arg11[%shift_right_arithmetic3A_607, %and3A_610], %sub3A_613 masked %not3A_615 : memref<3x128xi32, #tpu.memory_space<vmem>>[vector<16xi32>, vector<16xi32>], vector<16xi32>, vector<16xi1>
      %shift_right_arithmetic3A_616 = arith.constant 7 : i32
      %shift_right_arithmetic3A_617 = vector.broadcast %shift_right_arithmetic3A_616 : i32 to vector<16xi32>
      %shift_right_arithmetic3A_618 = arith.shrsi %add3A_604, %shift_right_arithmetic3A_617 : vector<16xi32>
      %and3A_619 = arith.constant 127 : i32
      %and3A_620 = vector.broadcast %and3A_619 : i32 to vector<16xi32>
      %and3A_621 = arith.andi %add3A_604, %and3A_620 : vector<16xi32>
      %not3A_622 = arith.constant dense<true> : vector<16xi1>
      %not3A_623 = arith.xori %lt3A_590, %not3A_622 : vector<16xi1>
      tpu.vector_store_idx %arg12[%shift_right_arithmetic3A_618, %and3A_621], %add3A_587 masked %not3A_623 : memref<3x128xi32, #tpu.memory_space<vmem>>[vector<16xi32>, vector<16xi32>], vector<16xi32>, vector<16xi1>
      %reduce_max3A_624 = arith.constant true
      %reduce_max3A_625 = vector.broadcast %reduce_max3A_624 : i1 to vector<16xi1>
      %reduce_max3A_626 = arith.constant -2147483648 : i32
      %reduce_max3A_627 = vector.broadcast %reduce_max3A_626 : i32 to vector<16xi32>
      %reduce_max3A_628 = arith.xori %masked_cumsum3A_601, %reduce_max3A_627 : vector<16xi32>
      %reduce_max3A_629 = tpu.scan <max>, %reduce_max3A_628 masked %reduce_max3A_625 : vector<16xi32>, vector<16xi1> -> vector<16xi32>
      %reduce_max3A_630 = arith.xori %reduce_max3A_629, %reduce_max3A_627 : vector<16xi32>
      %reduce_max3A_631 = vector.extract %reduce_max3A_630[15] : i32 from vector<16xi32>
      %add3A_632 = arith.addi %add3A_582, %reduce_max3A_631 : i32
      %get3A_633 = arith.constant 144 : index
      %get3A_634 = tpu.vector_load %arg6[%get3A_633] {strides = array<i32>} : memref<320xi32, #tpu.memory_space<vmem>>, vector<16xi32>,
      %add3A_635 = arith.constant 144 : i32
      %add3A_636 = vector.broadcast %add3A_635 : i32 to vector<16xi32>
      %add3A_637 = arith.addi %iota3A, %add3A_636 : vector<16xi32>
      %lt3A_638 = arith.constant 900000 : i32
      %lt3A_639 = vector.broadcast %lt3A_638 : i32 to vector<16xi32>
      %lt3A_640 = arith.cmpi slt, %get3A_634, %lt3A_639 : vector<16xi32>
      %select_n3A_641 = arith.select %lt3A_640, %get3A_634, %add3A_637 : vector<16xi1>, vector<16xi32>
      %swap3A_642 = arith.constant 16 : index
      %swap3A_643 = tpu.vector_load %arg9[%swap3A_642] {strides = array<i32>} : memref<128xi32, #tpu.memory_space<vmem>>, vector<16xi32>,
      tpu.vector_store %arg9[%swap3A_642], %select_n3A_641 {strides = array<i32>} : memref<128xi32, #tpu.memory_space<vmem>>, vector<16xi32>,
      %jit3A_644 = arith.constant 0 : i32
      %jit3A_645 = arith.constant 1 : i32
      %broadcast_in_dim3A_646 = vector.broadcast %jit3A_644 : i32 to vector<16xi32>
      %broadcast_in_dim3A_647 = vector.broadcast %jit3A_645 : i32 to vector<16xi32>
      %select_n3A_648 = arith.select %lt3A_640, %broadcast_in_dim3A_646, %broadcast_in_dim3A_647 : vector<16xi1>, vector<16xi32>
      %broadcast_in_dim3A_649 = arith.constant true
      %broadcast_in_dim3A_650 = vector.broadcast %broadcast_in_dim3A_649 : i1 to vector<16xi1>
      %masked_cumsum3A_651 = tpu.scan <sum>, %select_n3A_648 masked %broadcast_in_dim3A_650 : vector<16xi32>, vector<16xi1> -> vector<16xi32>
      %sub3A_652 = arith.subi %masked_cumsum3A_651, %select_n3A_648 : vector<16xi32>
      %add3A_653 = vector.broadcast %add3A_632 : i32 to vector<16xi32>
      %add3A_654 = arith.addi %sub3A_652, %add3A_653 : vector<16xi32>
      %shift_right_arithmetic3A_655 = arith.constant 7 : i32
      %shift_right_arithmetic3A_656 = vector.broadcast %shift_right_arithmetic3A_655 : i32 to vector<16xi32>
      %shift_right_arithmetic3A_657 = arith.shrsi %add3A_654, %shift_right_arithmetic3A_656 : vector<16xi32>
      %and3A_658 = arith.constant 127 : i32
      %and3A_659 = vector.broadcast %and3A_658 : i32 to vector<16xi32>
      %and3A_660 = arith.andi %add3A_654, %and3A_659 : vector<16xi32>
      %sub3A_661 = arith.constant 900000 : i32
      %sub3A_662 = vector.broadcast %sub3A_661 : i32 to vector<16xi32>
      %sub3A_663 = arith.subi %get3A_634, %sub3A_662 : vector<16xi32>
      %not3A_664 = arith.constant dense<true> : vector<16xi1>
      %not3A_665 = arith.xori %lt3A_640, %not3A_664 : vector<16xi1>
      tpu.vector_store_idx %arg11[%shift_right_arithmetic3A_657, %and3A_660], %sub3A_663 masked %not3A_665 : memref<3x128xi32, #tpu.memory_space<vmem>>[vector<16xi32>, vector<16xi32>], vector<16xi32>, vector<16xi1>
      %shift_right_arithmetic3A_666 = arith.constant 7 : i32
      %shift_right_arithmetic3A_667 = vector.broadcast %shift_right_arithmetic3A_666 : i32 to vector<16xi32>
      %shift_right_arithmetic3A_668 = arith.shrsi %add3A_654, %shift_right_arithmetic3A_667 : vector<16xi32>
      %and3A_669 = arith.constant 127 : i32
      %and3A_670 = vector.broadcast %and3A_669 : i32 to vector<16xi32>
      %and3A_671 = arith.andi %add3A_654, %and3A_670 : vector<16xi32>
      %not3A_672 = arith.constant dense<true> : vector<16xi1>
      %not3A_673 = arith.xori %lt3A_640, %not3A_672 : vector<16xi1>
      tpu.vector_store_idx %arg12[%shift_right_arithmetic3A_668, %and3A_671], %add3A_637 masked %not3A_673 : memref<3x128xi32, #tpu.memory_space<vmem>>[vector<16xi32>, vector<16xi32>], vector<16xi32>, vector<16xi1>
      %reduce_max3A_674 = arith.constant true
      %reduce_max3A_675 = vector.broadcast %reduce_max3A_674 : i1 to vector<16xi1>
      %reduce_max3A_676 = arith.constant -2147483648 : i32
      %reduce_max3A_677 = vector.broadcast %reduce_max3A_676 : i32 to vector<16xi32>
      %reduce_max3A_678 = arith.xori %masked_cumsum3A_651, %reduce_max3A_677 : vector<16xi32>
      %reduce_max3A_679 = tpu.scan <max>, %reduce_max3A_678 masked %reduce_max3A_675 : vector<16xi32>, vector<16xi1> -> vector<16xi32>
      %reduce_max3A_680 = arith.xori %reduce_max3A_679, %reduce_max3A_677 : vector<16xi32>
      %reduce_max3A_681 = vector.extract %reduce_max3A_680[15] : i32 from vector<16xi32>
      %add3A_682 = arith.addi %add3A_632, %reduce_max3A_681 : i32
      %get3A_683 = arith.constant 160 : index
      %get3A_684 = tpu.vector_load %arg6[%get3A_683] {strides = array<i32>} : memref<320xi32, #tpu.memory_space<vmem>>, vector<16xi32>,
      %add3A_685 = arith.constant 160 : i32
      %add3A_686 = vector.broadcast %add3A_685 : i32 to vector<16xi32>
      %add3A_687 = arith.addi %iota3A, %add3A_686 : vector<16xi32>
      %lt3A_688 = arith.constant 900000 : i32
      %lt3A_689 = vector.broadcast %lt3A_688 : i32 to vector<16xi32>
      %lt3A_690 = arith.cmpi slt, %get3A_684, %lt3A_689 : vector<16xi32>
      %select_n3A_691 = arith.select %lt3A_690, %get3A_684, %add3A_687 : vector<16xi1>, vector<16xi32>
      %swap3A_692 = arith.constant 32 : index
      %swap3A_693 = tpu.vector_load %arg9[%swap3A_692] {strides = array<i32>} : memref<128xi32, #tpu.memory_space<vmem>>, vector<16xi32>,
      tpu.vector_store %arg9[%swap3A_692], %select_n3A_691 {strides = array<i32>} : memref<128xi32, #tpu.memory_space<vmem>>, vector<16xi32>,
      %jit3A_694 = arith.constant 0 : i32
      %jit3A_695 = arith.constant 1 : i32
      %broadcast_in_dim3A_696 = vector.broadcast %jit3A_694 : i32 to vector<16xi32>
      %broadcast_in_dim3A_697 = vector.broadcast %jit3A_695 : i32 to vector<16xi32>
      %select_n3A_698 = arith.select %lt3A_690, %broadcast_in_dim3A_696, %broadcast_in_dim3A_697 : vector<16xi1>, vector<16xi32>
      %broadcast_in_dim3A_699 = arith.constant true
      %broadcast_in_dim3A_700 = vector.broadcast %broadcast_in_dim3A_699 : i1 to vector<16xi1>
      %masked_cumsum3A_701 = tpu.scan <sum>, %select_n3A_698 masked %broadcast_in_dim3A_700 : vector<16xi32>, vector<16xi1> -> vector<16xi32>
      %sub3A_702 = arith.subi %masked_cumsum3A_701, %select_n3A_698 : vector<16xi32>
      %add3A_703 = vector.broadcast %add3A_682 : i32 to vector<16xi32>
      %add3A_704 = arith.addi %sub3A_702, %add3A_703 : vector<16xi32>
      %shift_right_arithmetic3A_705 = arith.constant 7 : i32
      %shift_right_arithmetic3A_706 = vector.broadcast %shift_right_arithmetic3A_705 : i32 to vector<16xi32>
      %shift_right_arithmetic3A_707 = arith.shrsi %add3A_704, %shift_right_arithmetic3A_706 : vector<16xi32>
      %and3A_708 = arith.constant 127 : i32
      %and3A_709 = vector.broadcast %and3A_708 : i32 to vector<16xi32>
      %and3A_710 = arith.andi %add3A_704, %and3A_709 : vector<16xi32>
      %sub3A_711 = arith.constant 900000 : i32
      %sub3A_712 = vector.broadcast %sub3A_711 : i32 to vector<16xi32>
      %sub3A_713 = arith.subi %get3A_684, %sub3A_712 : vector<16xi32>
      %not3A_714 = arith.constant dense<true> : vector<16xi1>
      %not3A_715 = arith.xori %lt3A_690, %not3A_714 : vector<16xi1>
      tpu.vector_store_idx %arg11[%shift_right_arithmetic3A_707, %and3A_710], %sub3A_713 masked %not3A_715 : memref<3x128xi32, #tpu.memory_space<vmem>>[vector<16xi32>, vector<16xi32>], vector<16xi32>, vector<16xi1>
      %shift_right_arithmetic3A_716 = arith.constant 7 : i32
      %shift_right_arithmetic3A_717 = vector.broadcast %shift_right_arithmetic3A_716 : i32 to vector<16xi32>
      %shift_right_arithmetic3A_718 = arith.shrsi %add3A_704, %shift_right_arithmetic3A_717 : vector<16xi32>
      %and3A_719 = arith.constant 127 : i32
      %and3A_720 = vector.broadcast %and3A_719 : i32 to vector<16xi32>
      %and3A_721 = arith.andi %add3A_704, %and3A_720 : vector<16xi32>
      %not3A_722 = arith.constant dense<true> : vector<16xi1>
      %not3A_723 = arith.xori %lt3A_690, %not3A_722 : vector<16xi1>
      tpu.vector_store_idx %arg12[%shift_right_arithmetic3A_718, %and3A_721], %add3A_687 masked %not3A_723 : memref<3x128xi32, #tpu.memory_space<vmem>>[vector<16xi32>, vector<16xi32>], vector<16xi32>, vector<16xi1>
      %reduce_max3A_724 = arith.constant true
      %reduce_max3A_725 = vector.broadcast %reduce_max3A_724 : i1 to vector<16xi1>
      %reduce_max3A_726 = arith.constant -2147483648 : i32
      %reduce_max3A_727 = vector.broadcast %reduce_max3A_726 : i32 to vector<16xi32>
      %reduce_max3A_728 = arith.xori %masked_cumsum3A_701, %reduce_max3A_727 : vector<16xi32>
      %reduce_max3A_729 = tpu.scan <max>, %reduce_max3A_728 masked %reduce_max3A_725 : vector<16xi32>, vector<16xi1> -> vector<16xi32>
      %reduce_max3A_730 = arith.xori %reduce_max3A_729, %reduce_max3A_727 : vector<16xi32>
      %reduce_max3A_731 = vector.extract %reduce_max3A_730[15] : i32 from vector<16xi32>
      %add3A_732 = arith.addi %add3A_682, %reduce_max3A_731 : i32
      %get3A_733 = arith.constant 176 : index
      %get3A_734 = tpu.vector_load %arg6[%get3A_733] {strides = array<i32>} : memref<320xi32, #tpu.memory_space<vmem>>, vector<16xi32>,
      %add3A_735 = arith.constant 176 : i32
      %add3A_736 = vector.broadcast %add3A_735 : i32 to vector<16xi32>
      %add3A_737 = arith.addi %iota3A, %add3A_736 : vector<16xi32>
      %lt3A_738 = arith.constant 900000 : i32
      %lt3A_739 = vector.broadcast %lt3A_738 : i32 to vector<16xi32>
      %lt3A_740 = arith.cmpi slt, %get3A_734, %lt3A_739 : vector<16xi32>
      %select_n3A_741 = arith.select %lt3A_740, %get3A_734, %add3A_737 : vector<16xi1>, vector<16xi32>
      %swap3A_742 = arith.constant 48 : index
      %swap3A_743 = tpu.vector_load %arg9[%swap3A_742] {strides = array<i32>} : memref<128xi32, #tpu.memory_space<vmem>>, vector<16xi32>,
      tpu.vector_store %arg9[%swap3A_742], %select_n3A_741 {strides = array<i32>} : memref<128xi32, #tpu.memory_space<vmem>>, vector<16xi32>,
      %jit3A_744 = arith.constant 0 : i32
      %jit3A_745 = arith.constant 1 : i32
      %broadcast_in_dim3A_746 = vector.broadcast %jit3A_744 : i32 to vector<16xi32>
      %broadcast_in_dim3A_747 = vector.broadcast %jit3A_745 : i32 to vector<16xi32>
      %select_n3A_748 = arith.select %lt3A_740, %broadcast_in_dim3A_746, %broadcast_in_dim3A_747 : vector<16xi1>, vector<16xi32>
      %broadcast_in_dim3A_749 = arith.constant true
      %broadcast_in_dim3A_750 = vector.broadcast %broadcast_in_dim3A_749 : i1 to vector<16xi1>
      %masked_cumsum3A_751 = tpu.scan <sum>, %select_n3A_748 masked %broadcast_in_dim3A_750 : vector<16xi32>, vector<16xi1> -> vector<16xi32>
      %sub3A_752 = arith.subi %masked_cumsum3A_751, %select_n3A_748 : vector<16xi32>
      %add3A_753 = vector.broadcast %add3A_732 : i32 to vector<16xi32>
      %add3A_754 = arith.addi %sub3A_752, %add3A_753 : vector<16xi32>
      %shift_right_arithmetic3A_755 = arith.constant 7 : i32
      %shift_right_arithmetic3A_756 = vector.broadcast %shift_right_arithmetic3A_755 : i32 to vector<16xi32>
      %shift_right_arithmetic3A_757 = arith.shrsi %add3A_754, %shift_right_arithmetic3A_756 : vector<16xi32>
      %and3A_758 = arith.constant 127 : i32
      %and3A_759 = vector.broadcast %and3A_758 : i32 to vector<16xi32>
      %and3A_760 = arith.andi %add3A_754, %and3A_759 : vector<16xi32>
      %sub3A_761 = arith.constant 900000 : i32
      %sub3A_762 = vector.broadcast %sub3A_761 : i32 to vector<16xi32>
      %sub3A_763 = arith.subi %get3A_734, %sub3A_762 : vector<16xi32>
      %not3A_764 = arith.constant dense<true> : vector<16xi1>
      %not3A_765 = arith.xori %lt3A_740, %not3A_764 : vector<16xi1>
      tpu.vector_store_idx %arg11[%shift_right_arithmetic3A_757, %and3A_760], %sub3A_763 masked %not3A_765 : memref<3x128xi32, #tpu.memory_space<vmem>>[vector<16xi32>, vector<16xi32>], vector<16xi32>, vector<16xi1>
      %shift_right_arithmetic3A_766 = arith.constant 7 : i32
      %shift_right_arithmetic3A_767 = vector.broadcast %shift_right_arithmetic3A_766 : i32 to vector<16xi32>
      %shift_right_arithmetic3A_768 = arith.shrsi %add3A_754, %shift_right_arithmetic3A_767 : vector<16xi32>
      %and3A_769 = arith.constant 127 : i32
      %and3A_770 = vector.broadcast %and3A_769 : i32 to vector<16xi32>
      %and3A_771 = arith.andi %add3A_754, %and3A_770 : vector<16xi32>
      %not3A_772 = arith.constant dense<true> : vector<16xi1>
      %not3A_773 = arith.xori %lt3A_740, %not3A_772 : vector<16xi1>
      tpu.vector_store_idx %arg12[%shift_right_arithmetic3A_768, %and3A_771], %add3A_737 masked %not3A_773 : memref<3x128xi32, #tpu.memory_space<vmem>>[vector<16xi32>, vector<16xi32>], vector<16xi32>, vector<16xi1>
      %reduce_max3A_774 = arith.constant true
      %reduce_max3A_775 = vector.broadcast %reduce_max3A_774 : i1 to vector<16xi1>
      %reduce_max3A_776 = arith.constant -2147483648 : i32
      %reduce_max3A_777 = vector.broadcast %reduce_max3A_776 : i32 to vector<16xi32>
      %reduce_max3A_778 = arith.xori %masked_cumsum3A_751, %reduce_max3A_777 : vector<16xi32>
      %reduce_max3A_779 = tpu.scan <max>, %reduce_max3A_778 masked %reduce_max3A_775 : vector<16xi32>, vector<16xi1> -> vector<16xi32>
      %reduce_max3A_780 = arith.xori %reduce_max3A_779, %reduce_max3A_777 : vector<16xi32>
      %reduce_max3A_781 = vector.extract %reduce_max3A_780[15] : i32 from vector<16xi32>
      %add3A_782 = arith.addi %add3A_732, %reduce_max3A_781 : i32
      %get3A_783 = arith.constant 192 : index
      %get3A_784 = tpu.vector_load %arg6[%get3A_783] {strides = array<i32>} : memref<320xi32, #tpu.memory_space<vmem>>, vector<16xi32>,
      %add3A_785 = arith.constant 192 : i32
      %add3A_786 = vector.broadcast %add3A_785 : i32 to vector<16xi32>
      %add3A_787 = arith.addi %iota3A, %add3A_786 : vector<16xi32>
      %lt3A_788 = arith.constant 900000 : i32
      %lt3A_789 = vector.broadcast %lt3A_788 : i32 to vector<16xi32>
      %lt3A_790 = arith.cmpi slt, %get3A_784, %lt3A_789 : vector<16xi32>
      %select_n3A_791 = arith.select %lt3A_790, %get3A_784, %add3A_787 : vector<16xi1>, vector<16xi32>
      %swap3A_792 = arith.constant 64 : index
      %swap3A_793 = tpu.vector_load %arg9[%swap3A_792] {strides = array<i32>} : memref<128xi32, #tpu.memory_space<vmem>>, vector<16xi32>,
      tpu.vector_store %arg9[%swap3A_792], %select_n3A_791 {strides = array<i32>} : memref<128xi32, #tpu.memory_space<vmem>>, vector<16xi32>,
      %jit3A_794 = arith.constant 0 : i32
      %jit3A_795 = arith.constant 1 : i32
      %broadcast_in_dim3A_796 = vector.broadcast %jit3A_794 : i32 to vector<16xi32>
      %broadcast_in_dim3A_797 = vector.broadcast %jit3A_795 : i32 to vector<16xi32>
      %select_n3A_798 = arith.select %lt3A_790, %broadcast_in_dim3A_796, %broadcast_in_dim3A_797 : vector<16xi1>, vector<16xi32>
      %broadcast_in_dim3A_799 = arith.constant true
      %broadcast_in_dim3A_800 = vector.broadcast %broadcast_in_dim3A_799 : i1 to vector<16xi1>
      %masked_cumsum3A_801 = tpu.scan <sum>, %select_n3A_798 masked %broadcast_in_dim3A_800 : vector<16xi32>, vector<16xi1> -> vector<16xi32>
      %sub3A_802 = arith.subi %masked_cumsum3A_801, %select_n3A_798 : vector<16xi32>
      %add3A_803 = vector.broadcast %add3A_782 : i32 to vector<16xi32>
      %add3A_804 = arith.addi %sub3A_802, %add3A_803 : vector<16xi32>
      %shift_right_arithmetic3A_805 = arith.constant 7 : i32
      %shift_right_arithmetic3A_806 = vector.broadcast %shift_right_arithmetic3A_805 : i32 to vector<16xi32>
      %shift_right_arithmetic3A_807 = arith.shrsi %add3A_804, %shift_right_arithmetic3A_806 : vector<16xi32>
      %and3A_808 = arith.constant 127 : i32
      %and3A_809 = vector.broadcast %and3A_808 : i32 to vector<16xi32>
      %and3A_810 = arith.andi %add3A_804, %and3A_809 : vector<16xi32>
      %sub3A_811 = arith.constant 900000 : i32
      %sub3A_812 = vector.broadcast %sub3A_811 : i32 to vector<16xi32>
      %sub3A_813 = arith.subi %get3A_784, %sub3A_812 : vector<16xi32>
      %not3A_814 = arith.constant dense<true> : vector<16xi1>
      %not3A_815 = arith.xori %lt3A_790, %not3A_814 : vector<16xi1>
      tpu.vector_store_idx %arg11[%shift_right_arithmetic3A_807, %and3A_810], %sub3A_813 masked %not3A_815 : memref<3x128xi32, #tpu.memory_space<vmem>>[vector<16xi32>, vector<16xi32>], vector<16xi32>, vector<16xi1>
      %shift_right_arithmetic3A_816 = arith.constant 7 : i32
      %shift_right_arithmetic3A_817 = vector.broadcast %shift_right_arithmetic3A_816 : i32 to vector<16xi32>
      %shift_right_arithmetic3A_818 = arith.shrsi %add3A_804, %shift_right_arithmetic3A_817 : vector<16xi32>
      %and3A_819 = arith.constant 127 : i32
      %and3A_820 = vector.broadcast %and3A_819 : i32 to vector<16xi32>
      %and3A_821 = arith.andi %add3A_804, %and3A_820 : vector<16xi32>
      %not3A_822 = arith.constant dense<true> : vector<16xi1>
      %not3A_823 = arith.xori %lt3A_790, %not3A_822 : vector<16xi1>
      tpu.vector_store_idx %arg12[%shift_right_arithmetic3A_818, %and3A_821], %add3A_787 masked %not3A_823 : memref<3x128xi32, #tpu.memory_space<vmem>>[vector<16xi32>, vector<16xi32>], vector<16xi32>, vector<16xi1>
      %reduce_max3A_824 = arith.constant true
      %reduce_max3A_825 = vector.broadcast %reduce_max3A_824 : i1 to vector<16xi1>
      %reduce_max3A_826 = arith.constant -2147483648 : i32
      %reduce_max3A_827 = vector.broadcast %reduce_max3A_826 : i32 to vector<16xi32>
      %reduce_max3A_828 = arith.xori %masked_cumsum3A_801, %reduce_max3A_827 : vector<16xi32>
      %reduce_max3A_829 = tpu.scan <max>, %reduce_max3A_828 masked %reduce_max3A_825 : vector<16xi32>, vector<16xi1> -> vector<16xi32>
      %reduce_max3A_830 = arith.xori %reduce_max3A_829, %reduce_max3A_827 : vector<16xi32>
      %reduce_max3A_831 = vector.extract %reduce_max3A_830[15] : i32 from vector<16xi32>
      %add3A_832 = arith.addi %add3A_782, %reduce_max3A_831 : i32
      %get3A_833 = arith.constant 208 : index
      %get3A_834 = tpu.vector_load %arg6[%get3A_833] {strides = array<i32>} : memref<320xi32, #tpu.memory_space<vmem>>, vector<16xi32>,
      %add3A_835 = arith.constant 208 : i32
      %add3A_836 = vector.broadcast %add3A_835 : i32 to vector<16xi32>
      %add3A_837 = arith.addi %iota3A, %add3A_836 : vector<16xi32>
      %lt3A_838 = arith.constant 900000 : i32
      %lt3A_839 = vector.broadcast %lt3A_838 : i32 to vector<16xi32>
      %lt3A_840 = arith.cmpi slt, %get3A_834, %lt3A_839 : vector<16xi32>
      %select_n3A_841 = arith.select %lt3A_840, %get3A_834, %add3A_837 : vector<16xi1>, vector<16xi32>
      %swap3A_842 = arith.constant 80 : index
      %swap3A_843 = tpu.vector_load %arg9[%swap3A_842] {strides = array<i32>} : memref<128xi32, #tpu.memory_space<vmem>>, vector<16xi32>,
      tpu.vector_store %arg9[%swap3A_842], %select_n3A_841 {strides = array<i32>} : memref<128xi32, #tpu.memory_space<vmem>>, vector<16xi32>,
      %jit3A_844 = arith.constant 0 : i32
      %jit3A_845 = arith.constant 1 : i32
      %broadcast_in_dim3A_846 = vector.broadcast %jit3A_844 : i32 to vector<16xi32>
      %broadcast_in_dim3A_847 = vector.broadcast %jit3A_845 : i32 to vector<16xi32>
      %select_n3A_848 = arith.select %lt3A_840, %broadcast_in_dim3A_846, %broadcast_in_dim3A_847 : vector<16xi1>, vector<16xi32>
      %broadcast_in_dim3A_849 = arith.constant true
      %broadcast_in_dim3A_850 = vector.broadcast %broadcast_in_dim3A_849 : i1 to vector<16xi1>
      %masked_cumsum3A_851 = tpu.scan <sum>, %select_n3A_848 masked %broadcast_in_dim3A_850 : vector<16xi32>, vector<16xi1> -> vector<16xi32>
      %sub3A_852 = arith.subi %masked_cumsum3A_851, %select_n3A_848 : vector<16xi32>
      %add3A_853 = vector.broadcast %add3A_832 : i32 to vector<16xi32>
      %add3A_854 = arith.addi %sub3A_852, %add3A_853 : vector<16xi32>
      %shift_right_arithmetic3A_855 = arith.constant 7 : i32
      %shift_right_arithmetic3A_856 = vector.broadcast %shift_right_arithmetic3A_855 : i32 to vector<16xi32>
      %shift_right_arithmetic3A_857 = arith.shrsi %add3A_854, %shift_right_arithmetic3A_856 : vector<16xi32>
      %and3A_858 = arith.constant 127 : i32
      %and3A_859 = vector.broadcast %and3A_858 : i32 to vector<16xi32>
      %and3A_860 = arith.andi %add3A_854, %and3A_859 : vector<16xi32>
      %sub3A_861 = arith.constant 900000 : i32
      %sub3A_862 = vector.broadcast %sub3A_861 : i32 to vector<16xi32>
      %sub3A_863 = arith.subi %get3A_834, %sub3A_862 : vector<16xi32>
      %not3A_864 = arith.constant dense<true> : vector<16xi1>
      %not3A_865 = arith.xori %lt3A_840, %not3A_864 : vector<16xi1>
      tpu.vector_store_idx %arg11[%shift_right_arithmetic3A_857, %and3A_860], %sub3A_863 masked %not3A_865 : memref<3x128xi32, #tpu.memory_space<vmem>>[vector<16xi32>, vector<16xi32>], vector<16xi32>, vector<16xi1>
      %shift_right_arithmetic3A_866 = arith.constant 7 : i32
      %shift_right_arithmetic3A_867 = vector.broadcast %shift_right_arithmetic3A_866 : i32 to vector<16xi32>
      %shift_right_arithmetic3A_868 = arith.shrsi %add3A_854, %shift_right_arithmetic3A_867 : vector<16xi32>
      %and3A_869 = arith.constant 127 : i32
      %and3A_870 = vector.broadcast %and3A_869 : i32 to vector<16xi32>
      %and3A_871 = arith.andi %add3A_854, %and3A_870 : vector<16xi32>
      %not3A_872 = arith.constant dense<true> : vector<16xi1>
      %not3A_873 = arith.xori %lt3A_840, %not3A_872 : vector<16xi1>
      tpu.vector_store_idx %arg12[%shift_right_arithmetic3A_868, %and3A_871], %add3A_837 masked %not3A_873 : memref<3x128xi32, #tpu.memory_space<vmem>>[vector<16xi32>, vector<16xi32>], vector<16xi32>, vector<16xi1>
      %reduce_max3A_874 = arith.constant true
      %reduce_max3A_875 = vector.broadcast %reduce_max3A_874 : i1 to vector<16xi1>
      %reduce_max3A_876 = arith.constant -2147483648 : i32
      %reduce_max3A_877 = vector.broadcast %reduce_max3A_876 : i32 to vector<16xi32>
      %reduce_max3A_878 = arith.xori %masked_cumsum3A_851, %reduce_max3A_877 : vector<16xi32>
      %reduce_max3A_879 = tpu.scan <max>, %reduce_max3A_878 masked %reduce_max3A_875 : vector<16xi32>, vector<16xi1> -> vector<16xi32>
      %reduce_max3A_880 = arith.xori %reduce_max3A_879, %reduce_max3A_877 : vector<16xi32>
      %reduce_max3A_881 = vector.extract %reduce_max3A_880[15] : i32 from vector<16xi32>
      %add3A_882 = arith.addi %add3A_832, %reduce_max3A_881 : i32
      %get3A_883 = arith.constant 224 : index
      %get3A_884 = tpu.vector_load %arg6[%get3A_883] {strides = array<i32>} : memref<320xi32, #tpu.memory_space<vmem>>, vector<16xi32>,
      %add3A_885 = arith.constant 224 : i32
      %add3A_886 = vector.broadcast %add3A_885 : i32 to vector<16xi32>
      %add3A_887 = arith.addi %iota3A, %add3A_886 : vector<16xi32>
      %lt3A_888 = arith.constant 900000 : i32
      %lt3A_889 = vector.broadcast %lt3A_888 : i32 to vector<16xi32>
      %lt3A_890 = arith.cmpi slt, %get3A_884, %lt3A_889 : vector<16xi32>
      %select_n3A_891 = arith.select %lt3A_890, %get3A_884, %add3A_887 : vector<16xi1>, vector<16xi32>
      %swap3A_892 = arith.constant 96 : index
      %swap3A_893 = tpu.vector_load %arg9[%swap3A_892] {strides = array<i32>} : memref<128xi32, #tpu.memory_space<vmem>>, vector<16xi32>,
      tpu.vector_store %arg9[%swap3A_892], %select_n3A_891 {strides = array<i32>} : memref<128xi32, #tpu.memory_space<vmem>>, vector<16xi32>,
      %jit3A_894 = arith.constant 0 : i32
      %jit3A_895 = arith.constant 1 : i32
      %broadcast_in_dim3A_896 = vector.broadcast %jit3A_894 : i32 to vector<16xi32>
      %broadcast_in_dim3A_897 = vector.broadcast %jit3A_895 : i32 to vector<16xi32>
      %select_n3A_898 = arith.select %lt3A_890, %broadcast_in_dim3A_896, %broadcast_in_dim3A_897 : vector<16xi1>, vector<16xi32>
      %broadcast_in_dim3A_899 = arith.constant true
      %broadcast_in_dim3A_900 = vector.broadcast %broadcast_in_dim3A_899 : i1 to vector<16xi1>
      %masked_cumsum3A_901 = tpu.scan <sum>, %select_n3A_898 masked %broadcast_in_dim3A_900 : vector<16xi32>, vector<16xi1> -> vector<16xi32>
      %sub3A_902 = arith.subi %masked_cumsum3A_901, %select_n3A_898 : vector<16xi32>
      %add3A_903 = vector.broadcast %add3A_882 : i32 to vector<16xi32>
      %add3A_904 = arith.addi %sub3A_902, %add3A_903 : vector<16xi32>
      %shift_right_arithmetic3A_905 = arith.constant 7 : i32
      %shift_right_arithmetic3A_906 = vector.broadcast %shift_right_arithmetic3A_905 : i32 to vector<16xi32>
      %shift_right_arithmetic3A_907 = arith.shrsi %add3A_904, %shift_right_arithmetic3A_906 : vector<16xi32>
      %and3A_908 = arith.constant 127 : i32
      %and3A_909 = vector.broadcast %and3A_908 : i32 to vector<16xi32>
      %and3A_910 = arith.andi %add3A_904, %and3A_909 : vector<16xi32>
      %sub3A_911 = arith.constant 900000 : i32
      %sub3A_912 = vector.broadcast %sub3A_911 : i32 to vector<16xi32>
      %sub3A_913 = arith.subi %get3A_884, %sub3A_912 : vector<16xi32>
      %not3A_914 = arith.constant dense<true> : vector<16xi1>
      %not3A_915 = arith.xori %lt3A_890, %not3A_914 : vector<16xi1>
      tpu.vector_store_idx %arg11[%shift_right_arithmetic3A_907, %and3A_910], %sub3A_913 masked %not3A_915 : memref<3x128xi32, #tpu.memory_space<vmem>>[vector<16xi32>, vector<16xi32>], vector<16xi32>, vector<16xi1>
      %shift_right_arithmetic3A_916 = arith.constant 7 : i32
      %shift_right_arithmetic3A_917 = vector.broadcast %shift_right_arithmetic3A_916 : i32 to vector<16xi32>
      %shift_right_arithmetic3A_918 = arith.shrsi %add3A_904, %shift_right_arithmetic3A_917 : vector<16xi32>
      %and3A_919 = arith.constant 127 : i32
      %and3A_920 = vector.broadcast %and3A_919 : i32 to vector<16xi32>
      %and3A_921 = arith.andi %add3A_904, %and3A_920 : vector<16xi32>
      %not3A_922 = arith.constant dense<true> : vector<16xi1>
      %not3A_923 = arith.xori %lt3A_890, %not3A_922 : vector<16xi1>
      tpu.vector_store_idx %arg12[%shift_right_arithmetic3A_918, %and3A_921], %add3A_887 masked %not3A_923 : memref<3x128xi32, #tpu.memory_space<vmem>>[vector<16xi32>, vector<16xi32>], vector<16xi32>, vector<16xi1>
      %reduce_max3A_924 = arith.constant true
      %reduce_max3A_925 = vector.broadcast %reduce_max3A_924 : i1 to vector<16xi1>
      %reduce_max3A_926 = arith.constant -2147483648 : i32
      %reduce_max3A_927 = vector.broadcast %reduce_max3A_926 : i32 to vector<16xi32>
      %reduce_max3A_928 = arith.xori %masked_cumsum3A_901, %reduce_max3A_927 : vector<16xi32>
      %reduce_max3A_929 = tpu.scan <max>, %reduce_max3A_928 masked %reduce_max3A_925 : vector<16xi32>, vector<16xi1> -> vector<16xi32>
      %reduce_max3A_930 = arith.xori %reduce_max3A_929, %reduce_max3A_927 : vector<16xi32>
      %reduce_max3A_931 = vector.extract %reduce_max3A_930[15] : i32 from vector<16xi32>
      %add3A_932 = arith.addi %add3A_882, %reduce_max3A_931 : i32
      %get3A_933 = arith.constant 240 : index
      %get3A_934 = tpu.vector_load %arg6[%get3A_933] {strides = array<i32>} : memref<320xi32, #tpu.memory_space<vmem>>, vector<16xi32>,
      %add3A_935 = arith.constant 240 : i32
      %add3A_936 = vector.broadcast %add3A_935 : i32 to vector<16xi32>
      %add3A_937 = arith.addi %iota3A, %add3A_936 : vector<16xi32>
      %lt3A_938 = arith.constant 900000 : i32
      %lt3A_939 = vector.broadcast %lt3A_938 : i32 to vector<16xi32>
      %lt3A_940 = arith.cmpi slt, %get3A_934, %lt3A_939 : vector<16xi32>
      %select_n3A_941 = arith.select %lt3A_940, %get3A_934, %add3A_937 : vector<16xi1>, vector<16xi32>
      %swap3A_942 = arith.constant 112 : index
      %swap3A_943 = tpu.vector_load %arg9[%swap3A_942] {strides = array<i32>} : memref<128xi32, #tpu.memory_space<vmem>>, vector<16xi32>,
      tpu.vector_store %arg9[%swap3A_942], %select_n3A_941 {strides = array<i32>} : memref<128xi32, #tpu.memory_space<vmem>>, vector<16xi32>,
      %jit3A_944 = arith.constant 0 : i32
      %jit3A_945 = arith.constant 1 : i32
      %broadcast_in_dim3A_946 = vector.broadcast %jit3A_944 : i32 to vector<16xi32>
      %broadcast_in_dim3A_947 = vector.broadcast %jit3A_945 : i32 to vector<16xi32>
      %select_n3A_948 = arith.select %lt3A_940, %broadcast_in_dim3A_946, %broadcast_in_dim3A_947 : vector<16xi1>, vector<16xi32>
      %broadcast_in_dim3A_949 = arith.constant true
      %broadcast_in_dim3A_950 = vector.broadcast %broadcast_in_dim3A_949 : i1 to vector<16xi1>
      %masked_cumsum3A_951 = tpu.scan <sum>, %select_n3A_948 masked %broadcast_in_dim3A_950 : vector<16xi32>, vector<16xi1> -> vector<16xi32>
      %sub3A_952 = arith.subi %masked_cumsum3A_951, %select_n3A_948 : vector<16xi32>
      %add3A_953 = vector.broadcast %add3A_932 : i32 to vector<16xi32>
      %add3A_954 = arith.addi %sub3A_952, %add3A_953 : vector<16xi32>
      %shift_right_arithmetic3A_955 = arith.constant 7 : i32
      %shift_right_arithmetic3A_956 = vector.broadcast %shift_right_arithmetic3A_955 : i32 to vector<16xi32>
      %shift_right_arithmetic3A_957 = arith.shrsi %add3A_954, %shift_right_arithmetic3A_956 : vector<16xi32>
      %and3A_958 = arith.constant 127 : i32
      %and3A_959 = vector.broadcast %and3A_958 : i32 to vector<16xi32>
      %and3A_960 = arith.andi %add3A_954, %and3A_959 : vector<16xi32>
      %sub3A_961 = arith.constant 900000 : i32
      %sub3A_962 = vector.broadcast %sub3A_961 : i32 to vector<16xi32>
      %sub3A_963 = arith.subi %get3A_934, %sub3A_962 : vector<16xi32>
      %not3A_964 = arith.constant dense<true> : vector<16xi1>
      %not3A_965 = arith.xori %lt3A_940, %not3A_964 : vector<16xi1>
      tpu.vector_store_idx %arg11[%shift_right_arithmetic3A_957, %and3A_960], %sub3A_963 masked %not3A_965 : memref<3x128xi32, #tpu.memory_space<vmem>>[vector<16xi32>, vector<16xi32>], vector<16xi32>, vector<16xi1>
      %shift_right_arithmetic3A_966 = arith.constant 7 : i32
      %shift_right_arithmetic3A_967 = vector.broadcast %shift_right_arithmetic3A_966 : i32 to vector<16xi32>
      %shift_right_arithmetic3A_968 = arith.shrsi %add3A_954, %shift_right_arithmetic3A_967 : vector<16xi32>
      %and3A_969 = arith.constant 127 : i32
      %and3A_970 = vector.broadcast %and3A_969 : i32 to vector<16xi32>
      %and3A_971 = arith.andi %add3A_954, %and3A_970 : vector<16xi32>
      %not3A_972 = arith.constant dense<true> : vector<16xi1>
      %not3A_973 = arith.xori %lt3A_940, %not3A_972 : vector<16xi1>
      tpu.vector_store_idx %arg12[%shift_right_arithmetic3A_968, %and3A_971], %add3A_937 masked %not3A_973 : memref<3x128xi32, #tpu.memory_space<vmem>>[vector<16xi32>, vector<16xi32>], vector<16xi32>, vector<16xi1>
      %reduce_max3A_974 = arith.constant true
      %reduce_max3A_975 = vector.broadcast %reduce_max3A_974 : i1 to vector<16xi1>
      %reduce_max3A_976 = arith.constant -2147483648 : i32
      %reduce_max3A_977 = vector.broadcast %reduce_max3A_976 : i32 to vector<16xi32>
      %reduce_max3A_978 = arith.xori %masked_cumsum3A_951, %reduce_max3A_977 : vector<16xi32>
      %reduce_max3A_979 = tpu.scan <max>, %reduce_max3A_978 masked %reduce_max3A_975 : vector<16xi32>, vector<16xi1> -> vector<16xi32>
      %reduce_max3A_980 = arith.xori %reduce_max3A_979, %reduce_max3A_977 : vector<16xi32>
      %reduce_max3A_981 = vector.extract %reduce_max3A_980[15] : i32 from vector<16xi32>
      %add3A_982 = arith.addi %add3A_932, %reduce_max3A_981 : i32
      %get3A_983 = arith.constant 256 : index
      %get3A_984 = tpu.vector_load %arg6[%get3A_983] {strides = array<i32>} : memref<320xi32, #tpu.memory_space<vmem>>, vector<16xi32>,
      %add3A_985 = arith.constant 256 : i32
      %add3A_986 = vector.broadcast %add3A_985 : i32 to vector<16xi32>
      %add3A_987 = arith.addi %iota3A, %add3A_986 : vector<16xi32>
      %lt3A_988 = arith.constant 900000 : i32
      %lt3A_989 = vector.broadcast %lt3A_988 : i32 to vector<16xi32>
      %lt3A_990 = arith.cmpi slt, %get3A_984, %lt3A_989 : vector<16xi32>
      %select_n3A_991 = arith.select %lt3A_990, %get3A_984, %add3A_987 : vector<16xi1>, vector<16xi32>
      %swap3A_992 = arith.constant 0 : index
      %swap3A_993 = tpu.vector_load %arg10[%swap3A_992] {strides = array<i32>} : memref<64xi32, #tpu.memory_space<vmem>>, vector<16xi32>,
      tpu.vector_store %arg10[%swap3A_992], %select_n3A_991 {strides = array<i32>} : memref<64xi32, #tpu.memory_space<vmem>>, vector<16xi32>,
      %jit3A_994 = arith.constant 0 : i32
      %jit3A_995 = arith.constant 1 : i32
      %broadcast_in_dim3A_996 = vector.broadcast %jit3A_994 : i32 to vector<16xi32>
      %broadcast_in_dim3A_997 = vector.broadcast %jit3A_995 : i32 to vector<16xi32>
      %select_n3A_998 = arith.select %lt3A_990, %broadcast_in_dim3A_996, %broadcast_in_dim3A_997 : vector<16xi1>, vector<16xi32>
      %broadcast_in_dim3A_999 = arith.constant true
      %broadcast_in_dim3A_1000 = vector.broadcast %broadcast_in_dim3A_999 : i1 to vector<16xi1>
      %masked_cumsum3A_1001 = tpu.scan <sum>, %select_n3A_998 masked %broadcast_in_dim3A_1000 : vector<16xi32>, vector<16xi1> -> vector<16xi32>
      %sub3A_1002 = arith.subi %masked_cumsum3A_1001, %select_n3A_998 : vector<16xi32>
      %add3A_1003 = vector.broadcast %add3A_982 : i32 to vector<16xi32>
      %add3A_1004 = arith.addi %sub3A_1002, %add3A_1003 : vector<16xi32>
      %shift_right_arithmetic3A_1005 = arith.constant 7 : i32
      %shift_right_arithmetic3A_1006 = vector.broadcast %shift_right_arithmetic3A_1005 : i32 to vector<16xi32>
      %shift_right_arithmetic3A_1007 = arith.shrsi %add3A_1004, %shift_right_arithmetic3A_1006 : vector<16xi32>
      %and3A_1008 = arith.constant 127 : i32
      %and3A_1009 = vector.broadcast %and3A_1008 : i32 to vector<16xi32>
      %and3A_1010 = arith.andi %add3A_1004, %and3A_1009 : vector<16xi32>
      %sub3A_1011 = arith.constant 900000 : i32
      %sub3A_1012 = vector.broadcast %sub3A_1011 : i32 to vector<16xi32>
      %sub3A_1013 = arith.subi %get3A_984, %sub3A_1012 : vector<16xi32>
      %not3A_1014 = arith.constant dense<true> : vector<16xi1>
      %not3A_1015 = arith.xori %lt3A_990, %not3A_1014 : vector<16xi1>
      tpu.vector_store_idx %arg11[%shift_right_arithmetic3A_1007, %and3A_1010], %sub3A_1013 masked %not3A_1015 : memref<3x128xi32, #tpu.memory_space<vmem>>[vector<16xi32>, vector<16xi32>], vector<16xi32>, vector<16xi1>
      %shift_right_arithmetic3A_1016 = arith.constant 7 : i32
      %shift_right_arithmetic3A_1017 = vector.broadcast %shift_right_arithmetic3A_1016 : i32 to vector<16xi32>
      %shift_right_arithmetic3A_1018 = arith.shrsi %add3A_1004, %shift_right_arithmetic3A_1017 : vector<16xi32>
      %and3A_1019 = arith.constant 127 : i32
      %and3A_1020 = vector.broadcast %and3A_1019 : i32 to vector<16xi32>
      %and3A_1021 = arith.andi %add3A_1004, %and3A_1020 : vector<16xi32>
      %not3A_1022 = arith.constant dense<true> : vector<16xi1>
      %not3A_1023 = arith.xori %lt3A_990, %not3A_1022 : vector<16xi1>
      tpu.vector_store_idx %arg12[%shift_right_arithmetic3A_1018, %and3A_1021], %add3A_987 masked %not3A_1023 : memref<3x128xi32, #tpu.memory_space<vmem>>[vector<16xi32>, vector<16xi32>], vector<16xi32>, vector<16xi1>
      %reduce_max3A_1024 = arith.constant true
      %reduce_max3A_1025 = vector.broadcast %reduce_max3A_1024 : i1 to vector<16xi1>
      %reduce_max3A_1026 = arith.constant -2147483648 : i32
      %reduce_max3A_1027 = vector.broadcast %reduce_max3A_1026 : i32 to vector<16xi32>
      %reduce_max3A_1028 = arith.xori %masked_cumsum3A_1001, %reduce_max3A_1027 : vector<16xi32>
      %reduce_max3A_1029 = tpu.scan <max>, %reduce_max3A_1028 masked %reduce_max3A_1025 : vector<16xi32>, vector<16xi1> -> vector<16xi32>
      %reduce_max3A_1030 = arith.xori %reduce_max3A_1029, %reduce_max3A_1027 : vector<16xi32>
      %reduce_max3A_1031 = vector.extract %reduce_max3A_1030[15] : i32 from vector<16xi32>
      %add3A_1032 = arith.addi %add3A_982, %reduce_max3A_1031 : i32
      %get3A_1033 = arith.constant 272 : index
      %get3A_1034 = tpu.vector_load %arg6[%get3A_1033] {strides = array<i32>} : memref<320xi32, #tpu.memory_space<vmem>>, vector<16xi32>,
      %add3A_1035 = arith.constant 272 : i32
      %add3A_1036 = vector.broadcast %add3A_1035 : i32 to vector<16xi32>
      %add3A_1037 = arith.addi %iota3A, %add3A_1036 : vector<16xi32>
      %lt3A_1038 = arith.constant 900000 : i32
      %lt3A_1039 = vector.broadcast %lt3A_1038 : i32 to vector<16xi32>
      %lt3A_1040 = arith.cmpi slt, %get3A_1034, %lt3A_1039 : vector<16xi32>
      %select_n3A_1041 = arith.select %lt3A_1040, %get3A_1034, %add3A_1037 : vector<16xi1>, vector<16xi32>
      %swap3A_1042 = arith.constant 16 : index
      %swap3A_1043 = tpu.vector_load %arg10[%swap3A_1042] {strides = array<i32>} : memref<64xi32, #tpu.memory_space<vmem>>, vector<16xi32>,
      tpu.vector_store %arg10[%swap3A_1042], %select_n3A_1041 {strides = array<i32>} : memref<64xi32, #tpu.memory_space<vmem>>, vector<16xi32>,
      %jit3A_1044 = arith.constant 0 : i32
      %jit3A_1045 = arith.constant 1 : i32
      %broadcast_in_dim3A_1046 = vector.broadcast %jit3A_1044 : i32 to vector<16xi32>
      %broadcast_in_dim3A_1047 = vector.broadcast %jit3A_1045 : i32 to vector<16xi32>
      %select_n3A_1048 = arith.select %lt3A_1040, %broadcast_in_dim3A_1046, %broadcast_in_dim3A_1047 : vector<16xi1>, vector<16xi32>
      %broadcast_in_dim3A_1049 = arith.constant true
      %broadcast_in_dim3A_1050 = vector.broadcast %broadcast_in_dim3A_1049 : i1 to vector<16xi1>
      %masked_cumsum3A_1051 = tpu.scan <sum>, %select_n3A_1048 masked %broadcast_in_dim3A_1050 : vector<16xi32>, vector<16xi1> -> vector<16xi32>
      %sub3A_1052 = arith.subi %masked_cumsum3A_1051, %select_n3A_1048 : vector<16xi32>
      %add3A_1053 = vector.broadcast %add3A_1032 : i32 to vector<16xi32>
      %add3A_1054 = arith.addi %sub3A_1052, %add3A_1053 : vector<16xi32>
      %shift_right_arithmetic3A_1055 = arith.constant 7 : i32
      %shift_right_arithmetic3A_1056 = vector.broadcast %shift_right_arithmetic3A_1055 : i32 to vector<16xi32>
      %shift_right_arithmetic3A_1057 = arith.shrsi %add3A_1054, %shift_right_arithmetic3A_1056 : vector<16xi32>
      %and3A_1058 = arith.constant 127 : i32
      %and3A_1059 = vector.broadcast %and3A_1058 : i32 to vector<16xi32>
      %and3A_1060 = arith.andi %add3A_1054, %and3A_1059 : vector<16xi32>
      %sub3A_1061 = arith.constant 900000 : i32
      %sub3A_1062 = vector.broadcast %sub3A_1061 : i32 to vector<16xi32>
      %sub3A_1063 = arith.subi %get3A_1034, %sub3A_1062 : vector<16xi32>
      %not3A_1064 = arith.constant dense<true> : vector<16xi1>
      %not3A_1065 = arith.xori %lt3A_1040, %not3A_1064 : vector<16xi1>
      tpu.vector_store_idx %arg11[%shift_right_arithmetic3A_1057, %and3A_1060], %sub3A_1063 masked %not3A_1065 : memref<3x128xi32, #tpu.memory_space<vmem>>[vector<16xi32>, vector<16xi32>], vector<16xi32>, vector<16xi1>
      %shift_right_arithmetic3A_1066 = arith.constant 7 : i32
      %shift_right_arithmetic3A_1067 = vector.broadcast %shift_right_arithmetic3A_1066 : i32 to vector<16xi32>
      %shift_right_arithmetic3A_1068 = arith.shrsi %add3A_1054, %shift_right_arithmetic3A_1067 : vector<16xi32>
      %and3A_1069 = arith.constant 127 : i32
      %and3A_1070 = vector.broadcast %and3A_1069 : i32 to vector<16xi32>
      %and3A_1071 = arith.andi %add3A_1054, %and3A_1070 : vector<16xi32>
      %not3A_1072 = arith.constant dense<true> : vector<16xi1>
      %not3A_1073 = arith.xori %lt3A_1040, %not3A_1072 : vector<16xi1>
      tpu.vector_store_idx %arg12[%shift_right_arithmetic3A_1068, %and3A_1071], %add3A_1037 masked %not3A_1073 : memref<3x128xi32, #tpu.memory_space<vmem>>[vector<16xi32>, vector<16xi32>], vector<16xi32>, vector<16xi1>
      %reduce_max3A_1074 = arith.constant true
      %reduce_max3A_1075 = vector.broadcast %reduce_max3A_1074 : i1 to vector<16xi1>
      %reduce_max3A_1076 = arith.constant -2147483648 : i32
      %reduce_max3A_1077 = vector.broadcast %reduce_max3A_1076 : i32 to vector<16xi32>
      %reduce_max3A_1078 = arith.xori %masked_cumsum3A_1051, %reduce_max3A_1077 : vector<16xi32>
      %reduce_max3A_1079 = tpu.scan <max>, %reduce_max3A_1078 masked %reduce_max3A_1075 : vector<16xi32>, vector<16xi1> -> vector<16xi32>
      %reduce_max3A_1080 = arith.xori %reduce_max3A_1079, %reduce_max3A_1077 : vector<16xi32>
      %reduce_max3A_1081 = vector.extract %reduce_max3A_1080[15] : i32 from vector<16xi32>
      %add3A_1082 = arith.addi %add3A_1032, %reduce_max3A_1081 : i32
      %get3A_1083 = arith.constant 288 : index
      %get3A_1084 = tpu.vector_load %arg6[%get3A_1083] {strides = array<i32>} : memref<320xi32, #tpu.memory_space<vmem>>, vector<16xi32>,
      %add3A_1085 = arith.constant 288 : i32
      %add3A_1086 = vector.broadcast %add3A_1085 : i32 to vector<16xi32>
      %add3A_1087 = arith.addi %iota3A, %add3A_1086 : vector<16xi32>
      %lt3A_1088 = arith.constant 900000 : i32
      %lt3A_1089 = vector.broadcast %lt3A_1088 : i32 to vector<16xi32>
      %lt3A_1090 = arith.cmpi slt, %get3A_1084, %lt3A_1089 : vector<16xi32>
      %select_n3A_1091 = arith.select %lt3A_1090, %get3A_1084, %add3A_1087 : vector<16xi1>, vector<16xi32>
      %swap3A_1092 = arith.constant 32 : index
      %swap3A_1093 = tpu.vector_load %arg10[%swap3A_1092] {strides = array<i32>} : memref<64xi32, #tpu.memory_space<vmem>>, vector<16xi32>,
      tpu.vector_store %arg10[%swap3A_1092], %select_n3A_1091 {strides = array<i32>} : memref<64xi32, #tpu.memory_space<vmem>>, vector<16xi32>,
      %jit3A_1094 = arith.constant 0 : i32
      %jit3A_1095 = arith.constant 1 : i32
      %broadcast_in_dim3A_1096 = vector.broadcast %jit3A_1094 : i32 to vector<16xi32>
      %broadcast_in_dim3A_1097 = vector.broadcast %jit3A_1095 : i32 to vector<16xi32>
      %select_n3A_1098 = arith.select %lt3A_1090, %broadcast_in_dim3A_1096, %broadcast_in_dim3A_1097 : vector<16xi1>, vector<16xi32>
      %broadcast_in_dim3A_1099 = arith.constant true
      %broadcast_in_dim3A_1100 = vector.broadcast %broadcast_in_dim3A_1099 : i1 to vector<16xi1>
      %masked_cumsum3A_1101 = tpu.scan <sum>, %select_n3A_1098 masked %broadcast_in_dim3A_1100 : vector<16xi32>, vector<16xi1> -> vector<16xi32>
      %sub3A_1102 = arith.subi %masked_cumsum3A_1101, %select_n3A_1098 : vector<16xi32>
      %add3A_1103 = vector.broadcast %add3A_1082 : i32 to vector<16xi32>
      %add3A_1104 = arith.addi %sub3A_1102, %add3A_1103 : vector<16xi32>
      %shift_right_arithmetic3A_1105 = arith.constant 7 : i32
      %shift_right_arithmetic3A_1106 = vector.broadcast %shift_right_arithmetic3A_1105 : i32 to vector<16xi32>
      %shift_right_arithmetic3A_1107 = arith.shrsi %add3A_1104, %shift_right_arithmetic3A_1106 : vector<16xi32>
      %and3A_1108 = arith.constant 127 : i32
      %and3A_1109 = vector.broadcast %and3A_1108 : i32 to vector<16xi32>
      %and3A_1110 = arith.andi %add3A_1104, %and3A_1109 : vector<16xi32>
      %sub3A_1111 = arith.constant 900000 : i32
      %sub3A_1112 = vector.broadcast %sub3A_1111 : i32 to vector<16xi32>
      %sub3A_1113 = arith.subi %get3A_1084, %sub3A_1112 : vector<16xi32>
      %not3A_1114 = arith.constant dense<true> : vector<16xi1>
      %not3A_1115 = arith.xori %lt3A_1090, %not3A_1114 : vector<16xi1>
      tpu.vector_store_idx %arg11[%shift_right_arithmetic3A_1107, %and3A_1110], %sub3A_1113 masked %not3A_1115 : memref<3x128xi32, #tpu.memory_space<vmem>>[vector<16xi32>, vector<16xi32>], vector<16xi32>, vector<16xi1>
      %shift_right_arithmetic3A_1116 = arith.constant 7 : i32
      %shift_right_arithmetic3A_1117 = vector.broadcast %shift_right_arithmetic3A_1116 : i32 to vector<16xi32>
      %shift_right_arithmetic3A_1118 = arith.shrsi %add3A_1104, %shift_right_arithmetic3A_1117 : vector<16xi32>
      %and3A_1119 = arith.constant 127 : i32
      %and3A_1120 = vector.broadcast %and3A_1119 : i32 to vector<16xi32>
      %and3A_1121 = arith.andi %add3A_1104, %and3A_1120 : vector<16xi32>
      %not3A_1122 = arith.constant dense<true> : vector<16xi1>
      %not3A_1123 = arith.xori %lt3A_1090, %not3A_1122 : vector<16xi1>
      tpu.vector_store_idx %arg12[%shift_right_arithmetic3A_1118, %and3A_1121], %add3A_1087 masked %not3A_1123 : memref<3x128xi32, #tpu.memory_space<vmem>>[vector<16xi32>, vector<16xi32>], vector<16xi32>, vector<16xi1>
      %reduce_max3A_1124 = arith.constant true
      %reduce_max3A_1125 = vector.broadcast %reduce_max3A_1124 : i1 to vector<16xi1>
      %reduce_max3A_1126 = arith.constant -2147483648 : i32
      %reduce_max3A_1127 = vector.broadcast %reduce_max3A_1126 : i32 to vector<16xi32>
      %reduce_max3A_1128 = arith.xori %masked_cumsum3A_1101, %reduce_max3A_1127 : vector<16xi32>
      %reduce_max3A_1129 = tpu.scan <max>, %reduce_max3A_1128 masked %reduce_max3A_1125 : vector<16xi32>, vector<16xi1> -> vector<16xi32>
      %reduce_max3A_1130 = arith.xori %reduce_max3A_1129, %reduce_max3A_1127 : vector<16xi32>
      %reduce_max3A_1131 = vector.extract %reduce_max3A_1130[15] : i32 from vector<16xi32>
      %add3A_1132 = arith.addi %add3A_1082, %reduce_max3A_1131 : i32
      %get3A_1133 = arith.constant 304 : index
      %get3A_1134 = tpu.vector_load %arg6[%get3A_1133] {strides = array<i32>} : memref<320xi32, #tpu.memory_space<vmem>>, vector<16xi32>,
      %add3A_1135 = arith.constant 304 : i32
      %add3A_1136 = vector.broadcast %add3A_1135 : i32 to vector<16xi32>
      %add3A_1137 = arith.addi %iota3A, %add3A_1136 : vector<16xi32>
      %lt3A_1138 = arith.constant 900000 : i32
      %lt3A_1139 = vector.broadcast %lt3A_1138 : i32 to vector<16xi32>
      %lt3A_1140 = arith.cmpi slt, %get3A_1134, %lt3A_1139 : vector<16xi32>
      %select_n3A_1141 = arith.select %lt3A_1140, %get3A_1134, %add3A_1137 : vector<16xi1>, vector<16xi32>
      %swap3A_1142 = arith.constant 48 : index
      %swap3A_1143 = tpu.vector_load %arg10[%swap3A_1142] {strides = array<i32>} : memref<64xi32, #tpu.memory_space<vmem>>, vector<16xi32>,
      tpu.vector_store %arg10[%swap3A_1142], %select_n3A_1141 {strides = array<i32>} : memref<64xi32, #tpu.memory_space<vmem>>, vector<16xi32>,
      %jit3A_1144 = arith.constant 0 : i32
      %jit3A_1145 = arith.constant 1 : i32
      %broadcast_in_dim3A_1146 = vector.broadcast %jit3A_1144 : i32 to vector<16xi32>
      %broadcast_in_dim3A_1147 = vector.broadcast %jit3A_1145 : i32 to vector<16xi32>
      %select_n3A_1148 = arith.select %lt3A_1140, %broadcast_in_dim3A_1146, %broadcast_in_dim3A_1147 : vector<16xi1>, vector<16xi32>
      %broadcast_in_dim3A_1149 = arith.constant true
      %broadcast_in_dim3A_1150 = vector.broadcast %broadcast_in_dim3A_1149 : i1 to vector<16xi1>
      %masked_cumsum3A_1151 = tpu.scan <sum>, %select_n3A_1148 masked %broadcast_in_dim3A_1150 : vector<16xi32>, vector<16xi1> -> vector<16xi32>
      %sub3A_1152 = arith.subi %masked_cumsum3A_1151, %select_n3A_1148 : vector<16xi32>
      %add3A_1153 = vector.broadcast %add3A_1132 : i32 to vector<16xi32>
      %add3A_1154 = arith.addi %sub3A_1152, %add3A_1153 : vector<16xi32>
      %shift_right_arithmetic3A_1155 = arith.constant 7 : i32
      %shift_right_arithmetic3A_1156 = vector.broadcast %shift_right_arithmetic3A_1155 : i32 to vector<16xi32>
      %shift_right_arithmetic3A_1157 = arith.shrsi %add3A_1154, %shift_right_arithmetic3A_1156 : vector<16xi32>
      %and3A_1158 = arith.constant 127 : i32
      %and3A_1159 = vector.broadcast %and3A_1158 : i32 to vector<16xi32>
      %and3A_1160 = arith.andi %add3A_1154, %and3A_1159 : vector<16xi32>
      %sub3A_1161 = arith.constant 900000 : i32
      %sub3A_1162 = vector.broadcast %sub3A_1161 : i32 to vector<16xi32>
      %sub3A_1163 = arith.subi %get3A_1134, %sub3A_1162 : vector<16xi32>
      %not3A_1164 = arith.constant dense<true> : vector<16xi1>
      %not3A_1165 = arith.xori %lt3A_1140, %not3A_1164 : vector<16xi1>
      tpu.vector_store_idx %arg11[%shift_right_arithmetic3A_1157, %and3A_1160], %sub3A_1163 masked %not3A_1165 : memref<3x128xi32, #tpu.memory_space<vmem>>[vector<16xi32>, vector<16xi32>], vector<16xi32>, vector<16xi1>
      %shift_right_arithmetic3A_1166 = arith.constant 7 : i32
      %shift_right_arithmetic3A_1167 = vector.broadcast %shift_right_arithmetic3A_1166 : i32 to vector<16xi32>
      %shift_right_arithmetic3A_1168 = arith.shrsi %add3A_1154, %shift_right_arithmetic3A_1167 : vector<16xi32>
      %and3A_1169 = arith.constant 127 : i32
      %and3A_1170 = vector.broadcast %and3A_1169 : i32 to vector<16xi32>
      %and3A_1171 = arith.andi %add3A_1154, %and3A_1170 : vector<16xi32>
      %not3A_1172 = arith.constant dense<true> : vector<16xi1>
      %not3A_1173 = arith.xori %lt3A_1140, %not3A_1172 : vector<16xi1>
      tpu.vector_store_idx %arg12[%shift_right_arithmetic3A_1168, %and3A_1171], %add3A_1137 masked %not3A_1173 : memref<3x128xi32, #tpu.memory_space<vmem>>[vector<16xi32>, vector<16xi32>], vector<16xi32>, vector<16xi1>
      %reduce_max3A_1174 = arith.constant true
      %reduce_max3A_1175 = vector.broadcast %reduce_max3A_1174 : i1 to vector<16xi1>
      %reduce_max3A_1176 = arith.constant -2147483648 : i32
      %reduce_max3A_1177 = vector.broadcast %reduce_max3A_1176 : i32 to vector<16xi32>
      %reduce_max3A_1178 = arith.xori %masked_cumsum3A_1151, %reduce_max3A_1177 : vector<16xi32>
      %reduce_max3A_1179 = tpu.scan <max>, %reduce_max3A_1178 masked %reduce_max3A_1175 : vector<16xi32>, vector<16xi1> -> vector<16xi32>
      %reduce_max3A_1180 = arith.xori %reduce_max3A_1179, %reduce_max3A_1177 : vector<16xi32>
      %reduce_max3A_1181 = vector.extract %reduce_max3A_1180[15] : i32 from vector<16xi32>
      %add3A_1182 = arith.addi %add3A_1132, %reduce_max3A_1181 : i32
      %add3A_1183 = arith.constant 128 : i32
      %add3A_1184 = arith.addi %add3A_1182, %add3A_1183 : i32
      %sub3A_1185 = arith.constant 1 : i32
      %sub3A_1186 = arith.subi %add3A_1184, %sub3A_1185 : i32
      %jit3A_1187 = arith.constant 128 : i32
      %div3A = arith.divsi %sub3A_1186, %jit3A_1187 : i32
      %sign3A = arith.constant 0 : i32
      %sign3A_1188 = arith.cmpi sgt, %sub3A_1186, %sign3A : i32
      %sign3A_1189 = arith.extui %sign3A_1188 : i1 to i32
      %sign3A_1190 = arith.constant 0 : i32
      %sign3A_1191 = arith.cmpi slt, %sub3A_1186, %sign3A_1190 : i32
      %sign3A_1192 = arith.extui %sign3A_1191 : i1 to i32
      %sign3A_1193 = arith.subi %sign3A_1189, %sign3A_1192 : i32
      %sign3A_1194 = arith.constant 0 : i32
      %sign3A_1195 = arith.cmpi sgt, %jit3A_1187, %sign3A_1194 : i32
      %sign3A_1196 = arith.extui %sign3A_1195 : i1 to i32
      %sign3A_1197 = arith.constant 0 : i32
      %sign3A_1198 = arith.cmpi slt, %jit3A_1187, %sign3A_1197 : i32
      %sign3A_1199 = arith.extui %sign3A_1198 : i1 to i32
      %sign3A_1200 = arith.subi %sign3A_1196, %sign3A_1199 : i32
      %ne3A = arith.cmpi ne, %sign3A_1193, %sign3A_1200 : i32
      %rem3A = arith.remsi %sub3A_1186, %jit3A_1187 : i32
      %ne3A_1201 = arith.constant 0 : i32
      %ne3A_1202 = arith.cmpi ne, %rem3A, %ne3A_1201 : i32
      %and3A_1203 = arith.andi %ne3A, %ne3A_1202 : i1
      %sub3A_1204 = arith.constant 1 : i32
      %sub3A_1205 = arith.subi %div3A, %sub3A_1204 : i32
      %select_n3A_1206 = arith.select %and3A_1203, %sub3A_1205, %div3A : i32
      %dma_start3A_1207 = arith.constant 0 : i32
      %dma_start3A_1208 = arith.constant 0 : i32
      %dma_start3A_1209 = tpu.memref_slice %arg13[%dma_start3A_1207, %dma_start3A_1208] : memref<320x128xf32, #tpu.memory_space<vmem>> -> memref<128x128xf32, #tpu.memory_space<vmem>>
      %dma_start3A_1210 = arith.constant 0 : i32
      %dma_start3A_1211 = arith.constant 0 : i32
      %dma_start3A_1212 = tpu.memref_slice %arg3[%dma_start3A_1210, %dma_start3A_1211] : memref<900000x128xf32, #tpu.memory_space<hbm>> -> memref<900000x128xf32, #tpu.memory_space<hbm>>
      tpu.enqueue_indirect_dma source(%dma_start3A_1212 : memref<900000x128xf32, #tpu.memory_space<hbm>>) target(%dma_start3A_1209 : memref<128x128xf32, #tpu.memory_space<vmem>>) offsets(%arg8 : memref<128xi32, #tpu.memory_space<vmem>>) semaphore(%arg16 : memref<!tpu.dma_semaphore, #tpu.memory_space<semaphore_mem>>)
      %dma_start3A_1213 = arith.constant 128 : i32
      %dma_start3A_1214 = arith.constant 0 : i32
      %dma_start3A_1215 = tpu.memref_slice %arg13[%dma_start3A_1213, %dma_start3A_1214] : memref<320x128xf32, #tpu.memory_space<vmem>> -> memref<128x128xf32, #tpu.memory_space<vmem>>
      %dma_start3A_1216 = arith.constant 0 : i32
      %dma_start3A_1217 = arith.constant 0 : i32
      %dma_start3A_1218 = tpu.memref_slice %arg3[%dma_start3A_1216, %dma_start3A_1217] : memref<900000x128xf32, #tpu.memory_space<hbm>> -> memref<900000x128xf32, #tpu.memory_space<hbm>>
      tpu.enqueue_indirect_dma source(%dma_start3A_1218 : memref<900000x128xf32, #tpu.memory_space<hbm>>) target(%dma_start3A_1215 : memref<128x128xf32, #tpu.memory_space<vmem>>) offsets(%arg9 : memref<128xi32, #tpu.memory_space<vmem>>) semaphore(%arg16 : memref<!tpu.dma_semaphore, #tpu.memory_space<semaphore_mem>>)
      %dma_start3A_1219 = arith.constant 256 : i32
      %dma_start3A_1220 = arith.constant 0 : i32
      %dma_start3A_1221 = tpu.memref_slice %arg13[%dma_start3A_1219, %dma_start3A_1220] : memref<320x128xf32, #tpu.memory_space<vmem>> -> memref<64x128xf32, #tpu.memory_space<vmem>>
      %dma_start3A_1222 = arith.constant 0 : i32
      %dma_start3A_1223 = arith.constant 0 : i32
      %dma_start3A_1224 = tpu.memref_slice %arg3[%dma_start3A_1222, %dma_start3A_1223] : memref<900000x128xf32, #tpu.memory_space<hbm>> -> memref<900000x128xf32, #tpu.memory_space<hbm>>
      tpu.enqueue_indirect_dma source(%dma_start3A_1224 : memref<900000x128xf32, #tpu.memory_space<hbm>>) target(%dma_start3A_1221 : memref<64x128xf32, #tpu.memory_space<vmem>>) offsets(%arg10 : memref<64xi32, #tpu.memory_space<vmem>>) semaphore(%arg16 : memref<!tpu.dma_semaphore, #tpu.memory_space<semaphore_mem>>)
      %while3A = arith.constant 0 : i32
      %while3A_1225 = arith.constant 0 : i32
      %while3A_1226 = arith.subi %select_n3A_1206, %while3A_1225 : i32
      %while3A_1227 = arith.addi %while3A_1225, %while3A_1226 : i32
      %while3A_1228 = arith.constant 1 : i32
      %while3A_1229 = arith.divsi %while3A_1226, %while3A_1228 : i32
      %while3A_1230 = arith.muli %while3A_1229, %while3A_1228 : i32
      %while3A_1231 = arith.addi %while3A_1225, %while3A_1230 : i32
      %while3A_1232 = arith.constant 1 : i32
      scf.for %while3A_2390 = %while3A_1225 to %while3A_1231 step %while3A_1232  : i32 {
        %mul3A_2391 = arith.constant 128 : i32
        %mul3A_2392 = arith.muli %while3A_2390, %mul3A_2391 : i32
        %dma_start3A_2393 = arith.constant 0 : i32
        %dma_start3A_2394 = tpu.memref_slice %arg14[%mul3A_2392, %dma_start3A_2393] : memref<384x128xf32, #tpu.memory_space<vmem>> -> memref<128x128xf32, #tpu.memory_space<vmem>>
        %dma_start3A_2395 = arith.constant 0 : i32
        %dma_start3A_2396 = tpu.memref_slice %arg11[%while3A_2390, %dma_start3A_2395] : memref<3x128xi32, #tpu.memory_space<vmem>> -> memref<1x128xi32, #tpu.memory_space<vmem>>
        %dma_start3A_2397 = tpu.memref_squeeze %dma_start3A_2396 : memref<1x128xi32, #tpu.memory_space<vmem>> -> memref<128xi32, #tpu.memory_space<vmem>>
        %dma_start3A_2398 = arith.constant 0 : i32
        %dma_start3A_2399 = arith.constant 0 : i32
        %dma_start3A_2400 = tpu.memref_slice %arg4[%dma_start3A_2398, %dma_start3A_2399] : memref<100000x128xf32, #tpu.memory_space<hbm>> -> memref<100000x128xf32, #tpu.memory_space<hbm>>
        tpu.enqueue_indirect_dma source(%dma_start3A_2400 : memref<100000x128xf32, #tpu.memory_space<hbm>>) target(%dma_start3A_2394 : memref<128x128xf32, #tpu.memory_space<vmem>>) offsets(%dma_start3A_2397 : memref<128xi32, #tpu.memory_space<vmem>>) semaphore(%arg17 : memref<!tpu.dma_semaphore, #tpu.memory_space<semaphore_mem>>)
      }
      %while3A_1233 = arith.constant 1 : i32
      scf.for %while3A_2390 = %while3A_1231 to %while3A_1227 step %while3A_1233  : i32 {
        %mul3A_2391 = arith.constant 128 : i32
        %mul3A_2392 = arith.muli %while3A_2390, %mul3A_2391 : i32
        %dma_start3A_2393 = arith.constant 0 : i32
        %dma_start3A_2394 = tpu.memref_slice %arg14[%mul3A_2392, %dma_start3A_2393] : memref<384x128xf32, #tpu.memory_space<vmem>> -> memref<128x128xf32, #tpu.memory_space<vmem>>
        %dma_start3A_2395 = arith.constant 0 : i32
        %dma_start3A_2396 = tpu.memref_slice %arg11[%while3A_2390, %dma_start3A_2395] : memref<3x128xi32, #tpu.memory_space<vmem>> -> memref<1x128xi32, #tpu.memory_space<vmem>>
        %dma_start3A_2397 = tpu.memref_squeeze %dma_start3A_2396 : memref<1x128xi32, #tpu.memory_space<vmem>> -> memref<128xi32, #tpu.memory_space<vmem>>
        %dma_start3A_2398 = arith.constant 0 : i32
        %dma_start3A_2399 = arith.constant 0 : i32
        %dma_start3A_2400 = tpu.memref_slice %arg4[%dma_start3A_2398, %dma_start3A_2399] : memref<100000x128xf32, #tpu.memory_space<hbm>> -> memref<100000x128xf32, #tpu.memory_space<hbm>>
        tpu.enqueue_indirect_dma source(%dma_start3A_2400 : memref<100000x128xf32, #tpu.memory_space<hbm>>) target(%dma_start3A_2394 : memref<128x128xf32, #tpu.memory_space<vmem>>) offsets(%dma_start3A_2397 : memref<128xi32, #tpu.memory_space<vmem>>) semaphore(%arg17 : memref<!tpu.dma_semaphore, #tpu.memory_space<semaphore_mem>>)
      }
      %dma_wait3A_1234 = arith.constant 0 : i32
      %dma_wait3A_1235 = arith.constant 0 : i32
      %dma_wait3A_1236 = tpu.memref_slice %arg13[%dma_wait3A_1234, %dma_wait3A_1235] : memref<320x128xf32, #tpu.memory_space<vmem>> -> memref<128x128xf32, #tpu.memory_space<vmem>>
      %dma_wait3A_1237 = arith.constant 0 : i32
      %dma_wait3A_1238 = arith.constant 0 : i32
      %dma_wait3A_1239 = tpu.memref_slice %arg3[%dma_wait3A_1237, %dma_wait3A_1238] : memref<900000x128xf32, #tpu.memory_space<hbm>> -> memref<900000x128xf32, #tpu.memory_space<hbm>>
      tpu.wait_indirect_dma semaphore(%arg16 : memref<!tpu.dma_semaphore, #tpu.memory_space<semaphore_mem>>) src(%dma_wait3A_1239 : memref<900000x128xf32, #tpu.memory_space<hbm>>) dst(%dma_wait3A_1236 : memref<128x128xf32, #tpu.memory_space<vmem>>)
      %dma_wait3A_1240 = arith.constant 128 : i32
      %dma_wait3A_1241 = arith.constant 0 : i32
      %dma_wait3A_1242 = tpu.memref_slice %arg13[%dma_wait3A_1240, %dma_wait3A_1241] : memref<320x128xf32, #tpu.memory_space<vmem>> -> memref<128x128xf32, #tpu.memory_space<vmem>>
      %dma_wait3A_1243 = arith.constant 0 : i32
      %dma_wait3A_1244 = arith.constant 0 : i32
      %dma_wait3A_1245 = tpu.memref_slice %arg3[%dma_wait3A_1243, %dma_wait3A_1244] : memref<900000x128xf32, #tpu.memory_space<hbm>> -> memref<900000x128xf32, #tpu.memory_space<hbm>>
      tpu.wait_indirect_dma semaphore(%arg16 : memref<!tpu.dma_semaphore, #tpu.memory_space<semaphore_mem>>) src(%dma_wait3A_1245 : memref<900000x128xf32, #tpu.memory_space<hbm>>) dst(%dma_wait3A_1242 : memref<128x128xf32, #tpu.memory_space<vmem>>)
      %dma_wait3A_1246 = arith.constant 256 : i32
      %dma_wait3A_1247 = arith.constant 0 : i32
      %dma_wait3A_1248 = tpu.memref_slice %arg13[%dma_wait3A_1246, %dma_wait3A_1247] : memref<320x128xf32, #tpu.memory_space<vmem>> -> memref<64x128xf32, #tpu.memory_space<vmem>>
      %dma_wait3A_1249 = arith.constant 0 : i32
      %dma_wait3A_1250 = arith.constant 0 : i32
      %dma_wait3A_1251 = tpu.memref_slice %arg3[%dma_wait3A_1249, %dma_wait3A_1250] : memref<900000x128xf32, #tpu.memory_space<hbm>> -> memref<900000x128xf32, #tpu.memory_space<hbm>>
      tpu.wait_indirect_dma semaphore(%arg16 : memref<!tpu.dma_semaphore, #tpu.memory_space<semaphore_mem>>) src(%dma_wait3A_1251 : memref<900000x128xf32, #tpu.memory_space<hbm>>) dst(%dma_wait3A_1248 : memref<64x128xf32, #tpu.memory_space<vmem>>)
      %while3A_1252 = arith.constant 0 : i32
      %while3A_1253 = arith.constant 0 : i32
      %while3A_1254 = arith.subi %select_n3A_1206, %while3A_1253 : i32
      %while3A_1255 = arith.addi %while3A_1253, %while3A_1254 : i32
      %while3A_1256 = arith.constant 1 : i32
      %while3A_1257 = arith.divsi %while3A_1254, %while3A_1256 : i32
      %while3A_1258 = arith.muli %while3A_1257, %while3A_1256 : i32
      %while3A_1259 = arith.addi %while3A_1253, %while3A_1258 : i32
      %while3A_1260 = arith.constant 1 : i32
      scf.for %while3A_2390 = %while3A_1253 to %while3A_1259 step %while3A_1260  : i32 {
        %mul3A_2391 = arith.constant 128 : i32
        %mul3A_2392 = arith.muli %while3A_2390, %mul3A_2391 : i32
        %dma_wait3A_2393 = arith.constant 0 : i32
        %dma_wait3A_2394 = tpu.memref_slice %arg14[%mul3A_2392, %dma_wait3A_2393] : memref<384x128xf32, #tpu.memory_space<vmem>> -> memref<128x128xf32, #tpu.memory_space<vmem>>
        %dma_wait3A_2395 = arith.constant 0 : i32
        %dma_wait3A_2396 = tpu.memref_slice %arg11[%while3A_2390, %dma_wait3A_2395] : memref<3x128xi32, #tpu.memory_space<vmem>> -> memref<1x128xi32, #tpu.memory_space<vmem>>
        %dma_wait3A_2397 = tpu.memref_squeeze %dma_wait3A_2396 : memref<1x128xi32, #tpu.memory_space<vmem>> -> memref<128xi32, #tpu.memory_space<vmem>>
        %dma_wait3A_2398 = arith.constant 0 : i32
        %dma_wait3A_2399 = arith.constant 0 : i32
        %dma_wait3A_2400 = tpu.memref_slice %arg4[%dma_wait3A_2398, %dma_wait3A_2399] : memref<100000x128xf32, #tpu.memory_space<hbm>> -> memref<100000x128xf32, #tpu.memory_space<hbm>>
        tpu.wait_indirect_dma semaphore(%arg17 : memref<!tpu.dma_semaphore, #tpu.memory_space<semaphore_mem>>) src(%dma_wait3A_2400 : memref<100000x128xf32, #tpu.memory_space<hbm>>) dst(%dma_wait3A_2394 : memref<128x128xf32, #tpu.memory_space<vmem>>)
      }
      %while3A_1261 = arith.constant 1 : i32
      scf.for %while3A_2390 = %while3A_1259 to %while3A_1255 step %while3A_1261  : i32 {
        %mul3A_2391 = arith.constant 128 : i32
        %mul3A_2392 = arith.muli %while3A_2390, %mul3A_2391 : i32
        %dma_wait3A_2393 = arith.constant 0 : i32
        %dma_wait3A_2394 = tpu.memref_slice %arg14[%mul3A_2392, %dma_wait3A_2393] : memref<384x128xf32, #tpu.memory_space<vmem>> -> memref<128x128xf32, #tpu.memory_space<vmem>>
        %dma_wait3A_2395 = arith.constant 0 : i32
        %dma_wait3A_2396 = tpu.memref_slice %arg11[%while3A_2390, %dma_wait3A_2395] : memref<3x128xi32, #tpu.memory_space<vmem>> -> memref<1x128xi32, #tpu.memory_space<vmem>>
        %dma_wait3A_2397 = tpu.memref_squeeze %dma_wait3A_2396 : memref<1x128xi32, #tpu.memory_space<vmem>> -> memref<128xi32, #tpu.memory_space<vmem>>
        %dma_wait3A_2398 = arith.constant 0 : i32
        %dma_wait3A_2399 = arith.constant 0 : i32
        %dma_wait3A_2400 = tpu.memref_slice %arg4[%dma_wait3A_2398, %dma_wait3A_2399] : memref<100000x128xf32, #tpu.memory_space<hbm>> -> memref<100000x128xf32, #tpu.memory_space<hbm>>
        tpu.wait_indirect_dma semaphore(%arg17 : memref<!tpu.dma_semaphore, #tpu.memory_space<semaphore_mem>>) src(%dma_wait3A_2400 : memref<100000x128xf32, #tpu.memory_space<hbm>>) dst(%dma_wait3A_2394 : memref<128x128xf32, #tpu.memory_space<vmem>>)
      }
      %mul3A_1262 = arith.constant 4 : i32
      %mul3A_1263 = arith.muli %add3A_1182, %mul3A_1262 : i32
      %while3A_1264 = arith.constant 0 : i32
      %while3A_1265 = arith.constant 0 : i32
      %while3A_1266 = arith.subi %mul3A_1263, %while3A_1265 : i32
      %while3A_1267 = arith.addi %while3A_1265, %while3A_1266 : i32
      %while3A_1268 = arith.constant 1 : i32
      %while3A_1269 = arith.divsi %while3A_1266, %while3A_1268 : i32
      %while3A_1270 = arith.muli %while3A_1269, %while3A_1268 : i32
      %while3A_1271 = arith.addi %while3A_1265, %while3A_1270 : i32
      %while3A_1272 = arith.constant 1 : i32
      scf.for %while3A_2390 = %while3A_1265 to %while3A_1271 step %while3A_1272  : i32 {
        %mul3A_2391 = arith.constant 16 : i32
        %mul3A_2392 = arith.muli %while3A_2390, %mul3A_2391 : i32
        %add3A_2393 = vector.broadcast %mul3A_2392 : i32 to vector<16xi32>
        %add3A_2394 = arith.addi %add3A_2393, %iota3A : vector<16xi32>
        %shift_right_arithmetic3A_2395 = arith.constant 6 : i32
        %shift_right_arithmetic3A_2396 = vector.broadcast %shift_right_arithmetic3A_2395 : i32 to vector<16xi32>
        %shift_right_arithmetic3A_2397 = arith.shrsi %add3A_2394, %shift_right_arithmetic3A_2396 : vector<16xi32>
        %and3A_2398 = arith.constant 63 : i32
        %and3A_2399 = vector.broadcast %and3A_2398 : i32 to vector<16xi32>
        %and3A_2400 = arith.andi %add3A_2394, %and3A_2399 : vector<16xi32>
        %gather3A = tpu.vector_load_idx %arg14[%shift_right_arithmetic3A_2397, %and3A_2400] : memref<384x128xf32, #tpu.memory_space<vmem>>[vector<16xi32>, vector<16xi32>], vector<16xf32>,
        %shift_right_arithmetic3A_2401 = arith.constant 7 : i32
        %shift_right_arithmetic3A_2402 = vector.broadcast %shift_right_arithmetic3A_2401 : i32 to vector<16xi32>
        %shift_right_arithmetic3A_2403 = arith.shrsi %shift_right_arithmetic3A_2397, %shift_right_arithmetic3A_2402 : vector<16xi32>
        %and3A_2404 = arith.constant 127 : i32
        %and3A_2405 = vector.broadcast %and3A_2404 : i32 to vector<16xi32>
        %and3A_2406 = arith.andi %shift_right_arithmetic3A_2397, %and3A_2405 : vector<16xi32>
        %gather3A_2407 = tpu.vector_load_idx %arg12[%shift_right_arithmetic3A_2403, %and3A_2406] : memref<3x128xi32, #tpu.memory_space<vmem>>[vector<16xi32>, vector<16xi32>], vector<16xi32>,
        %mul3A_2408 = arith.constant 64 : i32
        %mul3A_2409 = arith.muli %add3A_1182, %mul3A_2408 : i32
        %lt3A_2410 = vector.broadcast %mul3A_2409 : i32 to vector<16xi32>
        %lt3A_2411 = arith.cmpi slt, %add3A_2394, %lt3A_2410 : vector<16xi32>
        tpu.vector_store_idx %arg13[%gather3A_2407, %and3A_2400], %gather3A masked %lt3A_2411 : memref<320x128xf32, #tpu.memory_space<vmem>>[vector<16xi32>, vector<16xi32>], vector<16xf32>, vector<16xi1>
      }
      %while3A_1273 = arith.constant 1 : i32
      scf.for %while3A_2390 = %while3A_1271 to %while3A_1267 step %while3A_1273  : i32 {
        %mul3A_2391 = arith.constant 16 : i32
        %mul3A_2392 = arith.muli %while3A_2390, %mul3A_2391 : i32
        %add3A_2393 = vector.broadcast %mul3A_2392 : i32 to vector<16xi32>
        %add3A_2394 = arith.addi %add3A_2393, %iota3A : vector<16xi32>
        %shift_right_arithmetic3A_2395 = arith.constant 6 : i32
        %shift_right_arithmetic3A_2396 = vector.broadcast %shift_right_arithmetic3A_2395 : i32 to vector<16xi32>
        %shift_right_arithmetic3A_2397 = arith.shrsi %add3A_2394, %shift_right_arithmetic3A_2396 : vector<16xi32>
        %and3A_2398 = arith.constant 63 : i32
        %and3A_2399 = vector.broadcast %and3A_2398 : i32 to vector<16xi32>
        %and3A_2400 = arith.andi %add3A_2394, %and3A_2399 : vector<16xi32>
        %gather3A = tpu.vector_load_idx %arg14[%shift_right_arithmetic3A_2397, %and3A_2400] : memref<384x128xf32, #tpu.memory_space<vmem>>[vector<16xi32>, vector<16xi32>], vector<16xf32>,
        %shift_right_arithmetic3A_2401 = arith.constant 7 : i32
        %shift_right_arithmetic3A_2402 = vector.broadcast %shift_right_arithmetic3A_2401 : i32 to vector<16xi32>
        %shift_right_arithmetic3A_2403 = arith.shrsi %shift_right_arithmetic3A_2397, %shift_right_arithmetic3A_2402 : vector<16xi32>
        %and3A_2404 = arith.constant 127 : i32
        %and3A_2405 = vector.broadcast %and3A_2404 : i32 to vector<16xi32>
        %and3A_2406 = arith.andi %shift_right_arithmetic3A_2397, %and3A_2405 : vector<16xi32>
        %gather3A_2407 = tpu.vector_load_idx %arg12[%shift_right_arithmetic3A_2403, %and3A_2406] : memref<3x128xi32, #tpu.memory_space<vmem>>[vector<16xi32>, vector<16xi32>], vector<16xi32>,
        %mul3A_2408 = arith.constant 64 : i32
        %mul3A_2409 = arith.muli %add3A_1182, %mul3A_2408 : i32
        %lt3A_2410 = vector.broadcast %mul3A_2409 : i32 to vector<16xi32>
        %lt3A_2411 = arith.cmpi slt, %add3A_2394, %lt3A_2410 : vector<16xi32>
        tpu.vector_store_idx %arg13[%gather3A_2407, %and3A_2400], %gather3A masked %lt3A_2411 : memref<320x128xf32, #tpu.memory_space<vmem>>[vector<16xi32>, vector<16xi32>], vector<16xf32>, vector<16xi1>
      }
      "tpu.region"() ({
        %run_scoped3A = tpu.sem_alloc : memref<!tpu.dma_semaphore, #tpu.memory_space<semaphore_mem>>
        %dma_start3A_2390 = arith.constant 0 : i32
        %dma_start3A_2391 = tpu.memref_slice %arg5[%add3A_183, %dma_start3A_2390] : memref<819200x128xf32, #tpu.memory_space<hbm>> -> memref<320x128xf32, #tpu.memory_space<hbm>>
        %dma_start3A_2392 = arith.constant 0 : i32
        %dma_start3A_2393 = tpu.memref_slice %arg5[%add3A_183, %dma_start3A_2392] : memref<819200x128xf32, #tpu.memory_space<hbm>> -> memref<320x128xf32, #tpu.memory_space<hbm>>
        tpu.enqueue_dma source(%arg13 : memref<320x128xf32, #tpu.memory_space<vmem>>) target(%dma_start3A_2393 : memref<320x128xf32, #tpu.memory_space<hbm>>) target_semaphore(%run_scoped3A : memref<!tpu.dma_semaphore, #tpu.memory_space<semaphore_mem>>)
        %dma_wait3A_2394 = arith.constant 0 : i32
        %dma_wait3A_2395 = tpu.memref_slice %arg5[%add3A_183, %dma_wait3A_2394] : memref<819200x128xf32, #tpu.memory_space<hbm>> -> memref<320x128xf32, #tpu.memory_space<hbm>>
        %dma_wait3A_2396 = arith.constant 0 : i32
        %dma_wait3A_2397 = tpu.memref_slice %arg5[%add3A_183, %dma_wait3A_2396] : memref<819200x128xf32, #tpu.memory_space<hbm>> -> memref<320x128xf32, #tpu.memory_space<hbm>>
        tpu.wait_dma2 semaphore(%run_scoped3A : memref<!tpu.dma_semaphore, #tpu.memory_space<semaphore_mem>>) src(%arg13 : memref<320x128xf32, #tpu.memory_space<vmem>>) dst(%dma_wait3A_2397 : memref<320x128xf32, #tpu.memory_space<hbm>>)
        tpu.yield
      }) : () -> ()
      %mul3A_1274 = arith.constant 2 : i32
      %mul3A_1275 = arith.muli %mul3A_1274, %scan3A_178 : i32
      %add3A_1276 = arith.constant 1 : i32
      %add3A_1277 = arith.addi %mul3A_1275, %add3A_1276 : i32
      %mul3A_1278 = arith.constant 320 : i32
      %mul3A_1279 = arith.muli %add3A_1277, %mul3A_1278 : i32
      %add3A_1280 = arith.addi %mul3A_2, %mul3A_1279 : i32
      %dma_wait3A_1281 = arith.constant 0 : i32
      %dma_wait3A_1282 = tpu.memref_slice %arg2[%dma_wait3A_1281] : memref<819200xi32, #tpu.memory_space<hbm>> -> memref<320xi32, #tpu.memory_space<hbm>>
      %dma_wait3A_1283 = arith.constant 0 : i32
      %dma_wait3A_1284 = tpu.memref_slice %arg2[%dma_wait3A_1283] : memref<819200xi32, #tpu.memory_space<hbm>> -> memref<320xi32, #tpu.memory_space<hbm>>
      tpu.wait_dma2 semaphore(%arg15 : memref<!tpu.dma_semaphore, #tpu.memory_space<semaphore_mem>>) src(%dma_wait3A_1284 : memref<320xi32, #tpu.memory_space<hbm>>) dst(%arg7 : memref<320xi32, #tpu.memory_space<vmem>>)
      %add3A_1285 = arith.constant 1 : i32
      %add3A_1286 = arith.addi %add3A_1277, %add3A_1285 : i32
      %lt3A_1287 = arith.constant 80 : i32
      %lt3A_1288 = arith.cmpi slt, %add3A_1286, %lt3A_1287 : i32
      %convert_element_type3A_1289 = arith.extui %lt3A_1288 : i1 to i32
      %cond3A_1290 = arith.constant 0 : i32
      %cond3A_1291 = arith.cmpi ne, %convert_element_type3A_1289, %cond3A_1290 : i32
      scf.if %cond3A_1291 {
        %add3A_2390 = arith.constant 1 : i32
        %add3A_2391 = arith.addi %add3A_1277, %add3A_2390 : i32
        %mul3A_2392 = arith.constant 320 : i32
        %mul3A_2393 = arith.muli %add3A_2391, %mul3A_2392 : i32
        %add3A_2394 = arith.addi %mul3A_2, %mul3A_2393 : i32
        %dma_start3A_2395 = tpu.memref_slice %arg2[%add3A_2394] : memref<819200xi32, #tpu.memory_space<hbm>> -> memref<320xi32, #tpu.memory_space<hbm>>
        %dma_start3A_2396 = tpu.memref_slice %arg2[%add3A_2394] : memref<819200xi32, #tpu.memory_space<hbm>> -> memref<320xi32, #tpu.memory_space<hbm>>
        tpu.enqueue_dma source(%dma_start3A_2396 : memref<320xi32, #tpu.memory_space<hbm>>) target(%arg6 : memref<320xi32, #tpu.memory_space<vmem>>) target_semaphore(%arg15 : memref<!tpu.dma_semaphore, #tpu.memory_space<semaphore_mem>>)
      } else {
      }
      %get3A_1292 = arith.constant 0 : index
      %get3A_1293 = tpu.vector_load %arg7[%get3A_1292] {strides = array<i32>} : memref<320xi32, #tpu.memory_space<vmem>>, vector<16xi32>,
      %add3A_1294 = arith.constant 0 : i32
      %add3A_1295 = vector.broadcast %add3A_1294 : i32 to vector<16xi32>
      %add3A_1296 = arith.addi %iota3A, %add3A_1295 : vector<16xi32>
      %lt3A_1297 = arith.constant 900000 : i32
      %lt3A_1298 = vector.broadcast %lt3A_1297 : i32 to vector<16xi32>
      %lt3A_1299 = arith.cmpi slt, %get3A_1293, %lt3A_1298 : vector<16xi32>
      %select_n3A_1300 = arith.select %lt3A_1299, %get3A_1293, %add3A_1296 : vector<16xi1>, vector<16xi32>
      %swap3A_1301 = arith.constant 0 : index
      %swap3A_1302 = tpu.vector_load %arg8[%swap3A_1301] {strides = array<i32>} : memref<128xi32, #tpu.memory_space<vmem>>, vector<16xi32>,
      tpu.vector_store %arg8[%swap3A_1301], %select_n3A_1300 {strides = array<i32>} : memref<128xi32, #tpu.memory_space<vmem>>, vector<16xi32>,
      %jit3A_1303 = arith.constant 0 : i32
      %jit3A_1304 = arith.constant 1 : i32
      %broadcast_in_dim3A_1305 = vector.broadcast %jit3A_1303 : i32 to vector<16xi32>
      %broadcast_in_dim3A_1306 = vector.broadcast %jit3A_1304 : i32 to vector<16xi32>
      %select_n3A_1307 = arith.select %lt3A_1299, %broadcast_in_dim3A_1305, %broadcast_in_dim3A_1306 : vector<16xi1>, vector<16xi32>
      %broadcast_in_dim3A_1308 = arith.constant true
      %broadcast_in_dim3A_1309 = vector.broadcast %broadcast_in_dim3A_1308 : i1 to vector<16xi1>
      %masked_cumsum3A_1310 = tpu.scan <sum>, %select_n3A_1307 masked %broadcast_in_dim3A_1309 : vector<16xi32>, vector<16xi1> -> vector<16xi32>
      %sub3A_1311 = arith.subi %masked_cumsum3A_1310, %select_n3A_1307 : vector<16xi32>
      %add3A_1312 = arith.constant 0 : i32
      %add3A_1313 = vector.broadcast %add3A_1312 : i32 to vector<16xi32>
      %add3A_1314 = arith.addi %sub3A_1311, %add3A_1313 : vector<16xi32>
      %shift_right_arithmetic3A_1315 = arith.constant 7 : i32
      %shift_right_arithmetic3A_1316 = vector.broadcast %shift_right_arithmetic3A_1315 : i32 to vector<16xi32>
      %shift_right_arithmetic3A_1317 = arith.shrsi %add3A_1314, %shift_right_arithmetic3A_1316 : vector<16xi32>
      %and3A_1318 = arith.constant 127 : i32
      %and3A_1319 = vector.broadcast %and3A_1318 : i32 to vector<16xi32>
      %and3A_1320 = arith.andi %add3A_1314, %and3A_1319 : vector<16xi32>
      %sub3A_1321 = arith.constant 900000 : i32
      %sub3A_1322 = vector.broadcast %sub3A_1321 : i32 to vector<16xi32>
      %sub3A_1323 = arith.subi %get3A_1293, %sub3A_1322 : vector<16xi32>
      %not3A_1324 = arith.constant dense<true> : vector<16xi1>
      %not3A_1325 = arith.xori %lt3A_1299, %not3A_1324 : vector<16xi1>
      tpu.vector_store_idx %arg11[%shift_right_arithmetic3A_1317, %and3A_1320], %sub3A_1323 masked %not3A_1325 : memref<3x128xi32, #tpu.memory_space<vmem>>[vector<16xi32>, vector<16xi32>], vector<16xi32>, vector<16xi1>
      %shift_right_arithmetic3A_1326 = arith.constant 7 : i32
      %shift_right_arithmetic3A_1327 = vector.broadcast %shift_right_arithmetic3A_1326 : i32 to vector<16xi32>
      %shift_right_arithmetic3A_1328 = arith.shrsi %add3A_1314, %shift_right_arithmetic3A_1327 : vector<16xi32>
      %and3A_1329 = arith.constant 127 : i32
      %and3A_1330 = vector.broadcast %and3A_1329 : i32 to vector<16xi32>
      %and3A_1331 = arith.andi %add3A_1314, %and3A_1330 : vector<16xi32>
      %not3A_1332 = arith.constant dense<true> : vector<16xi1>
      %not3A_1333 = arith.xori %lt3A_1299, %not3A_1332 : vector<16xi1>
      tpu.vector_store_idx %arg12[%shift_right_arithmetic3A_1328, %and3A_1331], %add3A_1296 masked %not3A_1333 : memref<3x128xi32, #tpu.memory_space<vmem>>[vector<16xi32>, vector<16xi32>], vector<16xi32>, vector<16xi1>
      %reduce_max3A_1334 = arith.constant true
      %reduce_max3A_1335 = vector.broadcast %reduce_max3A_1334 : i1 to vector<16xi1>
      %reduce_max3A_1336 = arith.constant -2147483648 : i32
      %reduce_max3A_1337 = vector.broadcast %reduce_max3A_1336 : i32 to vector<16xi32>
      %reduce_max3A_1338 = arith.xori %masked_cumsum3A_1310, %reduce_max3A_1337 : vector<16xi32>
      %reduce_max3A_1339 = tpu.scan <max>, %reduce_max3A_1338 masked %reduce_max3A_1335 : vector<16xi32>, vector<16xi1> -> vector<16xi32>
      %reduce_max3A_1340 = arith.xori %reduce_max3A_1339, %reduce_max3A_1337 : vector<16xi32>
      %reduce_max3A_1341 = vector.extract %reduce_max3A_1340[15] : i32 from vector<16xi32>
      %add3A_1342 = arith.constant 0 : i32
      %add3A_1343 = arith.addi %add3A_1342, %reduce_max3A_1341 : i32
      %get3A_1344 = arith.constant 16 : index
      %get3A_1345 = tpu.vector_load %arg7[%get3A_1344] {strides = array<i32>} : memref<320xi32, #tpu.memory_space<vmem>>, vector<16xi32>,
      %add3A_1346 = arith.constant 16 : i32
      %add3A_1347 = vector.broadcast %add3A_1346 : i32 to vector<16xi32>
      %add3A_1348 = arith.addi %iota3A, %add3A_1347 : vector<16xi32>
      %lt3A_1349 = arith.constant 900000 : i32
      %lt3A_1350 = vector.broadcast %lt3A_1349 : i32 to vector<16xi32>
      %lt3A_1351 = arith.cmpi slt, %get3A_1345, %lt3A_1350 : vector<16xi32>
      %select_n3A_1352 = arith.select %lt3A_1351, %get3A_1345, %add3A_1348 : vector<16xi1>, vector<16xi32>
      %swap3A_1353 = arith.constant 16 : index
      %swap3A_1354 = tpu.vector_load %arg8[%swap3A_1353] {strides = array<i32>} : memref<128xi32, #tpu.memory_space<vmem>>, vector<16xi32>,
      tpu.vector_store %arg8[%swap3A_1353], %select_n3A_1352 {strides = array<i32>} : memref<128xi32, #tpu.memory_space<vmem>>, vector<16xi32>,
      %jit3A_1355 = arith.constant 0 : i32
      %jit3A_1356 = arith.constant 1 : i32
      %broadcast_in_dim3A_1357 = vector.broadcast %jit3A_1355 : i32 to vector<16xi32>
      %broadcast_in_dim3A_1358 = vector.broadcast %jit3A_1356 : i32 to vector<16xi32>
      %select_n3A_1359 = arith.select %lt3A_1351, %broadcast_in_dim3A_1357, %broadcast_in_dim3A_1358 : vector<16xi1>, vector<16xi32>
      %broadcast_in_dim3A_1360 = arith.constant true
      %broadcast_in_dim3A_1361 = vector.broadcast %broadcast_in_dim3A_1360 : i1 to vector<16xi1>
      %masked_cumsum3A_1362 = tpu.scan <sum>, %select_n3A_1359 masked %broadcast_in_dim3A_1361 : vector<16xi32>, vector<16xi1> -> vector<16xi32>
      %sub3A_1363 = arith.subi %masked_cumsum3A_1362, %select_n3A_1359 : vector<16xi32>
      %add3A_1364 = vector.broadcast %add3A_1343 : i32 to vector<16xi32>
      %add3A_1365 = arith.addi %sub3A_1363, %add3A_1364 : vector<16xi32>
      %shift_right_arithmetic3A_1366 = arith.constant 7 : i32
      %shift_right_arithmetic3A_1367 = vector.broadcast %shift_right_arithmetic3A_1366 : i32 to vector<16xi32>
      %shift_right_arithmetic3A_1368 = arith.shrsi %add3A_1365, %shift_right_arithmetic3A_1367 : vector<16xi32>
      %and3A_1369 = arith.constant 127 : i32
      %and3A_1370 = vector.broadcast %and3A_1369 : i32 to vector<16xi32>
      %and3A_1371 = arith.andi %add3A_1365, %and3A_1370 : vector<16xi32>
      %sub3A_1372 = arith.constant 900000 : i32
      %sub3A_1373 = vector.broadcast %sub3A_1372 : i32 to vector<16xi32>
      %sub3A_1374 = arith.subi %get3A_1345, %sub3A_1373 : vector<16xi32>
      %not3A_1375 = arith.constant dense<true> : vector<16xi1>
      %not3A_1376 = arith.xori %lt3A_1351, %not3A_1375 : vector<16xi1>
      tpu.vector_store_idx %arg11[%shift_right_arithmetic3A_1368, %and3A_1371], %sub3A_1374 masked %not3A_1376 : memref<3x128xi32, #tpu.memory_space<vmem>>[vector<16xi32>, vector<16xi32>], vector<16xi32>, vector<16xi1>
      %shift_right_arithmetic3A_1377 = arith.constant 7 : i32
      %shift_right_arithmetic3A_1378 = vector.broadcast %shift_right_arithmetic3A_1377 : i32 to vector<16xi32>
      %shift_right_arithmetic3A_1379 = arith.shrsi %add3A_1365, %shift_right_arithmetic3A_1378 : vector<16xi32>
      %and3A_1380 = arith.constant 127 : i32
      %and3A_1381 = vector.broadcast %and3A_1380 : i32 to vector<16xi32>
      %and3A_1382 = arith.andi %add3A_1365, %and3A_1381 : vector<16xi32>
      %not3A_1383 = arith.constant dense<true> : vector<16xi1>
      %not3A_1384 = arith.xori %lt3A_1351, %not3A_1383 : vector<16xi1>
      tpu.vector_store_idx %arg12[%shift_right_arithmetic3A_1379, %and3A_1382], %add3A_1348 masked %not3A_1384 : memref<3x128xi32, #tpu.memory_space<vmem>>[vector<16xi32>, vector<16xi32>], vector<16xi32>, vector<16xi1>
      %reduce_max3A_1385 = arith.constant true
      %reduce_max3A_1386 = vector.broadcast %reduce_max3A_1385 : i1 to vector<16xi1>
      %reduce_max3A_1387 = arith.constant -2147483648 : i32
      %reduce_max3A_1388 = vector.broadcast %reduce_max3A_1387 : i32 to vector<16xi32>
      %reduce_max3A_1389 = arith.xori %masked_cumsum3A_1362, %reduce_max3A_1388 : vector<16xi32>
      %reduce_max3A_1390 = tpu.scan <max>, %reduce_max3A_1389 masked %reduce_max3A_1386 : vector<16xi32>, vector<16xi1> -> vector<16xi32>
      %reduce_max3A_1391 = arith.xori %reduce_max3A_1390, %reduce_max3A_1388 : vector<16xi32>
      %reduce_max3A_1392 = vector.extract %reduce_max3A_1391[15] : i32 from vector<16xi32>
      %add3A_1393 = arith.addi %add3A_1343, %reduce_max3A_1392 : i32
      %get3A_1394 = arith.constant 32 : index
      %get3A_1395 = tpu.vector_load %arg7[%get3A_1394] {strides = array<i32>} : memref<320xi32, #tpu.memory_space<vmem>>, vector<16xi32>,
      %add3A_1396 = arith.constant 32 : i32
      %add3A_1397 = vector.broadcast %add3A_1396 : i32 to vector<16xi32>
      %add3A_1398 = arith.addi %iota3A, %add3A_1397 : vector<16xi32>
      %lt3A_1399 = arith.constant 900000 : i32
      %lt3A_1400 = vector.broadcast %lt3A_1399 : i32 to vector<16xi32>
      %lt3A_1401 = arith.cmpi slt, %get3A_1395, %lt3A_1400 : vector<16xi32>
      %select_n3A_1402 = arith.select %lt3A_1401, %get3A_1395, %add3A_1398 : vector<16xi1>, vector<16xi32>
      %swap3A_1403 = arith.constant 32 : index
      %swap3A_1404 = tpu.vector_load %arg8[%swap3A_1403] {strides = array<i32>} : memref<128xi32, #tpu.memory_space<vmem>>, vector<16xi32>,
      tpu.vector_store %arg8[%swap3A_1403], %select_n3A_1402 {strides = array<i32>} : memref<128xi32, #tpu.memory_space<vmem>>, vector<16xi32>,
      %jit3A_1405 = arith.constant 0 : i32
      %jit3A_1406 = arith.constant 1 : i32
      %broadcast_in_dim3A_1407 = vector.broadcast %jit3A_1405 : i32 to vector<16xi32>
      %broadcast_in_dim3A_1408 = vector.broadcast %jit3A_1406 : i32 to vector<16xi32>
      %select_n3A_1409 = arith.select %lt3A_1401, %broadcast_in_dim3A_1407, %broadcast_in_dim3A_1408 : vector<16xi1>, vector<16xi32>
      %broadcast_in_dim3A_1410 = arith.constant true
      %broadcast_in_dim3A_1411 = vector.broadcast %broadcast_in_dim3A_1410 : i1 to vector<16xi1>
      %masked_cumsum3A_1412 = tpu.scan <sum>, %select_n3A_1409 masked %broadcast_in_dim3A_1411 : vector<16xi32>, vector<16xi1> -> vector<16xi32>
      %sub3A_1413 = arith.subi %masked_cumsum3A_1412, %select_n3A_1409 : vector<16xi32>
      %add3A_1414 = vector.broadcast %add3A_1393 : i32 to vector<16xi32>
      %add3A_1415 = arith.addi %sub3A_1413, %add3A_1414 : vector<16xi32>
      %shift_right_arithmetic3A_1416 = arith.constant 7 : i32
      %shift_right_arithmetic3A_1417 = vector.broadcast %shift_right_arithmetic3A_1416 : i32 to vector<16xi32>
      %shift_right_arithmetic3A_1418 = arith.shrsi %add3A_1415, %shift_right_arithmetic3A_1417 : vector<16xi32>
      %and3A_1419 = arith.constant 127 : i32
      %and3A_1420 = vector.broadcast %and3A_1419 : i32 to vector<16xi32>
      %and3A_1421 = arith.andi %add3A_1415, %and3A_1420 : vector<16xi32>
      %sub3A_1422 = arith.constant 900000 : i32
      %sub3A_1423 = vector.broadcast %sub3A_1422 : i32 to vector<16xi32>
      %sub3A_1424 = arith.subi %get3A_1395, %sub3A_1423 : vector<16xi32>
      %not3A_1425 = arith.constant dense<true> : vector<16xi1>
      %not3A_1426 = arith.xori %lt3A_1401, %not3A_1425 : vector<16xi1>
      tpu.vector_store_idx %arg11[%shift_right_arithmetic3A_1418, %and3A_1421], %sub3A_1424 masked %not3A_1426 : memref<3x128xi32, #tpu.memory_space<vmem>>[vector<16xi32>, vector<16xi32>], vector<16xi32>, vector<16xi1>
      %shift_right_arithmetic3A_1427 = arith.constant 7 : i32
      %shift_right_arithmetic3A_1428 = vector.broadcast %shift_right_arithmetic3A_1427 : i32 to vector<16xi32>
      %shift_right_arithmetic3A_1429 = arith.shrsi %add3A_1415, %shift_right_arithmetic3A_1428 : vector<16xi32>
      %and3A_1430 = arith.constant 127 : i32
      %and3A_1431 = vector.broadcast %and3A_1430 : i32 to vector<16xi32>
      %and3A_1432 = arith.andi %add3A_1415, %and3A_1431 : vector<16xi32>
      %not3A_1433 = arith.constant dense<true> : vector<16xi1>
      %not3A_1434 = arith.xori %lt3A_1401, %not3A_1433 : vector<16xi1>
      tpu.vector_store_idx %arg12[%shift_right_arithmetic3A_1429, %and3A_1432], %add3A_1398 masked %not3A_1434 : memref<3x128xi32, #tpu.memory_space<vmem>>[vector<16xi32>, vector<16xi32>], vector<16xi32>, vector<16xi1>
      %reduce_max3A_1435 = arith.constant true
      %reduce_max3A_1436 = vector.broadcast %reduce_max3A_1435 : i1 to vector<16xi1>
      %reduce_max3A_1437 = arith.constant -2147483648 : i32
      %reduce_max3A_1438 = vector.broadcast %reduce_max3A_1437 : i32 to vector<16xi32>
      %reduce_max3A_1439 = arith.xori %masked_cumsum3A_1412, %reduce_max3A_1438 : vector<16xi32>
      %reduce_max3A_1440 = tpu.scan <max>, %reduce_max3A_1439 masked %reduce_max3A_1436 : vector<16xi32>, vector<16xi1> -> vector<16xi32>
      %reduce_max3A_1441 = arith.xori %reduce_max3A_1440, %reduce_max3A_1438 : vector<16xi32>
      %reduce_max3A_1442 = vector.extract %reduce_max3A_1441[15] : i32 from vector<16xi32>
      %add3A_1443 = arith.addi %add3A_1393, %reduce_max3A_1442 : i32
      %get3A_1444 = arith.constant 48 : index
      %get3A_1445 = tpu.vector_load %arg7[%get3A_1444] {strides = array<i32>} : memref<320xi32, #tpu.memory_space<vmem>>, vector<16xi32>,
      %add3A_1446 = arith.constant 48 : i32
      %add3A_1447 = vector.broadcast %add3A_1446 : i32 to vector<16xi32>
      %add3A_1448 = arith.addi %iota3A, %add3A_1447 : vector<16xi32>
      %lt3A_1449 = arith.constant 900000 : i32
      %lt3A_1450 = vector.broadcast %lt3A_1449 : i32 to vector<16xi32>
      %lt3A_1451 = arith.cmpi slt, %get3A_1445, %lt3A_1450 : vector<16xi32>
      %select_n3A_1452 = arith.select %lt3A_1451, %get3A_1445, %add3A_1448 : vector<16xi1>, vector<16xi32>
      %swap3A_1453 = arith.constant 48 : index
      %swap3A_1454 = tpu.vector_load %arg8[%swap3A_1453] {strides = array<i32>} : memref<128xi32, #tpu.memory_space<vmem>>, vector<16xi32>,
      tpu.vector_store %arg8[%swap3A_1453], %select_n3A_1452 {strides = array<i32>} : memref<128xi32, #tpu.memory_space<vmem>>, vector<16xi32>,
      %jit3A_1455 = arith.constant 0 : i32
      %jit3A_1456 = arith.constant 1 : i32
      %broadcast_in_dim3A_1457 = vector.broadcast %jit3A_1455 : i32 to vector<16xi32>
      %broadcast_in_dim3A_1458 = vector.broadcast %jit3A_1456 : i32 to vector<16xi32>
      %select_n3A_1459 = arith.select %lt3A_1451, %broadcast_in_dim3A_1457, %broadcast_in_dim3A_1458 : vector<16xi1>, vector<16xi32>
      %broadcast_in_dim3A_1460 = arith.constant true
      %broadcast_in_dim3A_1461 = vector.broadcast %broadcast_in_dim3A_1460 : i1 to vector<16xi1>
      %masked_cumsum3A_1462 = tpu.scan <sum>, %select_n3A_1459 masked %broadcast_in_dim3A_1461 : vector<16xi32>, vector<16xi1> -> vector<16xi32>
      %sub3A_1463 = arith.subi %masked_cumsum3A_1462, %select_n3A_1459 : vector<16xi32>
      %add3A_1464 = vector.broadcast %add3A_1443 : i32 to vector<16xi32>
      %add3A_1465 = arith.addi %sub3A_1463, %add3A_1464 : vector<16xi32>
      %shift_right_arithmetic3A_1466 = arith.constant 7 : i32
      %shift_right_arithmetic3A_1467 = vector.broadcast %shift_right_arithmetic3A_1466 : i32 to vector<16xi32>
      %shift_right_arithmetic3A_1468 = arith.shrsi %add3A_1465, %shift_right_arithmetic3A_1467 : vector<16xi32>
      %and3A_1469 = arith.constant 127 : i32
      %and3A_1470 = vector.broadcast %and3A_1469 : i32 to vector<16xi32>
      %and3A_1471 = arith.andi %add3A_1465, %and3A_1470 : vector<16xi32>
      %sub3A_1472 = arith.constant 900000 : i32
      %sub3A_1473 = vector.broadcast %sub3A_1472 : i32 to vector<16xi32>
      %sub3A_1474 = arith.subi %get3A_1445, %sub3A_1473 : vector<16xi32>
      %not3A_1475 = arith.constant dense<true> : vector<16xi1>
      %not3A_1476 = arith.xori %lt3A_1451, %not3A_1475 : vector<16xi1>
      tpu.vector_store_idx %arg11[%shift_right_arithmetic3A_1468, %and3A_1471], %sub3A_1474 masked %not3A_1476 : memref<3x128xi32, #tpu.memory_space<vmem>>[vector<16xi32>, vector<16xi32>], vector<16xi32>, vector<16xi1>
      %shift_right_arithmetic3A_1477 = arith.constant 7 : i32
      %shift_right_arithmetic3A_1478 = vector.broadcast %shift_right_arithmetic3A_1477 : i32 to vector<16xi32>
      %shift_right_arithmetic3A_1479 = arith.shrsi %add3A_1465, %shift_right_arithmetic3A_1478 : vector<16xi32>
      %and3A_1480 = arith.constant 127 : i32
      %and3A_1481 = vector.broadcast %and3A_1480 : i32 to vector<16xi32>
      %and3A_1482 = arith.andi %add3A_1465, %and3A_1481 : vector<16xi32>
      %not3A_1483 = arith.constant dense<true> : vector<16xi1>
      %not3A_1484 = arith.xori %lt3A_1451, %not3A_1483 : vector<16xi1>
      tpu.vector_store_idx %arg12[%shift_right_arithmetic3A_1479, %and3A_1482], %add3A_1448 masked %not3A_1484 : memref<3x128xi32, #tpu.memory_space<vmem>>[vector<16xi32>, vector<16xi32>], vector<16xi32>, vector<16xi1>
      %reduce_max3A_1485 = arith.constant true
      %reduce_max3A_1486 = vector.broadcast %reduce_max3A_1485 : i1 to vector<16xi1>
      %reduce_max3A_1487 = arith.constant -2147483648 : i32
      %reduce_max3A_1488 = vector.broadcast %reduce_max3A_1487 : i32 to vector<16xi32>
      %reduce_max3A_1489 = arith.xori %masked_cumsum3A_1462, %reduce_max3A_1488 : vector<16xi32>
      %reduce_max3A_1490 = tpu.scan <max>, %reduce_max3A_1489 masked %reduce_max3A_1486 : vector<16xi32>, vector<16xi1> -> vector<16xi32>
      %reduce_max3A_1491 = arith.xori %reduce_max3A_1490, %reduce_max3A_1488 : vector<16xi32>
      %reduce_max3A_1492 = vector.extract %reduce_max3A_1491[15] : i32 from vector<16xi32>
      %add3A_1493 = arith.addi %add3A_1443, %reduce_max3A_1492 : i32
      %get3A_1494 = arith.constant 64 : index
      %get3A_1495 = tpu.vector_load %arg7[%get3A_1494] {strides = array<i32>} : memref<320xi32, #tpu.memory_space<vmem>>, vector<16xi32>,
      %add3A_1496 = arith.constant 64 : i32
      %add3A_1497 = vector.broadcast %add3A_1496 : i32 to vector<16xi32>
      %add3A_1498 = arith.addi %iota3A, %add3A_1497 : vector<16xi32>
      %lt3A_1499 = arith.constant 900000 : i32
      %lt3A_1500 = vector.broadcast %lt3A_1499 : i32 to vector<16xi32>
      %lt3A_1501 = arith.cmpi slt, %get3A_1495, %lt3A_1500 : vector<16xi32>
      %select_n3A_1502 = arith.select %lt3A_1501, %get3A_1495, %add3A_1498 : vector<16xi1>, vector<16xi32>
      %swap3A_1503 = arith.constant 64 : index
      %swap3A_1504 = tpu.vector_load %arg8[%swap3A_1503] {strides = array<i32>} : memref<128xi32, #tpu.memory_space<vmem>>, vector<16xi32>,
      tpu.vector_store %arg8[%swap3A_1503], %select_n3A_1502 {strides = array<i32>} : memref<128xi32, #tpu.memory_space<vmem>>, vector<16xi32>,
      %jit3A_1505 = arith.constant 0 : i32
      %jit3A_1506 = arith.constant 1 : i32
      %broadcast_in_dim3A_1507 = vector.broadcast %jit3A_1505 : i32 to vector<16xi32>
      %broadcast_in_dim3A_1508 = vector.broadcast %jit3A_1506 : i32 to vector<16xi32>
      %select_n3A_1509 = arith.select %lt3A_1501, %broadcast_in_dim3A_1507, %broadcast_in_dim3A_1508 : vector<16xi1>, vector<16xi32>
      %broadcast_in_dim3A_1510 = arith.constant true
      %broadcast_in_dim3A_1511 = vector.broadcast %broadcast_in_dim3A_1510 : i1 to vector<16xi1>
      %masked_cumsum3A_1512 = tpu.scan <sum>, %select_n3A_1509 masked %broadcast_in_dim3A_1511 : vector<16xi32>, vector<16xi1> -> vector<16xi32>
      %sub3A_1513 = arith.subi %masked_cumsum3A_1512, %select_n3A_1509 : vector<16xi32>
      %add3A_1514 = vector.broadcast %add3A_1493 : i32 to vector<16xi32>
      %add3A_1515 = arith.addi %sub3A_1513, %add3A_1514 : vector<16xi32>
      %shift_right_arithmetic3A_1516 = arith.constant 7 : i32
      %shift_right_arithmetic3A_1517 = vector.broadcast %shift_right_arithmetic3A_1516 : i32 to vector<16xi32>
      %shift_right_arithmetic3A_1518 = arith.shrsi %add3A_1515, %shift_right_arithmetic3A_1517 : vector<16xi32>
      %and3A_1519 = arith.constant 127 : i32
      %and3A_1520 = vector.broadcast %and3A_1519 : i32 to vector<16xi32>
      %and3A_1521 = arith.andi %add3A_1515, %and3A_1520 : vector<16xi32>
      %sub3A_1522 = arith.constant 900000 : i32
      %sub3A_1523 = vector.broadcast %sub3A_1522 : i32 to vector<16xi32>
      %sub3A_1524 = arith.subi %get3A_1495, %sub3A_1523 : vector<16xi32>
      %not3A_1525 = arith.constant dense<true> : vector<16xi1>
      %not3A_1526 = arith.xori %lt3A_1501, %not3A_1525 : vector<16xi1>
      tpu.vector_store_idx %arg11[%shift_right_arithmetic3A_1518, %and3A_1521], %sub3A_1524 masked %not3A_1526 : memref<3x128xi32, #tpu.memory_space<vmem>>[vector<16xi32>, vector<16xi32>], vector<16xi32>, vector<16xi1>
      %shift_right_arithmetic3A_1527 = arith.constant 7 : i32
      %shift_right_arithmetic3A_1528 = vector.broadcast %shift_right_arithmetic3A_1527 : i32 to vector<16xi32>
      %shift_right_arithmetic3A_1529 = arith.shrsi %add3A_1515, %shift_right_arithmetic3A_1528 : vector<16xi32>
      %and3A_1530 = arith.constant 127 : i32
      %and3A_1531 = vector.broadcast %and3A_1530 : i32 to vector<16xi32>
      %and3A_1532 = arith.andi %add3A_1515, %and3A_1531 : vector<16xi32>
      %not3A_1533 = arith.constant dense<true> : vector<16xi1>
      %not3A_1534 = arith.xori %lt3A_1501, %not3A_1533 : vector<16xi1>
      tpu.vector_store_idx %arg12[%shift_right_arithmetic3A_1529, %and3A_1532], %add3A_1498 masked %not3A_1534 : memref<3x128xi32, #tpu.memory_space<vmem>>[vector<16xi32>, vector<16xi32>], vector<16xi32>, vector<16xi1>
      %reduce_max3A_1535 = arith.constant true
      %reduce_max3A_1536 = vector.broadcast %reduce_max3A_1535 : i1 to vector<16xi1>
      %reduce_max3A_1537 = arith.constant -2147483648 : i32
      %reduce_max3A_1538 = vector.broadcast %reduce_max3A_1537 : i32 to vector<16xi32>
      %reduce_max3A_1539 = arith.xori %masked_cumsum3A_1512, %reduce_max3A_1538 : vector<16xi32>
      %reduce_max3A_1540 = tpu.scan <max>, %reduce_max3A_1539 masked %reduce_max3A_1536 : vector<16xi32>, vector<16xi1> -> vector<16xi32>
      %reduce_max3A_1541 = arith.xori %reduce_max3A_1540, %reduce_max3A_1538 : vector<16xi32>
      %reduce_max3A_1542 = vector.extract %reduce_max3A_1541[15] : i32 from vector<16xi32>
      %add3A_1543 = arith.addi %add3A_1493, %reduce_max3A_1542 : i32
      %get3A_1544 = arith.constant 80 : index
      %get3A_1545 = tpu.vector_load %arg7[%get3A_1544] {strides = array<i32>} : memref<320xi32, #tpu.memory_space<vmem>>, vector<16xi32>,
      %add3A_1546 = arith.constant 80 : i32
      %add3A_1547 = vector.broadcast %add3A_1546 : i32 to vector<16xi32>
      %add3A_1548 = arith.addi %iota3A, %add3A_1547 : vector<16xi32>
      %lt3A_1549 = arith.constant 900000 : i32
      %lt3A_1550 = vector.broadcast %lt3A_1549 : i32 to vector<16xi32>
      %lt3A_1551 = arith.cmpi slt, %get3A_1545, %lt3A_1550 : vector<16xi32>
      %select_n3A_1552 = arith.select %lt3A_1551, %get3A_1545, %add3A_1548 : vector<16xi1>, vector<16xi32>
      %swap3A_1553 = arith.constant 80 : index
      %swap3A_1554 = tpu.vector_load %arg8[%swap3A_1553] {strides = array<i32>} : memref<128xi32, #tpu.memory_space<vmem>>, vector<16xi32>,
      tpu.vector_store %arg8[%swap3A_1553], %select_n3A_1552 {strides = array<i32>} : memref<128xi32, #tpu.memory_space<vmem>>, vector<16xi32>,
      %jit3A_1555 = arith.constant 0 : i32
      %jit3A_1556 = arith.constant 1 : i32
      %broadcast_in_dim3A_1557 = vector.broadcast %jit3A_1555 : i32 to vector<16xi32>
      %broadcast_in_dim3A_1558 = vector.broadcast %jit3A_1556 : i32 to vector<16xi32>
      %select_n3A_1559 = arith.select %lt3A_1551, %broadcast_in_dim3A_1557, %broadcast_in_dim3A_1558 : vector<16xi1>, vector<16xi32>
      %broadcast_in_dim3A_1560 = arith.constant true
      %broadcast_in_dim3A_1561 = vector.broadcast %broadcast_in_dim3A_1560 : i1 to vector<16xi1>
      %masked_cumsum3A_1562 = tpu.scan <sum>, %select_n3A_1559 masked %broadcast_in_dim3A_1561 : vector<16xi32>, vector<16xi1> -> vector<16xi32>
      %sub3A_1563 = arith.subi %masked_cumsum3A_1562, %select_n3A_1559 : vector<16xi32>
      %add3A_1564 = vector.broadcast %add3A_1543 : i32 to vector<16xi32>
      %add3A_1565 = arith.addi %sub3A_1563, %add3A_1564 : vector<16xi32>
      %shift_right_arithmetic3A_1566 = arith.constant 7 : i32
      %shift_right_arithmetic3A_1567 = vector.broadcast %shift_right_arithmetic3A_1566 : i32 to vector<16xi32>
      %shift_right_arithmetic3A_1568 = arith.shrsi %add3A_1565, %shift_right_arithmetic3A_1567 : vector<16xi32>
      %and3A_1569 = arith.constant 127 : i32
      %and3A_1570 = vector.broadcast %and3A_1569 : i32 to vector<16xi32>
      %and3A_1571 = arith.andi %add3A_1565, %and3A_1570 : vector<16xi32>
      %sub3A_1572 = arith.constant 900000 : i32
      %sub3A_1573 = vector.broadcast %sub3A_1572 : i32 to vector<16xi32>
      %sub3A_1574 = arith.subi %get3A_1545, %sub3A_1573 : vector<16xi32>
      %not3A_1575 = arith.constant dense<true> : vector<16xi1>
      %not3A_1576 = arith.xori %lt3A_1551, %not3A_1575 : vector<16xi1>
      tpu.vector_store_idx %arg11[%shift_right_arithmetic3A_1568, %and3A_1571], %sub3A_1574 masked %not3A_1576 : memref<3x128xi32, #tpu.memory_space<vmem>>[vector<16xi32>, vector<16xi32>], vector<16xi32>, vector<16xi1>
      %shift_right_arithmetic3A_1577 = arith.constant 7 : i32
      %shift_right_arithmetic3A_1578 = vector.broadcast %shift_right_arithmetic3A_1577 : i32 to vector<16xi32>
      %shift_right_arithmetic3A_1579 = arith.shrsi %add3A_1565, %shift_right_arithmetic3A_1578 : vector<16xi32>
      %and3A_1580 = arith.constant 127 : i32
      %and3A_1581 = vector.broadcast %and3A_1580 : i32 to vector<16xi32>
      %and3A_1582 = arith.andi %add3A_1565, %and3A_1581 : vector<16xi32>
      %not3A_1583 = arith.constant dense<true> : vector<16xi1>
      %not3A_1584 = arith.xori %lt3A_1551, %not3A_1583 : vector<16xi1>
      tpu.vector_store_idx %arg12[%shift_right_arithmetic3A_1579, %and3A_1582], %add3A_1548 masked %not3A_1584 : memref<3x128xi32, #tpu.memory_space<vmem>>[vector<16xi32>, vector<16xi32>], vector<16xi32>, vector<16xi1>
      %reduce_max3A_1585 = arith.constant true
      %reduce_max3A_1586 = vector.broadcast %reduce_max3A_1585 : i1 to vector<16xi1>
      %reduce_max3A_1587 = arith.constant -2147483648 : i32
      %reduce_max3A_1588 = vector.broadcast %reduce_max3A_1587 : i32 to vector<16xi32>
      %reduce_max3A_1589 = arith.xori %masked_cumsum3A_1562, %reduce_max3A_1588 : vector<16xi32>
      %reduce_max3A_1590 = tpu.scan <max>, %reduce_max3A_1589 masked %reduce_max3A_1586 : vector<16xi32>, vector<16xi1> -> vector<16xi32>
      %reduce_max3A_1591 = arith.xori %reduce_max3A_1590, %reduce_max3A_1588 : vector<16xi32>
      %reduce_max3A_1592 = vector.extract %reduce_max3A_1591[15] : i32 from vector<16xi32>
      %add3A_1593 = arith.addi %add3A_1543, %reduce_max3A_1592 : i32
      %get3A_1594 = arith.constant 96 : index
      %get3A_1595 = tpu.vector_load %arg7[%get3A_1594] {strides = array<i32>} : memref<320xi32, #tpu.memory_space<vmem>>, vector<16xi32>,
      %add3A_1596 = arith.constant 96 : i32
      %add3A_1597 = vector.broadcast %add3A_1596 : i32 to vector<16xi32>
      %add3A_1598 = arith.addi %iota3A, %add3A_1597 : vector<16xi32>
      %lt3A_1599 = arith.constant 900000 : i32
      %lt3A_1600 = vector.broadcast %lt3A_1599 : i32 to vector<16xi32>
      %lt3A_1601 = arith.cmpi slt, %get3A_1595, %lt3A_1600 : vector<16xi32>
      %select_n3A_1602 = arith.select %lt3A_1601, %get3A_1595, %add3A_1598 : vector<16xi1>, vector<16xi32>
      %swap3A_1603 = arith.constant 96 : index
      %swap3A_1604 = tpu.vector_load %arg8[%swap3A_1603] {strides = array<i32>} : memref<128xi32, #tpu.memory_space<vmem>>, vector<16xi32>,
      tpu.vector_store %arg8[%swap3A_1603], %select_n3A_1602 {strides = array<i32>} : memref<128xi32, #tpu.memory_space<vmem>>, vector<16xi32>,
      %jit3A_1605 = arith.constant 0 : i32
      %jit3A_1606 = arith.constant 1 : i32
      %broadcast_in_dim3A_1607 = vector.broadcast %jit3A_1605 : i32 to vector<16xi32>
      %broadcast_in_dim3A_1608 = vector.broadcast %jit3A_1606 : i32 to vector<16xi32>
      %select_n3A_1609 = arith.select %lt3A_1601, %broadcast_in_dim3A_1607, %broadcast_in_dim3A_1608 : vector<16xi1>, vector<16xi32>
      %broadcast_in_dim3A_1610 = arith.constant true
      %broadcast_in_dim3A_1611 = vector.broadcast %broadcast_in_dim3A_1610 : i1 to vector<16xi1>
      %masked_cumsum3A_1612 = tpu.scan <sum>, %select_n3A_1609 masked %broadcast_in_dim3A_1611 : vector<16xi32>, vector<16xi1> -> vector<16xi32>
      %sub3A_1613 = arith.subi %masked_cumsum3A_1612, %select_n3A_1609 : vector<16xi32>
      %add3A_1614 = vector.broadcast %add3A_1593 : i32 to vector<16xi32>
      %add3A_1615 = arith.addi %sub3A_1613, %add3A_1614 : vector<16xi32>
      %shift_right_arithmetic3A_1616 = arith.constant 7 : i32
      %shift_right_arithmetic3A_1617 = vector.broadcast %shift_right_arithmetic3A_1616 : i32 to vector<16xi32>
      %shift_right_arithmetic3A_1618 = arith.shrsi %add3A_1615, %shift_right_arithmetic3A_1617 : vector<16xi32>
      %and3A_1619 = arith.constant 127 : i32
      %and3A_1620 = vector.broadcast %and3A_1619 : i32 to vector<16xi32>
      %and3A_1621 = arith.andi %add3A_1615, %and3A_1620 : vector<16xi32>
      %sub3A_1622 = arith.constant 900000 : i32
      %sub3A_1623 = vector.broadcast %sub3A_1622 : i32 to vector<16xi32>
      %sub3A_1624 = arith.subi %get3A_1595, %sub3A_1623 : vector<16xi32>
      %not3A_1625 = arith.constant dense<true> : vector<16xi1>
      %not3A_1626 = arith.xori %lt3A_1601, %not3A_1625 : vector<16xi1>
      tpu.vector_store_idx %arg11[%shift_right_arithmetic3A_1618, %and3A_1621], %sub3A_1624 masked %not3A_1626 : memref<3x128xi32, #tpu.memory_space<vmem>>[vector<16xi32>, vector<16xi32>], vector<16xi32>, vector<16xi1>
      %shift_right_arithmetic3A_1627 = arith.constant 7 : i32
      %shift_right_arithmetic3A_1628 = vector.broadcast %shift_right_arithmetic3A_1627 : i32 to vector<16xi32>
      %shift_right_arithmetic3A_1629 = arith.shrsi %add3A_1615, %shift_right_arithmetic3A_1628 : vector<16xi32>
      %and3A_1630 = arith.constant 127 : i32
      %and3A_1631 = vector.broadcast %and3A_1630 : i32 to vector<16xi32>
      %and3A_1632 = arith.andi %add3A_1615, %and3A_1631 : vector<16xi32>
      %not3A_1633 = arith.constant dense<true> : vector<16xi1>
      %not3A_1634 = arith.xori %lt3A_1601, %not3A_1633 : vector<16xi1>
      tpu.vector_store_idx %arg12[%shift_right_arithmetic3A_1629, %and3A_1632], %add3A_1598 masked %not3A_1634 : memref<3x128xi32, #tpu.memory_space<vmem>>[vector<16xi32>, vector<16xi32>], vector<16xi32>, vector<16xi1>
      %reduce_max3A_1635 = arith.constant true
      %reduce_max3A_1636 = vector.broadcast %reduce_max3A_1635 : i1 to vector<16xi1>
      %reduce_max3A_1637 = arith.constant -2147483648 : i32
      %reduce_max3A_1638 = vector.broadcast %reduce_max3A_1637 : i32 to vector<16xi32>
      %reduce_max3A_1639 = arith.xori %masked_cumsum3A_1612, %reduce_max3A_1638 : vector<16xi32>
      %reduce_max3A_1640 = tpu.scan <max>, %reduce_max3A_1639 masked %reduce_max3A_1636 : vector<16xi32>, vector<16xi1> -> vector<16xi32>
      %reduce_max3A_1641 = arith.xori %reduce_max3A_1640, %reduce_max3A_1638 : vector<16xi32>
      %reduce_max3A_1642 = vector.extract %reduce_max3A_1641[15] : i32 from vector<16xi32>
      %add3A_1643 = arith.addi %add3A_1593, %reduce_max3A_1642 : i32
      %get3A_1644 = arith.constant 112 : index
      %get3A_1645 = tpu.vector_load %arg7[%get3A_1644] {strides = array<i32>} : memref<320xi32, #tpu.memory_space<vmem>>, vector<16xi32>,
      %add3A_1646 = arith.constant 112 : i32
      %add3A_1647 = vector.broadcast %add3A_1646 : i32 to vector<16xi32>
      %add3A_1648 = arith.addi %iota3A, %add3A_1647 : vector<16xi32>
      %lt3A_1649 = arith.constant 900000 : i32
      %lt3A_1650 = vector.broadcast %lt3A_1649 : i32 to vector<16xi32>
      %lt3A_1651 = arith.cmpi slt, %get3A_1645, %lt3A_1650 : vector<16xi32>
      %select_n3A_1652 = arith.select %lt3A_1651, %get3A_1645, %add3A_1648 : vector<16xi1>, vector<16xi32>
      %swap3A_1653 = arith.constant 112 : index
      %swap3A_1654 = tpu.vector_load %arg8[%swap3A_1653] {strides = array<i32>} : memref<128xi32, #tpu.memory_space<vmem>>, vector<16xi32>,
      tpu.vector_store %arg8[%swap3A_1653], %select_n3A_1652 {strides = array<i32>} : memref<128xi32, #tpu.memory_space<vmem>>, vector<16xi32>,
      %jit3A_1655 = arith.constant 0 : i32
      %jit3A_1656 = arith.constant 1 : i32
      %broadcast_in_dim3A_1657 = vector.broadcast %jit3A_1655 : i32 to vector<16xi32>
      %broadcast_in_dim3A_1658 = vector.broadcast %jit3A_1656 : i32 to vector<16xi32>
      %select_n3A_1659 = arith.select %lt3A_1651, %broadcast_in_dim3A_1657, %broadcast_in_dim3A_1658 : vector<16xi1>, vector<16xi32>
      %broadcast_in_dim3A_1660 = arith.constant true
      %broadcast_in_dim3A_1661 = vector.broadcast %broadcast_in_dim3A_1660 : i1 to vector<16xi1>
      %masked_cumsum3A_1662 = tpu.scan <sum>, %select_n3A_1659 masked %broadcast_in_dim3A_1661 : vector<16xi32>, vector<16xi1> -> vector<16xi32>
      %sub3A_1663 = arith.subi %masked_cumsum3A_1662, %select_n3A_1659 : vector<16xi32>
      %add3A_1664 = vector.broadcast %add3A_1643 : i32 to vector<16xi32>
      %add3A_1665 = arith.addi %sub3A_1663, %add3A_1664 : vector<16xi32>
      %shift_right_arithmetic3A_1666 = arith.constant 7 : i32
      %shift_right_arithmetic3A_1667 = vector.broadcast %shift_right_arithmetic3A_1666 : i32 to vector<16xi32>
      %shift_right_arithmetic3A_1668 = arith.shrsi %add3A_1665, %shift_right_arithmetic3A_1667 : vector<16xi32>
      %and3A_1669 = arith.constant 127 : i32
      %and3A_1670 = vector.broadcast %and3A_1669 : i32 to vector<16xi32>
      %and3A_1671 = arith.andi %add3A_1665, %and3A_1670 : vector<16xi32>
      %sub3A_1672 = arith.constant 900000 : i32
      %sub3A_1673 = vector.broadcast %sub3A_1672 : i32 to vector<16xi32>
      %sub3A_1674 = arith.subi %get3A_1645, %sub3A_1673 : vector<16xi32>
      %not3A_1675 = arith.constant dense<true> : vector<16xi1>
      %not3A_1676 = arith.xori %lt3A_1651, %not3A_1675 : vector<16xi1>
      tpu.vector_store_idx %arg11[%shift_right_arithmetic3A_1668, %and3A_1671], %sub3A_1674 masked %not3A_1676 : memref<3x128xi32, #tpu.memory_space<vmem>>[vector<16xi32>, vector<16xi32>], vector<16xi32>, vector<16xi1>
      %shift_right_arithmetic3A_1677 = arith.constant 7 : i32
      %shift_right_arithmetic3A_1678 = vector.broadcast %shift_right_arithmetic3A_1677 : i32 to vector<16xi32>
      %shift_right_arithmetic3A_1679 = arith.shrsi %add3A_1665, %shift_right_arithmetic3A_1678 : vector<16xi32>
      %and3A_1680 = arith.constant 127 : i32
      %and3A_1681 = vector.broadcast %and3A_1680 : i32 to vector<16xi32>
      %and3A_1682 = arith.andi %add3A_1665, %and3A_1681 : vector<16xi32>
      %not3A_1683 = arith.constant dense<true> : vector<16xi1>
      %not3A_1684 = arith.xori %lt3A_1651, %not3A_1683 : vector<16xi1>
      tpu.vector_store_idx %arg12[%shift_right_arithmetic3A_1679, %and3A_1682], %add3A_1648 masked %not3A_1684 : memref<3x128xi32, #tpu.memory_space<vmem>>[vector<16xi32>, vector<16xi32>], vector<16xi32>, vector<16xi1>
      %reduce_max3A_1685 = arith.constant true
      %reduce_max3A_1686 = vector.broadcast %reduce_max3A_1685 : i1 to vector<16xi1>
      %reduce_max3A_1687 = arith.constant -2147483648 : i32
      %reduce_max3A_1688 = vector.broadcast %reduce_max3A_1687 : i32 to vector<16xi32>
      %reduce_max3A_1689 = arith.xori %masked_cumsum3A_1662, %reduce_max3A_1688 : vector<16xi32>
      %reduce_max3A_1690 = tpu.scan <max>, %reduce_max3A_1689 masked %reduce_max3A_1686 : vector<16xi32>, vector<16xi1> -> vector<16xi32>
      %reduce_max3A_1691 = arith.xori %reduce_max3A_1690, %reduce_max3A_1688 : vector<16xi32>
      %reduce_max3A_1692 = vector.extract %reduce_max3A_1691[15] : i32 from vector<16xi32>
      %add3A_1693 = arith.addi %add3A_1643, %reduce_max3A_1692 : i32
      %get3A_1694 = arith.constant 128 : index
      %get3A_1695 = tpu.vector_load %arg7[%get3A_1694] {strides = array<i32>} : memref<320xi32, #tpu.memory_space<vmem>>, vector<16xi32>,
      %add3A_1696 = arith.constant 128 : i32
      %add3A_1697 = vector.broadcast %add3A_1696 : i32 to vector<16xi32>
      %add3A_1698 = arith.addi %iota3A, %add3A_1697 : vector<16xi32>
      %lt3A_1699 = arith.constant 900000 : i32
      %lt3A_1700 = vector.broadcast %lt3A_1699 : i32 to vector<16xi32>
      %lt3A_1701 = arith.cmpi slt, %get3A_1695, %lt3A_1700 : vector<16xi32>
      %select_n3A_1702 = arith.select %lt3A_1701, %get3A_1695, %add3A_1698 : vector<16xi1>, vector<16xi32>
      %swap3A_1703 = arith.constant 0 : index
      %swap3A_1704 = tpu.vector_load %arg9[%swap3A_1703] {strides = array<i32>} : memref<128xi32, #tpu.memory_space<vmem>>, vector<16xi32>,
      tpu.vector_store %arg9[%swap3A_1703], %select_n3A_1702 {strides = array<i32>} : memref<128xi32, #tpu.memory_space<vmem>>, vector<16xi32>,
      %jit3A_1705 = arith.constant 0 : i32
      %jit3A_1706 = arith.constant 1 : i32
      %broadcast_in_dim3A_1707 = vector.broadcast %jit3A_1705 : i32 to vector<16xi32>
      %broadcast_in_dim3A_1708 = vector.broadcast %jit3A_1706 : i32 to vector<16xi32>
      %select_n3A_1709 = arith.select %lt3A_1701, %broadcast_in_dim3A_1707, %broadcast_in_dim3A_1708 : vector<16xi1>, vector<16xi32>
      %broadcast_in_dim3A_1710 = arith.constant true
      %broadcast_in_dim3A_1711 = vector.broadcast %broadcast_in_dim3A_1710 : i1 to vector<16xi1>
      %masked_cumsum3A_1712 = tpu.scan <sum>, %select_n3A_1709 masked %broadcast_in_dim3A_1711 : vector<16xi32>, vector<16xi1> -> vector<16xi32>
      %sub3A_1713 = arith.subi %masked_cumsum3A_1712, %select_n3A_1709 : vector<16xi32>
      %add3A_1714 = vector.broadcast %add3A_1693 : i32 to vector<16xi32>
      %add3A_1715 = arith.addi %sub3A_1713, %add3A_1714 : vector<16xi32>
      %shift_right_arithmetic3A_1716 = arith.constant 7 : i32
      %shift_right_arithmetic3A_1717 = vector.broadcast %shift_right_arithmetic3A_1716 : i32 to vector<16xi32>
      %shift_right_arithmetic3A_1718 = arith.shrsi %add3A_1715, %shift_right_arithmetic3A_1717 : vector<16xi32>
      %and3A_1719 = arith.constant 127 : i32
      %and3A_1720 = vector.broadcast %and3A_1719 : i32 to vector<16xi32>
      %and3A_1721 = arith.andi %add3A_1715, %and3A_1720 : vector<16xi32>
      %sub3A_1722 = arith.constant 900000 : i32
      %sub3A_1723 = vector.broadcast %sub3A_1722 : i32 to vector<16xi32>
      %sub3A_1724 = arith.subi %get3A_1695, %sub3A_1723 : vector<16xi32>
      %not3A_1725 = arith.constant dense<true> : vector<16xi1>
      %not3A_1726 = arith.xori %lt3A_1701, %not3A_1725 : vector<16xi1>
      tpu.vector_store_idx %arg11[%shift_right_arithmetic3A_1718, %and3A_1721], %sub3A_1724 masked %not3A_1726 : memref<3x128xi32, #tpu.memory_space<vmem>>[vector<16xi32>, vector<16xi32>], vector<16xi32>, vector<16xi1>
      %shift_right_arithmetic3A_1727 = arith.constant 7 : i32
      %shift_right_arithmetic3A_1728 = vector.broadcast %shift_right_arithmetic3A_1727 : i32 to vector<16xi32>
      %shift_right_arithmetic3A_1729 = arith.shrsi %add3A_1715, %shift_right_arithmetic3A_1728 : vector<16xi32>
      %and3A_1730 = arith.constant 127 : i32
      %and3A_1731 = vector.broadcast %and3A_1730 : i32 to vector<16xi32>
      %and3A_1732 = arith.andi %add3A_1715, %and3A_1731 : vector<16xi32>
      %not3A_1733 = arith.constant dense<true> : vector<16xi1>
      %not3A_1734 = arith.xori %lt3A_1701, %not3A_1733 : vector<16xi1>
      tpu.vector_store_idx %arg12[%shift_right_arithmetic3A_1729, %and3A_1732], %add3A_1698 masked %not3A_1734 : memref<3x128xi32, #tpu.memory_space<vmem>>[vector<16xi32>, vector<16xi32>], vector<16xi32>, vector<16xi1>
      %reduce_max3A_1735 = arith.constant true
      %reduce_max3A_1736 = vector.broadcast %reduce_max3A_1735 : i1 to vector<16xi1>
      %reduce_max3A_1737 = arith.constant -2147483648 : i32
      %reduce_max3A_1738 = vector.broadcast %reduce_max3A_1737 : i32 to vector<16xi32>
      %reduce_max3A_1739 = arith.xori %masked_cumsum3A_1712, %reduce_max3A_1738 : vector<16xi32>
      %reduce_max3A_1740 = tpu.scan <max>, %reduce_max3A_1739 masked %reduce_max3A_1736 : vector<16xi32>, vector<16xi1> -> vector<16xi32>
      %reduce_max3A_1741 = arith.xori %reduce_max3A_1740, %reduce_max3A_1738 : vector<16xi32>
      %reduce_max3A_1742 = vector.extract %reduce_max3A_1741[15] : i32 from vector<16xi32>
      %add3A_1743 = arith.addi %add3A_1693, %reduce_max3A_1742 : i32
      %get3A_1744 = arith.constant 144 : index
      %get3A_1745 = tpu.vector_load %arg7[%get3A_1744] {strides = array<i32>} : memref<320xi32, #tpu.memory_space<vmem>>, vector<16xi32>,
      %add3A_1746 = arith.constant 144 : i32
      %add3A_1747 = vector.broadcast %add3A_1746 : i32 to vector<16xi32>
      %add3A_1748 = arith.addi %iota3A, %add3A_1747 : vector<16xi32>
      %lt3A_1749 = arith.constant 900000 : i32
      %lt3A_1750 = vector.broadcast %lt3A_1749 : i32 to vector<16xi32>
      %lt3A_1751 = arith.cmpi slt, %get3A_1745, %lt3A_1750 : vector<16xi32>
      %select_n3A_1752 = arith.select %lt3A_1751, %get3A_1745, %add3A_1748 : vector<16xi1>, vector<16xi32>
      %swap3A_1753 = arith.constant 16 : index
      %swap3A_1754 = tpu.vector_load %arg9[%swap3A_1753] {strides = array<i32>} : memref<128xi32, #tpu.memory_space<vmem>>, vector<16xi32>,
      tpu.vector_store %arg9[%swap3A_1753], %select_n3A_1752 {strides = array<i32>} : memref<128xi32, #tpu.memory_space<vmem>>, vector<16xi32>,
      %jit3A_1755 = arith.constant 0 : i32
      %jit3A_1756 = arith.constant 1 : i32
      %broadcast_in_dim3A_1757 = vector.broadcast %jit3A_1755 : i32 to vector<16xi32>
      %broadcast_in_dim3A_1758 = vector.broadcast %jit3A_1756 : i32 to vector<16xi32>
      %select_n3A_1759 = arith.select %lt3A_1751, %broadcast_in_dim3A_1757, %broadcast_in_dim3A_1758 : vector<16xi1>, vector<16xi32>
      %broadcast_in_dim3A_1760 = arith.constant true
      %broadcast_in_dim3A_1761 = vector.broadcast %broadcast_in_dim3A_1760 : i1 to vector<16xi1>
      %masked_cumsum3A_1762 = tpu.scan <sum>, %select_n3A_1759 masked %broadcast_in_dim3A_1761 : vector<16xi32>, vector<16xi1> -> vector<16xi32>
      %sub3A_1763 = arith.subi %masked_cumsum3A_1762, %select_n3A_1759 : vector<16xi32>
      %add3A_1764 = vector.broadcast %add3A_1743 : i32 to vector<16xi32>
      %add3A_1765 = arith.addi %sub3A_1763, %add3A_1764 : vector<16xi32>
      %shift_right_arithmetic3A_1766 = arith.constant 7 : i32
      %shift_right_arithmetic3A_1767 = vector.broadcast %shift_right_arithmetic3A_1766 : i32 to vector<16xi32>
      %shift_right_arithmetic3A_1768 = arith.shrsi %add3A_1765, %shift_right_arithmetic3A_1767 : vector<16xi32>
      %and3A_1769 = arith.constant 127 : i32
      %and3A_1770 = vector.broadcast %and3A_1769 : i32 to vector<16xi32>
      %and3A_1771 = arith.andi %add3A_1765, %and3A_1770 : vector<16xi32>
      %sub3A_1772 = arith.constant 900000 : i32
      %sub3A_1773 = vector.broadcast %sub3A_1772 : i32 to vector<16xi32>
      %sub3A_1774 = arith.subi %get3A_1745, %sub3A_1773 : vector<16xi32>
      %not3A_1775 = arith.constant dense<true> : vector<16xi1>
      %not3A_1776 = arith.xori %lt3A_1751, %not3A_1775 : vector<16xi1>
      tpu.vector_store_idx %arg11[%shift_right_arithmetic3A_1768, %and3A_1771], %sub3A_1774 masked %not3A_1776 : memref<3x128xi32, #tpu.memory_space<vmem>>[vector<16xi32>, vector<16xi32>], vector<16xi32>, vector<16xi1>
      %shift_right_arithmetic3A_1777 = arith.constant 7 : i32
      %shift_right_arithmetic3A_1778 = vector.broadcast %shift_right_arithmetic3A_1777 : i32 to vector<16xi32>
      %shift_right_arithmetic3A_1779 = arith.shrsi %add3A_1765, %shift_right_arithmetic3A_1778 : vector<16xi32>
      %and3A_1780 = arith.constant 127 : i32
      %and3A_1781 = vector.broadcast %and3A_1780 : i32 to vector<16xi32>
      %and3A_1782 = arith.andi %add3A_1765, %and3A_1781 : vector<16xi32>
      %not3A_1783 = arith.constant dense<true> : vector<16xi1>
      %not3A_1784 = arith.xori %lt3A_1751, %not3A_1783 : vector<16xi1>
      tpu.vector_store_idx %arg12[%shift_right_arithmetic3A_1779, %and3A_1782], %add3A_1748 masked %not3A_1784 : memref<3x128xi32, #tpu.memory_space<vmem>>[vector<16xi32>, vector<16xi32>], vector<16xi32>, vector<16xi1>
      %reduce_max3A_1785 = arith.constant true
      %reduce_max3A_1786 = vector.broadcast %reduce_max3A_1785 : i1 to vector<16xi1>
      %reduce_max3A_1787 = arith.constant -2147483648 : i32
      %reduce_max3A_1788 = vector.broadcast %reduce_max3A_1787 : i32 to vector<16xi32>
      %reduce_max3A_1789 = arith.xori %masked_cumsum3A_1762, %reduce_max3A_1788 : vector<16xi32>
      %reduce_max3A_1790 = tpu.scan <max>, %reduce_max3A_1789 masked %reduce_max3A_1786 : vector<16xi32>, vector<16xi1> -> vector<16xi32>
      %reduce_max3A_1791 = arith.xori %reduce_max3A_1790, %reduce_max3A_1788 : vector<16xi32>
      %reduce_max3A_1792 = vector.extract %reduce_max3A_1791[15] : i32 from vector<16xi32>
      %add3A_1793 = arith.addi %add3A_1743, %reduce_max3A_1792 : i32
      %get3A_1794 = arith.constant 160 : index
      %get3A_1795 = tpu.vector_load %arg7[%get3A_1794] {strides = array<i32>} : memref<320xi32, #tpu.memory_space<vmem>>, vector<16xi32>,
      %add3A_1796 = arith.constant 160 : i32
      %add3A_1797 = vector.broadcast %add3A_1796 : i32 to vector<16xi32>
      %add3A_1798 = arith.addi %iota3A, %add3A_1797 : vector<16xi32>
      %lt3A_1799 = arith.constant 900000 : i32
      %lt3A_1800 = vector.broadcast %lt3A_1799 : i32 to vector<16xi32>
      %lt3A_1801 = arith.cmpi slt, %get3A_1795, %lt3A_1800 : vector<16xi32>
      %select_n3A_1802 = arith.select %lt3A_1801, %get3A_1795, %add3A_1798 : vector<16xi1>, vector<16xi32>
      %swap3A_1803 = arith.constant 32 : index
      %swap3A_1804 = tpu.vector_load %arg9[%swap3A_1803] {strides = array<i32>} : memref<128xi32, #tpu.memory_space<vmem>>, vector<16xi32>,
      tpu.vector_store %arg9[%swap3A_1803], %select_n3A_1802 {strides = array<i32>} : memref<128xi32, #tpu.memory_space<vmem>>, vector<16xi32>,
      %jit3A_1805 = arith.constant 0 : i32
      %jit3A_1806 = arith.constant 1 : i32
      %broadcast_in_dim3A_1807 = vector.broadcast %jit3A_1805 : i32 to vector<16xi32>
      %broadcast_in_dim3A_1808 = vector.broadcast %jit3A_1806 : i32 to vector<16xi32>
      %select_n3A_1809 = arith.select %lt3A_1801, %broadcast_in_dim3A_1807, %broadcast_in_dim3A_1808 : vector<16xi1>, vector<16xi32>
      %broadcast_in_dim3A_1810 = arith.constant true
      %broadcast_in_dim3A_1811 = vector.broadcast %broadcast_in_dim3A_1810 : i1 to vector<16xi1>
      %masked_cumsum3A_1812 = tpu.scan <sum>, %select_n3A_1809 masked %broadcast_in_dim3A_1811 : vector<16xi32>, vector<16xi1> -> vector<16xi32>
      %sub3A_1813 = arith.subi %masked_cumsum3A_1812, %select_n3A_1809 : vector<16xi32>
      %add3A_1814 = vector.broadcast %add3A_1793 : i32 to vector<16xi32>
      %add3A_1815 = arith.addi %sub3A_1813, %add3A_1814 : vector<16xi32>
      %shift_right_arithmetic3A_1816 = arith.constant 7 : i32
      %shift_right_arithmetic3A_1817 = vector.broadcast %shift_right_arithmetic3A_1816 : i32 to vector<16xi32>
      %shift_right_arithmetic3A_1818 = arith.shrsi %add3A_1815, %shift_right_arithmetic3A_1817 : vector<16xi32>
      %and3A_1819 = arith.constant 127 : i32
      %and3A_1820 = vector.broadcast %and3A_1819 : i32 to vector<16xi32>
      %and3A_1821 = arith.andi %add3A_1815, %and3A_1820 : vector<16xi32>
      %sub3A_1822 = arith.constant 900000 : i32
      %sub3A_1823 = vector.broadcast %sub3A_1822 : i32 to vector<16xi32>
      %sub3A_1824 = arith.subi %get3A_1795, %sub3A_1823 : vector<16xi32>
      %not3A_1825 = arith.constant dense<true> : vector<16xi1>
      %not3A_1826 = arith.xori %lt3A_1801, %not3A_1825 : vector<16xi1>
      tpu.vector_store_idx %arg11[%shift_right_arithmetic3A_1818, %and3A_1821], %sub3A_1824 masked %not3A_1826 : memref<3x128xi32, #tpu.memory_space<vmem>>[vector<16xi32>, vector<16xi32>], vector<16xi32>, vector<16xi1>
      %shift_right_arithmetic3A_1827 = arith.constant 7 : i32
      %shift_right_arithmetic3A_1828 = vector.broadcast %shift_right_arithmetic3A_1827 : i32 to vector<16xi32>
      %shift_right_arithmetic3A_1829 = arith.shrsi %add3A_1815, %shift_right_arithmetic3A_1828 : vector<16xi32>
      %and3A_1830 = arith.constant 127 : i32
      %and3A_1831 = vector.broadcast %and3A_1830 : i32 to vector<16xi32>
      %and3A_1832 = arith.andi %add3A_1815, %and3A_1831 : vector<16xi32>
      %not3A_1833 = arith.constant dense<true> : vector<16xi1>
      %not3A_1834 = arith.xori %lt3A_1801, %not3A_1833 : vector<16xi1>
      tpu.vector_store_idx %arg12[%shift_right_arithmetic3A_1829, %and3A_1832], %add3A_1798 masked %not3A_1834 : memref<3x128xi32, #tpu.memory_space<vmem>>[vector<16xi32>, vector<16xi32>], vector<16xi32>, vector<16xi1>
      %reduce_max3A_1835 = arith.constant true
      %reduce_max3A_1836 = vector.broadcast %reduce_max3A_1835 : i1 to vector<16xi1>
      %reduce_max3A_1837 = arith.constant -2147483648 : i32
      %reduce_max3A_1838 = vector.broadcast %reduce_max3A_1837 : i32 to vector<16xi32>
      %reduce_max3A_1839 = arith.xori %masked_cumsum3A_1812, %reduce_max3A_1838 : vector<16xi32>
      %reduce_max3A_1840 = tpu.scan <max>, %reduce_max3A_1839 masked %reduce_max3A_1836 : vector<16xi32>, vector<16xi1> -> vector<16xi32>
      %reduce_max3A_1841 = arith.xori %reduce_max3A_1840, %reduce_max3A_1838 : vector<16xi32>
      %reduce_max3A_1842 = vector.extract %reduce_max3A_1841[15] : i32 from vector<16xi32>
      %add3A_1843 = arith.addi %add3A_1793, %reduce_max3A_1842 : i32
      %get3A_1844 = arith.constant 176 : index
      %get3A_1845 = tpu.vector_load %arg7[%get3A_1844] {strides = array<i32>} : memref<320xi32, #tpu.memory_space<vmem>>, vector<16xi32>,
      %add3A_1846 = arith.constant 176 : i32
      %add3A_1847 = vector.broadcast %add3A_1846 : i32 to vector<16xi32>
      %add3A_1848 = arith.addi %iota3A, %add3A_1847 : vector<16xi32>
      %lt3A_1849 = arith.constant 900000 : i32
      %lt3A_1850 = vector.broadcast %lt3A_1849 : i32 to vector<16xi32>
      %lt3A_1851 = arith.cmpi slt, %get3A_1845, %lt3A_1850 : vector<16xi32>
      %select_n3A_1852 = arith.select %lt3A_1851, %get3A_1845, %add3A_1848 : vector<16xi1>, vector<16xi32>
      %swap3A_1853 = arith.constant 48 : index
      %swap3A_1854 = tpu.vector_load %arg9[%swap3A_1853] {strides = array<i32>} : memref<128xi32, #tpu.memory_space<vmem>>, vector<16xi32>,
      tpu.vector_store %arg9[%swap3A_1853], %select_n3A_1852 {strides = array<i32>} : memref<128xi32, #tpu.memory_space<vmem>>, vector<16xi32>,
      %jit3A_1855 = arith.constant 0 : i32
      %jit3A_1856 = arith.constant 1 : i32
      %broadcast_in_dim3A_1857 = vector.broadcast %jit3A_1855 : i32 to vector<16xi32>
      %broadcast_in_dim3A_1858 = vector.broadcast %jit3A_1856 : i32 to vector<16xi32>
      %select_n3A_1859 = arith.select %lt3A_1851, %broadcast_in_dim3A_1857, %broadcast_in_dim3A_1858 : vector<16xi1>, vector<16xi32>
      %broadcast_in_dim3A_1860 = arith.constant true
      %broadcast_in_dim3A_1861 = vector.broadcast %broadcast_in_dim3A_1860 : i1 to vector<16xi1>
      %masked_cumsum3A_1862 = tpu.scan <sum>, %select_n3A_1859 masked %broadcast_in_dim3A_1861 : vector<16xi32>, vector<16xi1> -> vector<16xi32>
      %sub3A_1863 = arith.subi %masked_cumsum3A_1862, %select_n3A_1859 : vector<16xi32>
      %add3A_1864 = vector.broadcast %add3A_1843 : i32 to vector<16xi32>
      %add3A_1865 = arith.addi %sub3A_1863, %add3A_1864 : vector<16xi32>
      %shift_right_arithmetic3A_1866 = arith.constant 7 : i32
      %shift_right_arithmetic3A_1867 = vector.broadcast %shift_right_arithmetic3A_1866 : i32 to vector<16xi32>
      %shift_right_arithmetic3A_1868 = arith.shrsi %add3A_1865, %shift_right_arithmetic3A_1867 : vector<16xi32>
      %and3A_1869 = arith.constant 127 : i32
      %and3A_1870 = vector.broadcast %and3A_1869 : i32 to vector<16xi32>
      %and3A_1871 = arith.andi %add3A_1865, %and3A_1870 : vector<16xi32>
      %sub3A_1872 = arith.constant 900000 : i32
      %sub3A_1873 = vector.broadcast %sub3A_1872 : i32 to vector<16xi32>
      %sub3A_1874 = arith.subi %get3A_1845, %sub3A_1873 : vector<16xi32>
      %not3A_1875 = arith.constant dense<true> : vector<16xi1>
      %not3A_1876 = arith.xori %lt3A_1851, %not3A_1875 : vector<16xi1>
      tpu.vector_store_idx %arg11[%shift_right_arithmetic3A_1868, %and3A_1871], %sub3A_1874 masked %not3A_1876 : memref<3x128xi32, #tpu.memory_space<vmem>>[vector<16xi32>, vector<16xi32>], vector<16xi32>, vector<16xi1>
      %shift_right_arithmetic3A_1877 = arith.constant 7 : i32
      %shift_right_arithmetic3A_1878 = vector.broadcast %shift_right_arithmetic3A_1877 : i32 to vector<16xi32>
      %shift_right_arithmetic3A_1879 = arith.shrsi %add3A_1865, %shift_right_arithmetic3A_1878 : vector<16xi32>
      %and3A_1880 = arith.constant 127 : i32
      %and3A_1881 = vector.broadcast %and3A_1880 : i32 to vector<16xi32>
      %and3A_1882 = arith.andi %add3A_1865, %and3A_1881 : vector<16xi32>
      %not3A_1883 = arith.constant dense<true> : vector<16xi1>
      %not3A_1884 = arith.xori %lt3A_1851, %not3A_1883 : vector<16xi1>
      tpu.vector_store_idx %arg12[%shift_right_arithmetic3A_1879, %and3A_1882], %add3A_1848 masked %not3A_1884 : memref<3x128xi32, #tpu.memory_space<vmem>>[vector<16xi32>, vector<16xi32>], vector<16xi32>, vector<16xi1>
      %reduce_max3A_1885 = arith.constant true
      %reduce_max3A_1886 = vector.broadcast %reduce_max3A_1885 : i1 to vector<16xi1>
      %reduce_max3A_1887 = arith.constant -2147483648 : i32
      %reduce_max3A_1888 = vector.broadcast %reduce_max3A_1887 : i32 to vector<16xi32>
      %reduce_max3A_1889 = arith.xori %masked_cumsum3A_1862, %reduce_max3A_1888 : vector<16xi32>
      %reduce_max3A_1890 = tpu.scan <max>, %reduce_max3A_1889 masked %reduce_max3A_1886 : vector<16xi32>, vector<16xi1> -> vector<16xi32>
      %reduce_max3A_1891 = arith.xori %reduce_max3A_1890, %reduce_max3A_1888 : vector<16xi32>
      %reduce_max3A_1892 = vector.extract %reduce_max3A_1891[15] : i32 from vector<16xi32>
      %add3A_1893 = arith.addi %add3A_1843, %reduce_max3A_1892 : i32
      %get3A_1894 = arith.constant 192 : index
      %get3A_1895 = tpu.vector_load %arg7[%get3A_1894] {strides = array<i32>} : memref<320xi32, #tpu.memory_space<vmem>>, vector<16xi32>,
      %add3A_1896 = arith.constant 192 : i32
      %add3A_1897 = vector.broadcast %add3A_1896 : i32 to vector<16xi32>
      %add3A_1898 = arith.addi %iota3A, %add3A_1897 : vector<16xi32>
      %lt3A_1899 = arith.constant 900000 : i32
      %lt3A_1900 = vector.broadcast %lt3A_1899 : i32 to vector<16xi32>
      %lt3A_1901 = arith.cmpi slt, %get3A_1895, %lt3A_1900 : vector<16xi32>
      %select_n3A_1902 = arith.select %lt3A_1901, %get3A_1895, %add3A_1898 : vector<16xi1>, vector<16xi32>
      %swap3A_1903 = arith.constant 64 : index
      %swap3A_1904 = tpu.vector_load %arg9[%swap3A_1903] {strides = array<i32>} : memref<128xi32, #tpu.memory_space<vmem>>, vector<16xi32>,
      tpu.vector_store %arg9[%swap3A_1903], %select_n3A_1902 {strides = array<i32>} : memref<128xi32, #tpu.memory_space<vmem>>, vector<16xi32>,
      %jit3A_1905 = arith.constant 0 : i32
      %jit3A_1906 = arith.constant 1 : i32
      %broadcast_in_dim3A_1907 = vector.broadcast %jit3A_1905 : i32 to vector<16xi32>
      %broadcast_in_dim3A_1908 = vector.broadcast %jit3A_1906 : i32 to vector<16xi32>
      %select_n3A_1909 = arith.select %lt3A_1901, %broadcast_in_dim3A_1907, %broadcast_in_dim3A_1908 : vector<16xi1>, vector<16xi32>
      %broadcast_in_dim3A_1910 = arith.constant true
      %broadcast_in_dim3A_1911 = vector.broadcast %broadcast_in_dim3A_1910 : i1 to vector<16xi1>
      %masked_cumsum3A_1912 = tpu.scan <sum>, %select_n3A_1909 masked %broadcast_in_dim3A_1911 : vector<16xi32>, vector<16xi1> -> vector<16xi32>
      %sub3A_1913 = arith.subi %masked_cumsum3A_1912, %select_n3A_1909 : vector<16xi32>
      %add3A_1914 = vector.broadcast %add3A_1893 : i32 to vector<16xi32>
      %add3A_1915 = arith.addi %sub3A_1913, %add3A_1914 : vector<16xi32>
      %shift_right_arithmetic3A_1916 = arith.constant 7 : i32
      %shift_right_arithmetic3A_1917 = vector.broadcast %shift_right_arithmetic3A_1916 : i32 to vector<16xi32>
      %shift_right_arithmetic3A_1918 = arith.shrsi %add3A_1915, %shift_right_arithmetic3A_1917 : vector<16xi32>
      %and3A_1919 = arith.constant 127 : i32
      %and3A_1920 = vector.broadcast %and3A_1919 : i32 to vector<16xi32>
      %and3A_1921 = arith.andi %add3A_1915, %and3A_1920 : vector<16xi32>
      %sub3A_1922 = arith.constant 900000 : i32
      %sub3A_1923 = vector.broadcast %sub3A_1922 : i32 to vector<16xi32>
      %sub3A_1924 = arith.subi %get3A_1895, %sub3A_1923 : vector<16xi32>
      %not3A_1925 = arith.constant dense<true> : vector<16xi1>
      %not3A_1926 = arith.xori %lt3A_1901, %not3A_1925 : vector<16xi1>
      tpu.vector_store_idx %arg11[%shift_right_arithmetic3A_1918, %and3A_1921], %sub3A_1924 masked %not3A_1926 : memref<3x128xi32, #tpu.memory_space<vmem>>[vector<16xi32>, vector<16xi32>], vector<16xi32>, vector<16xi1>
      %shift_right_arithmetic3A_1927 = arith.constant 7 : i32
      %shift_right_arithmetic3A_1928 = vector.broadcast %shift_right_arithmetic3A_1927 : i32 to vector<16xi32>
      %shift_right_arithmetic3A_1929 = arith.shrsi %add3A_1915, %shift_right_arithmetic3A_1928 : vector<16xi32>
      %and3A_1930 = arith.constant 127 : i32
      %and3A_1931 = vector.broadcast %and3A_1930 : i32 to vector<16xi32>
      %and3A_1932 = arith.andi %add3A_1915, %and3A_1931 : vector<16xi32>
      %not3A_1933 = arith.constant dense<true> : vector<16xi1>
      %not3A_1934 = arith.xori %lt3A_1901, %not3A_1933 : vector<16xi1>
      tpu.vector_store_idx %arg12[%shift_right_arithmetic3A_1929, %and3A_1932], %add3A_1898 masked %not3A_1934 : memref<3x128xi32, #tpu.memory_space<vmem>>[vector<16xi32>, vector<16xi32>], vector<16xi32>, vector<16xi1>
      %reduce_max3A_1935 = arith.constant true
      %reduce_max3A_1936 = vector.broadcast %reduce_max3A_1935 : i1 to vector<16xi1>
      %reduce_max3A_1937 = arith.constant -2147483648 : i32
      %reduce_max3A_1938 = vector.broadcast %reduce_max3A_1937 : i32 to vector<16xi32>
      %reduce_max3A_1939 = arith.xori %masked_cumsum3A_1912, %reduce_max3A_1938 : vector<16xi32>
      %reduce_max3A_1940 = tpu.scan <max>, %reduce_max3A_1939 masked %reduce_max3A_1936 : vector<16xi32>, vector<16xi1> -> vector<16xi32>
      %reduce_max3A_1941 = arith.xori %reduce_max3A_1940, %reduce_max3A_1938 : vector<16xi32>
      %reduce_max3A_1942 = vector.extract %reduce_max3A_1941[15] : i32 from vector<16xi32>
      %add3A_1943 = arith.addi %add3A_1893, %reduce_max3A_1942 : i32
      %get3A_1944 = arith.constant 208 : index
      %get3A_1945 = tpu.vector_load %arg7[%get3A_1944] {strides = array<i32>} : memref<320xi32, #tpu.memory_space<vmem>>, vector<16xi32>,
      %add3A_1946 = arith.constant 208 : i32
      %add3A_1947 = vector.broadcast %add3A_1946 : i32 to vector<16xi32>
      %add3A_1948 = arith.addi %iota3A, %add3A_1947 : vector<16xi32>
      %lt3A_1949 = arith.constant 900000 : i32
      %lt3A_1950 = vector.broadcast %lt3A_1949 : i32 to vector<16xi32>
      %lt3A_1951 = arith.cmpi slt, %get3A_1945, %lt3A_1950 : vector<16xi32>
      %select_n3A_1952 = arith.select %lt3A_1951, %get3A_1945, %add3A_1948 : vector<16xi1>, vector<16xi32>
      %swap3A_1953 = arith.constant 80 : index
      %swap3A_1954 = tpu.vector_load %arg9[%swap3A_1953] {strides = array<i32>} : memref<128xi32, #tpu.memory_space<vmem>>, vector<16xi32>,
      tpu.vector_store %arg9[%swap3A_1953], %select_n3A_1952 {strides = array<i32>} : memref<128xi32, #tpu.memory_space<vmem>>, vector<16xi32>,
      %jit3A_1955 = arith.constant 0 : i32
      %jit3A_1956 = arith.constant 1 : i32
      %broadcast_in_dim3A_1957 = vector.broadcast %jit3A_1955 : i32 to vector<16xi32>
      %broadcast_in_dim3A_1958 = vector.broadcast %jit3A_1956 : i32 to vector<16xi32>
      %select_n3A_1959 = arith.select %lt3A_1951, %broadcast_in_dim3A_1957, %broadcast_in_dim3A_1958 : vector<16xi1>, vector<16xi32>
      %broadcast_in_dim3A_1960 = arith.constant true
      %broadcast_in_dim3A_1961 = vector.broadcast %broadcast_in_dim3A_1960 : i1 to vector<16xi1>
      %masked_cumsum3A_1962 = tpu.scan <sum>, %select_n3A_1959 masked %broadcast_in_dim3A_1961 : vector<16xi32>, vector<16xi1> -> vector<16xi32>
      %sub3A_1963 = arith.subi %masked_cumsum3A_1962, %select_n3A_1959 : vector<16xi32>
      %add3A_1964 = vector.broadcast %add3A_1943 : i32 to vector<16xi32>
      %add3A_1965 = arith.addi %sub3A_1963, %add3A_1964 : vector<16xi32>
      %shift_right_arithmetic3A_1966 = arith.constant 7 : i32
      %shift_right_arithmetic3A_1967 = vector.broadcast %shift_right_arithmetic3A_1966 : i32 to vector<16xi32>
      %shift_right_arithmetic3A_1968 = arith.shrsi %add3A_1965, %shift_right_arithmetic3A_1967 : vector<16xi32>
      %and3A_1969 = arith.constant 127 : i32
      %and3A_1970 = vector.broadcast %and3A_1969 : i32 to vector<16xi32>
      %and3A_1971 = arith.andi %add3A_1965, %and3A_1970 : vector<16xi32>
      %sub3A_1972 = arith.constant 900000 : i32
      %sub3A_1973 = vector.broadcast %sub3A_1972 : i32 to vector<16xi32>
      %sub3A_1974 = arith.subi %get3A_1945, %sub3A_1973 : vector<16xi32>
      %not3A_1975 = arith.constant dense<true> : vector<16xi1>
      %not3A_1976 = arith.xori %lt3A_1951, %not3A_1975 : vector<16xi1>
      tpu.vector_store_idx %arg11[%shift_right_arithmetic3A_1968, %and3A_1971], %sub3A_1974 masked %not3A_1976 : memref<3x128xi32, #tpu.memory_space<vmem>>[vector<16xi32>, vector<16xi32>], vector<16xi32>, vector<16xi1>
      %shift_right_arithmetic3A_1977 = arith.constant 7 : i32
      %shift_right_arithmetic3A_1978 = vector.broadcast %shift_right_arithmetic3A_1977 : i32 to vector<16xi32>
      %shift_right_arithmetic3A_1979 = arith.shrsi %add3A_1965, %shift_right_arithmetic3A_1978 : vector<16xi32>
      %and3A_1980 = arith.constant 127 : i32
      %and3A_1981 = vector.broadcast %and3A_1980 : i32 to vector<16xi32>
      %and3A_1982 = arith.andi %add3A_1965, %and3A_1981 : vector<16xi32>
      %not3A_1983 = arith.constant dense<true> : vector<16xi1>
      %not3A_1984 = arith.xori %lt3A_1951, %not3A_1983 : vector<16xi1>
      tpu.vector_store_idx %arg12[%shift_right_arithmetic3A_1979, %and3A_1982], %add3A_1948 masked %not3A_1984 : memref<3x128xi32, #tpu.memory_space<vmem>>[vector<16xi32>, vector<16xi32>], vector<16xi32>, vector<16xi1>
      %reduce_max3A_1985 = arith.constant true
      %reduce_max3A_1986 = vector.broadcast %reduce_max3A_1985 : i1 to vector<16xi1>
      %reduce_max3A_1987 = arith.constant -2147483648 : i32
      %reduce_max3A_1988 = vector.broadcast %reduce_max3A_1987 : i32 to vector<16xi32>
      %reduce_max3A_1989 = arith.xori %masked_cumsum3A_1962, %reduce_max3A_1988 : vector<16xi32>
      %reduce_max3A_1990 = tpu.scan <max>, %reduce_max3A_1989 masked %reduce_max3A_1986 : vector<16xi32>, vector<16xi1> -> vector<16xi32>
      %reduce_max3A_1991 = arith.xori %reduce_max3A_1990, %reduce_max3A_1988 : vector<16xi32>
      %reduce_max3A_1992 = vector.extract %reduce_max3A_1991[15] : i32 from vector<16xi32>
      %add3A_1993 = arith.addi %add3A_1943, %reduce_max3A_1992 : i32
      %get3A_1994 = arith.constant 224 : index
      %get3A_1995 = tpu.vector_load %arg7[%get3A_1994] {strides = array<i32>} : memref<320xi32, #tpu.memory_space<vmem>>, vector<16xi32>,
      %add3A_1996 = arith.constant 224 : i32
      %add3A_1997 = vector.broadcast %add3A_1996 : i32 to vector<16xi32>
      %add3A_1998 = arith.addi %iota3A, %add3A_1997 : vector<16xi32>
      %lt3A_1999 = arith.constant 900000 : i32
      %lt3A_2000 = vector.broadcast %lt3A_1999 : i32 to vector<16xi32>
      %lt3A_2001 = arith.cmpi slt, %get3A_1995, %lt3A_2000 : vector<16xi32>
      %select_n3A_2002 = arith.select %lt3A_2001, %get3A_1995, %add3A_1998 : vector<16xi1>, vector<16xi32>
      %swap3A_2003 = arith.constant 96 : index
      %swap3A_2004 = tpu.vector_load %arg9[%swap3A_2003] {strides = array<i32>} : memref<128xi32, #tpu.memory_space<vmem>>, vector<16xi32>,
      tpu.vector_store %arg9[%swap3A_2003], %select_n3A_2002 {strides = array<i32>} : memref<128xi32, #tpu.memory_space<vmem>>, vector<16xi32>,
      %jit3A_2005 = arith.constant 0 : i32
      %jit3A_2006 = arith.constant 1 : i32
      %broadcast_in_dim3A_2007 = vector.broadcast %jit3A_2005 : i32 to vector<16xi32>
      %broadcast_in_dim3A_2008 = vector.broadcast %jit3A_2006 : i32 to vector<16xi32>
      %select_n3A_2009 = arith.select %lt3A_2001, %broadcast_in_dim3A_2007, %broadcast_in_dim3A_2008 : vector<16xi1>, vector<16xi32>
      %broadcast_in_dim3A_2010 = arith.constant true
      %broadcast_in_dim3A_2011 = vector.broadcast %broadcast_in_dim3A_2010 : i1 to vector<16xi1>
      %masked_cumsum3A_2012 = tpu.scan <sum>, %select_n3A_2009 masked %broadcast_in_dim3A_2011 : vector<16xi32>, vector<16xi1> -> vector<16xi32>
      %sub3A_2013 = arith.subi %masked_cumsum3A_2012, %select_n3A_2009 : vector<16xi32>
      %add3A_2014 = vector.broadcast %add3A_1993 : i32 to vector<16xi32>
      %add3A_2015 = arith.addi %sub3A_2013, %add3A_2014 : vector<16xi32>
      %shift_right_arithmetic3A_2016 = arith.constant 7 : i32
      %shift_right_arithmetic3A_2017 = vector.broadcast %shift_right_arithmetic3A_2016 : i32 to vector<16xi32>
      %shift_right_arithmetic3A_2018 = arith.shrsi %add3A_2015, %shift_right_arithmetic3A_2017 : vector<16xi32>
      %and3A_2019 = arith.constant 127 : i32
      %and3A_2020 = vector.broadcast %and3A_2019 : i32 to vector<16xi32>
      %and3A_2021 = arith.andi %add3A_2015, %and3A_2020 : vector<16xi32>
      %sub3A_2022 = arith.constant 900000 : i32
      %sub3A_2023 = vector.broadcast %sub3A_2022 : i32 to vector<16xi32>
      %sub3A_2024 = arith.subi %get3A_1995, %sub3A_2023 : vector<16xi32>
      %not3A_2025 = arith.constant dense<true> : vector<16xi1>
      %not3A_2026 = arith.xori %lt3A_2001, %not3A_2025 : vector<16xi1>
      tpu.vector_store_idx %arg11[%shift_right_arithmetic3A_2018, %and3A_2021], %sub3A_2024 masked %not3A_2026 : memref<3x128xi32, #tpu.memory_space<vmem>>[vector<16xi32>, vector<16xi32>], vector<16xi32>, vector<16xi1>
      %shift_right_arithmetic3A_2027 = arith.constant 7 : i32
      %shift_right_arithmetic3A_2028 = vector.broadcast %shift_right_arithmetic3A_2027 : i32 to vector<16xi32>
      %shift_right_arithmetic3A_2029 = arith.shrsi %add3A_2015, %shift_right_arithmetic3A_2028 : vector<16xi32>
      %and3A_2030 = arith.constant 127 : i32
      %and3A_2031 = vector.broadcast %and3A_2030 : i32 to vector<16xi32>
      %and3A_2032 = arith.andi %add3A_2015, %and3A_2031 : vector<16xi32>
      %not3A_2033 = arith.constant dense<true> : vector<16xi1>
      %not3A_2034 = arith.xori %lt3A_2001, %not3A_2033 : vector<16xi1>
      tpu.vector_store_idx %arg12[%shift_right_arithmetic3A_2029, %and3A_2032], %add3A_1998 masked %not3A_2034 : memref<3x128xi32, #tpu.memory_space<vmem>>[vector<16xi32>, vector<16xi32>], vector<16xi32>, vector<16xi1>
      %reduce_max3A_2035 = arith.constant true
      %reduce_max3A_2036 = vector.broadcast %reduce_max3A_2035 : i1 to vector<16xi1>
      %reduce_max3A_2037 = arith.constant -2147483648 : i32
      %reduce_max3A_2038 = vector.broadcast %reduce_max3A_2037 : i32 to vector<16xi32>
      %reduce_max3A_2039 = arith.xori %masked_cumsum3A_2012, %reduce_max3A_2038 : vector<16xi32>
      %reduce_max3A_2040 = tpu.scan <max>, %reduce_max3A_2039 masked %reduce_max3A_2036 : vector<16xi32>, vector<16xi1> -> vector<16xi32>
      %reduce_max3A_2041 = arith.xori %reduce_max3A_2040, %reduce_max3A_2038 : vector<16xi32>
      %reduce_max3A_2042 = vector.extract %reduce_max3A_2041[15] : i32 from vector<16xi32>
      %add3A_2043 = arith.addi %add3A_1993, %reduce_max3A_2042 : i32
      %get3A_2044 = arith.constant 240 : index
      %get3A_2045 = tpu.vector_load %arg7[%get3A_2044] {strides = array<i32>} : memref<320xi32, #tpu.memory_space<vmem>>, vector<16xi32>,
      %add3A_2046 = arith.constant 240 : i32
      %add3A_2047 = vector.broadcast %add3A_2046 : i32 to vector<16xi32>
      %add3A_2048 = arith.addi %iota3A, %add3A_2047 : vector<16xi32>
      %lt3A_2049 = arith.constant 900000 : i32
      %lt3A_2050 = vector.broadcast %lt3A_2049 : i32 to vector<16xi32>
      %lt3A_2051 = arith.cmpi slt, %get3A_2045, %lt3A_2050 : vector<16xi32>
      %select_n3A_2052 = arith.select %lt3A_2051, %get3A_2045, %add3A_2048 : vector<16xi1>, vector<16xi32>
      %swap3A_2053 = arith.constant 112 : index
      %swap3A_2054 = tpu.vector_load %arg9[%swap3A_2053] {strides = array<i32>} : memref<128xi32, #tpu.memory_space<vmem>>, vector<16xi32>,
      tpu.vector_store %arg9[%swap3A_2053], %select_n3A_2052 {strides = array<i32>} : memref<128xi32, #tpu.memory_space<vmem>>, vector<16xi32>,
      %jit3A_2055 = arith.constant 0 : i32
      %jit3A_2056 = arith.constant 1 : i32
      %broadcast_in_dim3A_2057 = vector.broadcast %jit3A_2055 : i32 to vector<16xi32>
      %broadcast_in_dim3A_2058 = vector.broadcast %jit3A_2056 : i32 to vector<16xi32>
      %select_n3A_2059 = arith.select %lt3A_2051, %broadcast_in_dim3A_2057, %broadcast_in_dim3A_2058 : vector<16xi1>, vector<16xi32>
      %broadcast_in_dim3A_2060 = arith.constant true
      %broadcast_in_dim3A_2061 = vector.broadcast %broadcast_in_dim3A_2060 : i1 to vector<16xi1>
      %masked_cumsum3A_2062 = tpu.scan <sum>, %select_n3A_2059 masked %broadcast_in_dim3A_2061 : vector<16xi32>, vector<16xi1> -> vector<16xi32>
      %sub3A_2063 = arith.subi %masked_cumsum3A_2062, %select_n3A_2059 : vector<16xi32>
      %add3A_2064 = vector.broadcast %add3A_2043 : i32 to vector<16xi32>
      %add3A_2065 = arith.addi %sub3A_2063, %add3A_2064 : vector<16xi32>
      %shift_right_arithmetic3A_2066 = arith.constant 7 : i32
      %shift_right_arithmetic3A_2067 = vector.broadcast %shift_right_arithmetic3A_2066 : i32 to vector<16xi32>
      %shift_right_arithmetic3A_2068 = arith.shrsi %add3A_2065, %shift_right_arithmetic3A_2067 : vector<16xi32>
      %and3A_2069 = arith.constant 127 : i32
      %and3A_2070 = vector.broadcast %and3A_2069 : i32 to vector<16xi32>
      %and3A_2071 = arith.andi %add3A_2065, %and3A_2070 : vector<16xi32>
      %sub3A_2072 = arith.constant 900000 : i32
      %sub3A_2073 = vector.broadcast %sub3A_2072 : i32 to vector<16xi32>
      %sub3A_2074 = arith.subi %get3A_2045, %sub3A_2073 : vector<16xi32>
      %not3A_2075 = arith.constant dense<true> : vector<16xi1>
      %not3A_2076 = arith.xori %lt3A_2051, %not3A_2075 : vector<16xi1>
      tpu.vector_store_idx %arg11[%shift_right_arithmetic3A_2068, %and3A_2071], %sub3A_2074 masked %not3A_2076 : memref<3x128xi32, #tpu.memory_space<vmem>>[vector<16xi32>, vector<16xi32>], vector<16xi32>, vector<16xi1>
      %shift_right_arithmetic3A_2077 = arith.constant 7 : i32
      %shift_right_arithmetic3A_2078 = vector.broadcast %shift_right_arithmetic3A_2077 : i32 to vector<16xi32>
      %shift_right_arithmetic3A_2079 = arith.shrsi %add3A_2065, %shift_right_arithmetic3A_2078 : vector<16xi32>
      %and3A_2080 = arith.constant 127 : i32
      %and3A_2081 = vector.broadcast %and3A_2080 : i32 to vector<16xi32>
      %and3A_2082 = arith.andi %add3A_2065, %and3A_2081 : vector<16xi32>
      %not3A_2083 = arith.constant dense<true> : vector<16xi1>
      %not3A_2084 = arith.xori %lt3A_2051, %not3A_2083 : vector<16xi1>
      tpu.vector_store_idx %arg12[%shift_right_arithmetic3A_2079, %and3A_2082], %add3A_2048 masked %not3A_2084 : memref<3x128xi32, #tpu.memory_space<vmem>>[vector<16xi32>, vector<16xi32>], vector<16xi32>, vector<16xi1>
      %reduce_max3A_2085 = arith.constant true
      %reduce_max3A_2086 = vector.broadcast %reduce_max3A_2085 : i1 to vector<16xi1>
      %reduce_max3A_2087 = arith.constant -2147483648 : i32
      %reduce_max3A_2088 = vector.broadcast %reduce_max3A_2087 : i32 to vector<16xi32>
      %reduce_max3A_2089 = arith.xori %masked_cumsum3A_2062, %reduce_max3A_2088 : vector<16xi32>
      %reduce_max3A_2090 = tpu.scan <max>, %reduce_max3A_2089 masked %reduce_max3A_2086 : vector<16xi32>, vector<16xi1> -> vector<16xi32>
      %reduce_max3A_2091 = arith.xori %reduce_max3A_2090, %reduce_max3A_2088 : vector<16xi32>
      %reduce_max3A_2092 = vector.extract %reduce_max3A_2091[15] : i32 from vector<16xi32>
      %add3A_2093 = arith.addi %add3A_2043, %reduce_max3A_2092 : i32
      %get3A_2094 = arith.constant 256 : index
      %get3A_2095 = tpu.vector_load %arg7[%get3A_2094] {strides = array<i32>} : memref<320xi32, #tpu.memory_space<vmem>>, vector<16xi32>,
      %add3A_2096 = arith.constant 256 : i32
      %add3A_2097 = vector.broadcast %add3A_2096 : i32 to vector<16xi32>
      %add3A_2098 = arith.addi %iota3A, %add3A_2097 : vector<16xi32>
      %lt3A_2099 = arith.constant 900000 : i32
      %lt3A_2100 = vector.broadcast %lt3A_2099 : i32 to vector<16xi32>
      %lt3A_2101 = arith.cmpi slt, %get3A_2095, %lt3A_2100 : vector<16xi32>
      %select_n3A_2102 = arith.select %lt3A_2101, %get3A_2095, %add3A_2098 : vector<16xi1>, vector<16xi32>
      %swap3A_2103 = arith.constant 0 : index
      %swap3A_2104 = tpu.vector_load %arg10[%swap3A_2103] {strides = array<i32>} : memref<64xi32, #tpu.memory_space<vmem>>, vector<16xi32>,
      tpu.vector_store %arg10[%swap3A_2103], %select_n3A_2102 {strides = array<i32>} : memref<64xi32, #tpu.memory_space<vmem>>, vector<16xi32>,
      %jit3A_2105 = arith.constant 0 : i32
      %jit3A_2106 = arith.constant 1 : i32
      %broadcast_in_dim3A_2107 = vector.broadcast %jit3A_2105 : i32 to vector<16xi32>
      %broadcast_in_dim3A_2108 = vector.broadcast %jit3A_2106 : i32 to vector<16xi32>
      %select_n3A_2109 = arith.select %lt3A_2101, %broadcast_in_dim3A_2107, %broadcast_in_dim3A_2108 : vector<16xi1>, vector<16xi32>
      %broadcast_in_dim3A_2110 = arith.constant true
      %broadcast_in_dim3A_2111 = vector.broadcast %broadcast_in_dim3A_2110 : i1 to vector<16xi1>
      %masked_cumsum3A_2112 = tpu.scan <sum>, %select_n3A_2109 masked %broadcast_in_dim3A_2111 : vector<16xi32>, vector<16xi1> -> vector<16xi32>
      %sub3A_2113 = arith.subi %masked_cumsum3A_2112, %select_n3A_2109 : vector<16xi32>
      %add3A_2114 = vector.broadcast %add3A_2093 : i32 to vector<16xi32>
      %add3A_2115 = arith.addi %sub3A_2113, %add3A_2114 : vector<16xi32>
      %shift_right_arithmetic3A_2116 = arith.constant 7 : i32
      %shift_right_arithmetic3A_2117 = vector.broadcast %shift_right_arithmetic3A_2116 : i32 to vector<16xi32>
      %shift_right_arithmetic3A_2118 = arith.shrsi %add3A_2115, %shift_right_arithmetic3A_2117 : vector<16xi32>
      %and3A_2119 = arith.constant 127 : i32
      %and3A_2120 = vector.broadcast %and3A_2119 : i32 to vector<16xi32>
      %and3A_2121 = arith.andi %add3A_2115, %and3A_2120 : vector<16xi32>
      %sub3A_2122 = arith.constant 900000 : i32
      %sub3A_2123 = vector.broadcast %sub3A_2122 : i32 to vector<16xi32>
      %sub3A_2124 = arith.subi %get3A_2095, %sub3A_2123 : vector<16xi32>
      %not3A_2125 = arith.constant dense<true> : vector<16xi1>
      %not3A_2126 = arith.xori %lt3A_2101, %not3A_2125 : vector<16xi1>
      tpu.vector_store_idx %arg11[%shift_right_arithmetic3A_2118, %and3A_2121], %sub3A_2124 masked %not3A_2126 : memref<3x128xi32, #tpu.memory_space<vmem>>[vector<16xi32>, vector<16xi32>], vector<16xi32>, vector<16xi1>
      %shift_right_arithmetic3A_2127 = arith.constant 7 : i32
      %shift_right_arithmetic3A_2128 = vector.broadcast %shift_right_arithmetic3A_2127 : i32 to vector<16xi32>
      %shift_right_arithmetic3A_2129 = arith.shrsi %add3A_2115, %shift_right_arithmetic3A_2128 : vector<16xi32>
      %and3A_2130 = arith.constant 127 : i32
      %and3A_2131 = vector.broadcast %and3A_2130 : i32 to vector<16xi32>
      %and3A_2132 = arith.andi %add3A_2115, %and3A_2131 : vector<16xi32>
      %not3A_2133 = arith.constant dense<true> : vector<16xi1>
      %not3A_2134 = arith.xori %lt3A_2101, %not3A_2133 : vector<16xi1>
      tpu.vector_store_idx %arg12[%shift_right_arithmetic3A_2129, %and3A_2132], %add3A_2098 masked %not3A_2134 : memref<3x128xi32, #tpu.memory_space<vmem>>[vector<16xi32>, vector<16xi32>], vector<16xi32>, vector<16xi1>
      %reduce_max3A_2135 = arith.constant true
      %reduce_max3A_2136 = vector.broadcast %reduce_max3A_2135 : i1 to vector<16xi1>
      %reduce_max3A_2137 = arith.constant -2147483648 : i32
      %reduce_max3A_2138 = vector.broadcast %reduce_max3A_2137 : i32 to vector<16xi32>
      %reduce_max3A_2139 = arith.xori %masked_cumsum3A_2112, %reduce_max3A_2138 : vector<16xi32>
      %reduce_max3A_2140 = tpu.scan <max>, %reduce_max3A_2139 masked %reduce_max3A_2136 : vector<16xi32>, vector<16xi1> -> vector<16xi32>
      %reduce_max3A_2141 = arith.xori %reduce_max3A_2140, %reduce_max3A_2138 : vector<16xi32>
      %reduce_max3A_2142 = vector.extract %reduce_max3A_2141[15] : i32 from vector<16xi32>
      %add3A_2143 = arith.addi %add3A_2093, %reduce_max3A_2142 : i32
      %get3A_2144 = arith.constant 272 : index
      %get3A_2145 = tpu.vector_load %arg7[%get3A_2144] {strides = array<i32>} : memref<320xi32, #tpu.memory_space<vmem>>, vector<16xi32>,
      %add3A_2146 = arith.constant 272 : i32
      %add3A_2147 = vector.broadcast %add3A_2146 : i32 to vector<16xi32>
      %add3A_2148 = arith.addi %iota3A, %add3A_2147 : vector<16xi32>
      %lt3A_2149 = arith.constant 900000 : i32
      %lt3A_2150 = vector.broadcast %lt3A_2149 : i32 to vector<16xi32>
      %lt3A_2151 = arith.cmpi slt, %get3A_2145, %lt3A_2150 : vector<16xi32>
      %select_n3A_2152 = arith.select %lt3A_2151, %get3A_2145, %add3A_2148 : vector<16xi1>, vector<16xi32>
      %swap3A_2153 = arith.constant 16 : index
      %swap3A_2154 = tpu.vector_load %arg10[%swap3A_2153] {strides = array<i32>} : memref<64xi32, #tpu.memory_space<vmem>>, vector<16xi32>,
      tpu.vector_store %arg10[%swap3A_2153], %select_n3A_2152 {strides = array<i32>} : memref<64xi32, #tpu.memory_space<vmem>>, vector<16xi32>,
      %jit3A_2155 = arith.constant 0 : i32
      %jit3A_2156 = arith.constant 1 : i32
      %broadcast_in_dim3A_2157 = vector.broadcast %jit3A_2155 : i32 to vector<16xi32>
      %broadcast_in_dim3A_2158 = vector.broadcast %jit3A_2156 : i32 to vector<16xi32>
      %select_n3A_2159 = arith.select %lt3A_2151, %broadcast_in_dim3A_2157, %broadcast_in_dim3A_2158 : vector<16xi1>, vector<16xi32>
      %broadcast_in_dim3A_2160 = arith.constant true
      %broadcast_in_dim3A_2161 = vector.broadcast %broadcast_in_dim3A_2160 : i1 to vector<16xi1>
      %masked_cumsum3A_2162 = tpu.scan <sum>, %select_n3A_2159 masked %broadcast_in_dim3A_2161 : vector<16xi32>, vector<16xi1> -> vector<16xi32>
      %sub3A_2163 = arith.subi %masked_cumsum3A_2162, %select_n3A_2159 : vector<16xi32>
      %add3A_2164 = vector.broadcast %add3A_2143 : i32 to vector<16xi32>
      %add3A_2165 = arith.addi %sub3A_2163, %add3A_2164 : vector<16xi32>
      %shift_right_arithmetic3A_2166 = arith.constant 7 : i32
      %shift_right_arithmetic3A_2167 = vector.broadcast %shift_right_arithmetic3A_2166 : i32 to vector<16xi32>
      %shift_right_arithmetic3A_2168 = arith.shrsi %add3A_2165, %shift_right_arithmetic3A_2167 : vector<16xi32>
      %and3A_2169 = arith.constant 127 : i32
      %and3A_2170 = vector.broadcast %and3A_2169 : i32 to vector<16xi32>
      %and3A_2171 = arith.andi %add3A_2165, %and3A_2170 : vector<16xi32>
      %sub3A_2172 = arith.constant 900000 : i32
      %sub3A_2173 = vector.broadcast %sub3A_2172 : i32 to vector<16xi32>
      %sub3A_2174 = arith.subi %get3A_2145, %sub3A_2173 : vector<16xi32>
      %not3A_2175 = arith.constant dense<true> : vector<16xi1>
      %not3A_2176 = arith.xori %lt3A_2151, %not3A_2175 : vector<16xi1>
      tpu.vector_store_idx %arg11[%shift_right_arithmetic3A_2168, %and3A_2171], %sub3A_2174 masked %not3A_2176 : memref<3x128xi32, #tpu.memory_space<vmem>>[vector<16xi32>, vector<16xi32>], vector<16xi32>, vector<16xi1>
      %shift_right_arithmetic3A_2177 = arith.constant 7 : i32
      %shift_right_arithmetic3A_2178 = vector.broadcast %shift_right_arithmetic3A_2177 : i32 to vector<16xi32>
      %shift_right_arithmetic3A_2179 = arith.shrsi %add3A_2165, %shift_right_arithmetic3A_2178 : vector<16xi32>
      %and3A_2180 = arith.constant 127 : i32
      %and3A_2181 = vector.broadcast %and3A_2180 : i32 to vector<16xi32>
      %and3A_2182 = arith.andi %add3A_2165, %and3A_2181 : vector<16xi32>
      %not3A_2183 = arith.constant dense<true> : vector<16xi1>
      %not3A_2184 = arith.xori %lt3A_2151, %not3A_2183 : vector<16xi1>
      tpu.vector_store_idx %arg12[%shift_right_arithmetic3A_2179, %and3A_2182], %add3A_2148 masked %not3A_2184 : memref<3x128xi32, #tpu.memory_space<vmem>>[vector<16xi32>, vector<16xi32>], vector<16xi32>, vector<16xi1>
      %reduce_max3A_2185 = arith.constant true
      %reduce_max3A_2186 = vector.broadcast %reduce_max3A_2185 : i1 to vector<16xi1>
      %reduce_max3A_2187 = arith.constant -2147483648 : i32
      %reduce_max3A_2188 = vector.broadcast %reduce_max3A_2187 : i32 to vector<16xi32>
      %reduce_max3A_2189 = arith.xori %masked_cumsum3A_2162, %reduce_max3A_2188 : vector<16xi32>
      %reduce_max3A_2190 = tpu.scan <max>, %reduce_max3A_2189 masked %reduce_max3A_2186 : vector<16xi32>, vector<16xi1> -> vector<16xi32>
      %reduce_max3A_2191 = arith.xori %reduce_max3A_2190, %reduce_max3A_2188 : vector<16xi32>
      %reduce_max3A_2192 = vector.extract %reduce_max3A_2191[15] : i32 from vector<16xi32>
      %add3A_2193 = arith.addi %add3A_2143, %reduce_max3A_2192 : i32
      %get3A_2194 = arith.constant 288 : index
      %get3A_2195 = tpu.vector_load %arg7[%get3A_2194] {strides = array<i32>} : memref<320xi32, #tpu.memory_space<vmem>>, vector<16xi32>,
      %add3A_2196 = arith.constant 288 : i32
      %add3A_2197 = vector.broadcast %add3A_2196 : i32 to vector<16xi32>
      %add3A_2198 = arith.addi %iota3A, %add3A_2197 : vector<16xi32>
      %lt3A_2199 = arith.constant 900000 : i32
      %lt3A_2200 = vector.broadcast %lt3A_2199 : i32 to vector<16xi32>
      %lt3A_2201 = arith.cmpi slt, %get3A_2195, %lt3A_2200 : vector<16xi32>
      %select_n3A_2202 = arith.select %lt3A_2201, %get3A_2195, %add3A_2198 : vector<16xi1>, vector<16xi32>
      %swap3A_2203 = arith.constant 32 : index
      %swap3A_2204 = tpu.vector_load %arg10[%swap3A_2203] {strides = array<i32>} : memref<64xi32, #tpu.memory_space<vmem>>, vector<16xi32>,
      tpu.vector_store %arg10[%swap3A_2203], %select_n3A_2202 {strides = array<i32>} : memref<64xi32, #tpu.memory_space<vmem>>, vector<16xi32>,
      %jit3A_2205 = arith.constant 0 : i32
      %jit3A_2206 = arith.constant 1 : i32
      %broadcast_in_dim3A_2207 = vector.broadcast %jit3A_2205 : i32 to vector<16xi32>
      %broadcast_in_dim3A_2208 = vector.broadcast %jit3A_2206 : i32 to vector<16xi32>
      %select_n3A_2209 = arith.select %lt3A_2201, %broadcast_in_dim3A_2207, %broadcast_in_dim3A_2208 : vector<16xi1>, vector<16xi32>
      %broadcast_in_dim3A_2210 = arith.constant true
      %broadcast_in_dim3A_2211 = vector.broadcast %broadcast_in_dim3A_2210 : i1 to vector<16xi1>
      %masked_cumsum3A_2212 = tpu.scan <sum>, %select_n3A_2209 masked %broadcast_in_dim3A_2211 : vector<16xi32>, vector<16xi1> -> vector<16xi32>
      %sub3A_2213 = arith.subi %masked_cumsum3A_2212, %select_n3A_2209 : vector<16xi32>
      %add3A_2214 = vector.broadcast %add3A_2193 : i32 to vector<16xi32>
      %add3A_2215 = arith.addi %sub3A_2213, %add3A_2214 : vector<16xi32>
      %shift_right_arithmetic3A_2216 = arith.constant 7 : i32
      %shift_right_arithmetic3A_2217 = vector.broadcast %shift_right_arithmetic3A_2216 : i32 to vector<16xi32>
      %shift_right_arithmetic3A_2218 = arith.shrsi %add3A_2215, %shift_right_arithmetic3A_2217 : vector<16xi32>
      %and3A_2219 = arith.constant 127 : i32
      %and3A_2220 = vector.broadcast %and3A_2219 : i32 to vector<16xi32>
      %and3A_2221 = arith.andi %add3A_2215, %and3A_2220 : vector<16xi32>
      %sub3A_2222 = arith.constant 900000 : i32
      %sub3A_2223 = vector.broadcast %sub3A_2222 : i32 to vector<16xi32>
      %sub3A_2224 = arith.subi %get3A_2195, %sub3A_2223 : vector<16xi32>
      %not3A_2225 = arith.constant dense<true> : vector<16xi1>
      %not3A_2226 = arith.xori %lt3A_2201, %not3A_2225 : vector<16xi1>
      tpu.vector_store_idx %arg11[%shift_right_arithmetic3A_2218, %and3A_2221], %sub3A_2224 masked %not3A_2226 : memref<3x128xi32, #tpu.memory_space<vmem>>[vector<16xi32>, vector<16xi32>], vector<16xi32>, vector<16xi1>
      %shift_right_arithmetic3A_2227 = arith.constant 7 : i32
      %shift_right_arithmetic3A_2228 = vector.broadcast %shift_right_arithmetic3A_2227 : i32 to vector<16xi32>
      %shift_right_arithmetic3A_2229 = arith.shrsi %add3A_2215, %shift_right_arithmetic3A_2228 : vector<16xi32>
      %and3A_2230 = arith.constant 127 : i32
      %and3A_2231 = vector.broadcast %and3A_2230 : i32 to vector<16xi32>
      %and3A_2232 = arith.andi %add3A_2215, %and3A_2231 : vector<16xi32>
      %not3A_2233 = arith.constant dense<true> : vector<16xi1>
      %not3A_2234 = arith.xori %lt3A_2201, %not3A_2233 : vector<16xi1>
      tpu.vector_store_idx %arg12[%shift_right_arithmetic3A_2229, %and3A_2232], %add3A_2198 masked %not3A_2234 : memref<3x128xi32, #tpu.memory_space<vmem>>[vector<16xi32>, vector<16xi32>], vector<16xi32>, vector<16xi1>
      %reduce_max3A_2235 = arith.constant true
      %reduce_max3A_2236 = vector.broadcast %reduce_max3A_2235 : i1 to vector<16xi1>
      %reduce_max3A_2237 = arith.constant -2147483648 : i32
      %reduce_max3A_2238 = vector.broadcast %reduce_max3A_2237 : i32 to vector<16xi32>
      %reduce_max3A_2239 = arith.xori %masked_cumsum3A_2212, %reduce_max3A_2238 : vector<16xi32>
      %reduce_max3A_2240 = tpu.scan <max>, %reduce_max3A_2239 masked %reduce_max3A_2236 : vector<16xi32>, vector<16xi1> -> vector<16xi32>
      %reduce_max3A_2241 = arith.xori %reduce_max3A_2240, %reduce_max3A_2238 : vector<16xi32>
      %reduce_max3A_2242 = vector.extract %reduce_max3A_2241[15] : i32 from vector<16xi32>
      %add3A_2243 = arith.addi %add3A_2193, %reduce_max3A_2242 : i32
      %get3A_2244 = arith.constant 304 : index
      %get3A_2245 = tpu.vector_load %arg7[%get3A_2244] {strides = array<i32>} : memref<320xi32, #tpu.memory_space<vmem>>, vector<16xi32>,
      %add3A_2246 = arith.constant 304 : i32
      %add3A_2247 = vector.broadcast %add3A_2246 : i32 to vector<16xi32>
      %add3A_2248 = arith.addi %iota3A, %add3A_2247 : vector<16xi32>
      %lt3A_2249 = arith.constant 900000 : i32
      %lt3A_2250 = vector.broadcast %lt3A_2249 : i32 to vector<16xi32>
      %lt3A_2251 = arith.cmpi slt, %get3A_2245, %lt3A_2250 : vector<16xi32>
      %select_n3A_2252 = arith.select %lt3A_2251, %get3A_2245, %add3A_2248 : vector<16xi1>, vector<16xi32>
      %swap3A_2253 = arith.constant 48 : index
      %swap3A_2254 = tpu.vector_load %arg10[%swap3A_2253] {strides = array<i32>} : memref<64xi32, #tpu.memory_space<vmem>>, vector<16xi32>,
      tpu.vector_store %arg10[%swap3A_2253], %select_n3A_2252 {strides = array<i32>} : memref<64xi32, #tpu.memory_space<vmem>>, vector<16xi32>,
      %jit3A_2255 = arith.constant 0 : i32
      %jit3A_2256 = arith.constant 1 : i32
      %broadcast_in_dim3A_2257 = vector.broadcast %jit3A_2255 : i32 to vector<16xi32>
      %broadcast_in_dim3A_2258 = vector.broadcast %jit3A_2256 : i32 to vector<16xi32>
      %select_n3A_2259 = arith.select %lt3A_2251, %broadcast_in_dim3A_2257, %broadcast_in_dim3A_2258 : vector<16xi1>, vector<16xi32>
      %broadcast_in_dim3A_2260 = arith.constant true
      %broadcast_in_dim3A_2261 = vector.broadcast %broadcast_in_dim3A_2260 : i1 to vector<16xi1>
      %masked_cumsum3A_2262 = tpu.scan <sum>, %select_n3A_2259 masked %broadcast_in_dim3A_2261 : vector<16xi32>, vector<16xi1> -> vector<16xi32>
      %sub3A_2263 = arith.subi %masked_cumsum3A_2262, %select_n3A_2259 : vector<16xi32>
      %add3A_2264 = vector.broadcast %add3A_2243 : i32 to vector<16xi32>
      %add3A_2265 = arith.addi %sub3A_2263, %add3A_2264 : vector<16xi32>
      %shift_right_arithmetic3A_2266 = arith.constant 7 : i32
      %shift_right_arithmetic3A_2267 = vector.broadcast %shift_right_arithmetic3A_2266 : i32 to vector<16xi32>
      %shift_right_arithmetic3A_2268 = arith.shrsi %add3A_2265, %shift_right_arithmetic3A_2267 : vector<16xi32>
      %and3A_2269 = arith.constant 127 : i32
      %and3A_2270 = vector.broadcast %and3A_2269 : i32 to vector<16xi32>
      %and3A_2271 = arith.andi %add3A_2265, %and3A_2270 : vector<16xi32>
      %sub3A_2272 = arith.constant 900000 : i32
      %sub3A_2273 = vector.broadcast %sub3A_2272 : i32 to vector<16xi32>
      %sub3A_2274 = arith.subi %get3A_2245, %sub3A_2273 : vector<16xi32>
      %not3A_2275 = arith.constant dense<true> : vector<16xi1>
      %not3A_2276 = arith.xori %lt3A_2251, %not3A_2275 : vector<16xi1>
      tpu.vector_store_idx %arg11[%shift_right_arithmetic3A_2268, %and3A_2271], %sub3A_2274 masked %not3A_2276 : memref<3x128xi32, #tpu.memory_space<vmem>>[vector<16xi32>, vector<16xi32>], vector<16xi32>, vector<16xi1>
      %shift_right_arithmetic3A_2277 = arith.constant 7 : i32
      %shift_right_arithmetic3A_2278 = vector.broadcast %shift_right_arithmetic3A_2277 : i32 to vector<16xi32>
      %shift_right_arithmetic3A_2279 = arith.shrsi %add3A_2265, %shift_right_arithmetic3A_2278 : vector<16xi32>
      %and3A_2280 = arith.constant 127 : i32
      %and3A_2281 = vector.broadcast %and3A_2280 : i32 to vector<16xi32>
      %and3A_2282 = arith.andi %add3A_2265, %and3A_2281 : vector<16xi32>
      %not3A_2283 = arith.constant dense<true> : vector<16xi1>
      %not3A_2284 = arith.xori %lt3A_2251, %not3A_2283 : vector<16xi1>
      tpu.vector_store_idx %arg12[%shift_right_arithmetic3A_2279, %and3A_2282], %add3A_2248 masked %not3A_2284 : memref<3x128xi32, #tpu.memory_space<vmem>>[vector<16xi32>, vector<16xi32>], vector<16xi32>, vector<16xi1>
      %reduce_max3A_2285 = arith.constant true
      %reduce_max3A_2286 = vector.broadcast %reduce_max3A_2285 : i1 to vector<16xi1>
      %reduce_max3A_2287 = arith.constant -2147483648 : i32
      %reduce_max3A_2288 = vector.broadcast %reduce_max3A_2287 : i32 to vector<16xi32>
      %reduce_max3A_2289 = arith.xori %masked_cumsum3A_2262, %reduce_max3A_2288 : vector<16xi32>
      %reduce_max3A_2290 = tpu.scan <max>, %reduce_max3A_2289 masked %reduce_max3A_2286 : vector<16xi32>, vector<16xi1> -> vector<16xi32>
      %reduce_max3A_2291 = arith.xori %reduce_max3A_2290, %reduce_max3A_2288 : vector<16xi32>
      %reduce_max3A_2292 = vector.extract %reduce_max3A_2291[15] : i32 from vector<16xi32>
      %add3A_2293 = arith.addi %add3A_2243, %reduce_max3A_2292 : i32
      %add3A_2294 = arith.constant 128 : i32
      %add3A_2295 = arith.addi %add3A_2293, %add3A_2294 : i32
      %sub3A_2296 = arith.constant 1 : i32
      %sub3A_2297 = arith.subi %add3A_2295, %sub3A_2296 : i32
      %jit3A_2298 = arith.constant 128 : i32
      %div3A_2299 = arith.divsi %sub3A_2297, %jit3A_2298 : i32
      %sign3A_2300 = arith.constant 0 : i32
      %sign3A_2301 = arith.cmpi sgt, %sub3A_2297, %sign3A_2300 : i32
      %sign3A_2302 = arith.extui %sign3A_2301 : i1 to i32
      %sign3A_2303 = arith.constant 0 : i32
      %sign3A_2304 = arith.cmpi slt, %sub3A_2297, %sign3A_2303 : i32
      %sign3A_2305 = arith.extui %sign3A_2304 : i1 to i32
      %sign3A_2306 = arith.subi %sign3A_2302, %sign3A_2305 : i32
      %sign3A_2307 = arith.constant 0 : i32
      %sign3A_2308 = arith.cmpi sgt, %jit3A_2298, %sign3A_2307 : i32
      %sign3A_2309 = arith.extui %sign3A_2308 : i1 to i32
      %sign3A_2310 = arith.constant 0 : i32
      %sign3A_2311 = arith.cmpi slt, %jit3A_2298, %sign3A_2310 : i32
      %sign3A_2312 = arith.extui %sign3A_2311 : i1 to i32
      %sign3A_2313 = arith.subi %sign3A_2309, %sign3A_2312 : i32
      %ne3A_2314 = arith.cmpi ne, %sign3A_2306, %sign3A_2313 : i32
      %rem3A_2315 = arith.remsi %sub3A_2297, %jit3A_2298 : i32
      %ne3A_2316 = arith.constant 0 : i32
      %ne3A_2317 = arith.cmpi ne, %rem3A_2315, %ne3A_2316 : i32
      %and3A_2318 = arith.andi %ne3A_2314, %ne3A_2317 : i1
      %sub3A_2319 = arith.constant 1 : i32
      %sub3A_2320 = arith.subi %div3A_2299, %sub3A_2319 : i32
      %select_n3A_2321 = arith.select %and3A_2318, %sub3A_2320, %div3A_2299 : i32
      %dma_start3A_2322 = arith.constant 0 : i32
      %dma_start3A_2323 = arith.constant 0 : i32
      %dma_start3A_2324 = tpu.memref_slice %arg13[%dma_start3A_2322, %dma_start3A_2323] : memref<320x128xf32, #tpu.memory_space<vmem>> -> memref<128x128xf32, #tpu.memory_space<vmem>>
      %dma_start3A_2325 = arith.constant 0 : i32
      %dma_start3A_2326 = arith.constant 0 : i32
      %dma_start3A_2327 = tpu.memref_slice %arg3[%dma_start3A_2325, %dma_start3A_2326] : memref<900000x128xf32, #tpu.memory_space<hbm>> -> memref<900000x128xf32, #tpu.memory_space<hbm>>
      tpu.enqueue_indirect_dma source(%dma_start3A_2327 : memref<900000x128xf32, #tpu.memory_space<hbm>>) target(%dma_start3A_2324 : memref<128x128xf32, #tpu.memory_space<vmem>>) offsets(%arg8 : memref<128xi32, #tpu.memory_space<vmem>>) semaphore(%arg16 : memref<!tpu.dma_semaphore, #tpu.memory_space<semaphore_mem>>)
      %dma_start3A_2328 = arith.constant 128 : i32
      %dma_start3A_2329 = arith.constant 0 : i32
      %dma_start3A_2330 = tpu.memref_slice %arg13[%dma_start3A_2328, %dma_start3A_2329] : memref<320x128xf32, #tpu.memory_space<vmem>> -> memref<128x128xf32, #tpu.memory_space<vmem>>
      %dma_start3A_2331 = arith.constant 0 : i32
      %dma_start3A_2332 = arith.constant 0 : i32
      %dma_start3A_2333 = tpu.memref_slice %arg3[%dma_start3A_2331, %dma_start3A_2332] : memref<900000x128xf32, #tpu.memory_space<hbm>> -> memref<900000x128xf32, #tpu.memory_space<hbm>>
      tpu.enqueue_indirect_dma source(%dma_start3A_2333 : memref<900000x128xf32, #tpu.memory_space<hbm>>) target(%dma_start3A_2330 : memref<128x128xf32, #tpu.memory_space<vmem>>) offsets(%arg9 : memref<128xi32, #tpu.memory_space<vmem>>) semaphore(%arg16 : memref<!tpu.dma_semaphore, #tpu.memory_space<semaphore_mem>>)
      %dma_start3A_2334 = arith.constant 256 : i32
      %dma_start3A_2335 = arith.constant 0 : i32
      %dma_start3A_2336 = tpu.memref_slice %arg13[%dma_start3A_2334, %dma_start3A_2335] : memref<320x128xf32, #tpu.memory_space<vmem>> -> memref<64x128xf32, #tpu.memory_space<vmem>>
      %dma_start3A_2337 = arith.constant 0 : i32
      %dma_start3A_2338 = arith.constant 0 : i32
      %dma_start3A_2339 = tpu.memref_slice %arg3[%dma_start3A_2337, %dma_start3A_2338] : memref<900000x128xf32, #tpu.memory_space<hbm>> -> memref<900000x128xf32, #tpu.memory_space<hbm>>
      tpu.enqueue_indirect_dma source(%dma_start3A_2339 : memref<900000x128xf32, #tpu.memory_space<hbm>>) target(%dma_start3A_2336 : memref<64x128xf32, #tpu.memory_space<vmem>>) offsets(%arg10 : memref<64xi32, #tpu.memory_space<vmem>>) semaphore(%arg16 : memref<!tpu.dma_semaphore, #tpu.memory_space<semaphore_mem>>)
      %while3A_2340 = arith.constant 0 : i32
      %while3A_2341 = arith.constant 0 : i32
      %while3A_2342 = arith.subi %select_n3A_2321, %while3A_2341 : i32
      %while3A_2343 = arith.addi %while3A_2341, %while3A_2342 : i32
      %while3A_2344 = arith.constant 1 : i32
      %while3A_2345 = arith.divsi %while3A_2342, %while3A_2344 : i32
      %while3A_2346 = arith.muli %while3A_2345, %while3A_2344 : i32
      %while3A_2347 = arith.addi %while3A_2341, %while3A_2346 : i32
      %while3A_2348 = arith.constant 1 : i32
      scf.for %while3A_2390 = %while3A_2341 to %while3A_2347 step %while3A_2348  : i32 {
        %mul3A_2391 = arith.constant 128 : i32
        %mul3A_2392 = arith.muli %while3A_2390, %mul3A_2391 : i32
        %dma_start3A_2393 = arith.constant 0 : i32
        %dma_start3A_2394 = tpu.memref_slice %arg14[%mul3A_2392, %dma_start3A_2393] : memref<384x128xf32, #tpu.memory_space<vmem>> -> memref<128x128xf32, #tpu.memory_space<vmem>>
        %dma_start3A_2395 = arith.constant 0 : i32
        %dma_start3A_2396 = tpu.memref_slice %arg11[%while3A_2390, %dma_start3A_2395] : memref<3x128xi32, #tpu.memory_space<vmem>> -> memref<1x128xi32, #tpu.memory_space<vmem>>
        %dma_start3A_2397 = tpu.memref_squeeze %dma_start3A_2396 : memref<1x128xi32, #tpu.memory_space<vmem>> -> memref<128xi32, #tpu.memory_space<vmem>>
        %dma_start3A_2398 = arith.constant 0 : i32
        %dma_start3A_2399 = arith.constant 0 : i32
        %dma_start3A_2400 = tpu.memref_slice %arg4[%dma_start3A_2398, %dma_start3A_2399] : memref<100000x128xf32, #tpu.memory_space<hbm>> -> memref<100000x128xf32, #tpu.memory_space<hbm>>
        tpu.enqueue_indirect_dma source(%dma_start3A_2400 : memref<100000x128xf32, #tpu.memory_space<hbm>>) target(%dma_start3A_2394 : memref<128x128xf32, #tpu.memory_space<vmem>>) offsets(%dma_start3A_2397 : memref<128xi32, #tpu.memory_space<vmem>>) semaphore(%arg17 : memref<!tpu.dma_semaphore, #tpu.memory_space<semaphore_mem>>)
      }
      %while3A_2349 = arith.constant 1 : i32
      scf.for %while3A_2390 = %while3A_2347 to %while3A_2343 step %while3A_2349  : i32 {
        %mul3A_2391 = arith.constant 128 : i32
        %mul3A_2392 = arith.muli %while3A_2390, %mul3A_2391 : i32
        %dma_start3A_2393 = arith.constant 0 : i32
        %dma_start3A_2394 = tpu.memref_slice %arg14[%mul3A_2392, %dma_start3A_2393] : memref<384x128xf32, #tpu.memory_space<vmem>> -> memref<128x128xf32, #tpu.memory_space<vmem>>
        %dma_start3A_2395 = arith.constant 0 : i32
        %dma_start3A_2396 = tpu.memref_slice %arg11[%while3A_2390, %dma_start3A_2395] : memref<3x128xi32, #tpu.memory_space<vmem>> -> memref<1x128xi32, #tpu.memory_space<vmem>>
        %dma_start3A_2397 = tpu.memref_squeeze %dma_start3A_2396 : memref<1x128xi32, #tpu.memory_space<vmem>> -> memref<128xi32, #tpu.memory_space<vmem>>
        %dma_start3A_2398 = arith.constant 0 : i32
        %dma_start3A_2399 = arith.constant 0 : i32
        %dma_start3A_2400 = tpu.memref_slice %arg4[%dma_start3A_2398, %dma_start3A_2399] : memref<100000x128xf32, #tpu.memory_space<hbm>> -> memref<100000x128xf32, #tpu.memory_space<hbm>>
        tpu.enqueue_indirect_dma source(%dma_start3A_2400 : memref<100000x128xf32, #tpu.memory_space<hbm>>) target(%dma_start3A_2394 : memref<128x128xf32, #tpu.memory_space<vmem>>) offsets(%dma_start3A_2397 : memref<128xi32, #tpu.memory_space<vmem>>) semaphore(%arg17 : memref<!tpu.dma_semaphore, #tpu.memory_space<semaphore_mem>>)
      }
      %dma_wait3A_2350 = arith.constant 0 : i32
      %dma_wait3A_2351 = arith.constant 0 : i32
      %dma_wait3A_2352 = tpu.memref_slice %arg13[%dma_wait3A_2350, %dma_wait3A_2351] : memref<320x128xf32, #tpu.memory_space<vmem>> -> memref<128x128xf32, #tpu.memory_space<vmem>>
      %dma_wait3A_2353 = arith.constant 0 : i32
      %dma_wait3A_2354 = arith.constant 0 : i32
      %dma_wait3A_2355 = tpu.memref_slice %arg3[%dma_wait3A_2353, %dma_wait3A_2354] : memref<900000x128xf32, #tpu.memory_space<hbm>> -> memref<900000x128xf32, #tpu.memory_space<hbm>>
      tpu.wait_indirect_dma semaphore(%arg16 : memref<!tpu.dma_semaphore, #tpu.memory_space<semaphore_mem>>) src(%dma_wait3A_2355 : memref<900000x128xf32, #tpu.memory_space<hbm>>) dst(%dma_wait3A_2352 : memref<128x128xf32, #tpu.memory_space<vmem>>)
      %dma_wait3A_2356 = arith.constant 128 : i32
      %dma_wait3A_2357 = arith.constant 0 : i32
      %dma_wait3A_2358 = tpu.memref_slice %arg13[%dma_wait3A_2356, %dma_wait3A_2357] : memref<320x128xf32, #tpu.memory_space<vmem>> -> memref<128x128xf32, #tpu.memory_space<vmem>>
      %dma_wait3A_2359 = arith.constant 0 : i32
      %dma_wait3A_2360 = arith.constant 0 : i32
      %dma_wait3A_2361 = tpu.memref_slice %arg3[%dma_wait3A_2359, %dma_wait3A_2360] : memref<900000x128xf32, #tpu.memory_space<hbm>> -> memref<900000x128xf32, #tpu.memory_space<hbm>>
      tpu.wait_indirect_dma semaphore(%arg16 : memref<!tpu.dma_semaphore, #tpu.memory_space<semaphore_mem>>) src(%dma_wait3A_2361 : memref<900000x128xf32, #tpu.memory_space<hbm>>) dst(%dma_wait3A_2358 : memref<128x128xf32, #tpu.memory_space<vmem>>)
      %dma_wait3A_2362 = arith.constant 256 : i32
      %dma_wait3A_2363 = arith.constant 0 : i32
      %dma_wait3A_2364 = tpu.memref_slice %arg13[%dma_wait3A_2362, %dma_wait3A_2363] : memref<320x128xf32, #tpu.memory_space<vmem>> -> memref<64x128xf32, #tpu.memory_space<vmem>>
      %dma_wait3A_2365 = arith.constant 0 : i32
      %dma_wait3A_2366 = arith.constant 0 : i32
      %dma_wait3A_2367 = tpu.memref_slice %arg3[%dma_wait3A_2365, %dma_wait3A_2366] : memref<900000x128xf32, #tpu.memory_space<hbm>> -> memref<900000x128xf32, #tpu.memory_space<hbm>>
      tpu.wait_indirect_dma semaphore(%arg16 : memref<!tpu.dma_semaphore, #tpu.memory_space<semaphore_mem>>) src(%dma_wait3A_2367 : memref<900000x128xf32, #tpu.memory_space<hbm>>) dst(%dma_wait3A_2364 : memref<64x128xf32, #tpu.memory_space<vmem>>)
      %while3A_2368 = arith.constant 0 : i32
      %while3A_2369 = arith.constant 0 : i32
      %while3A_2370 = arith.subi %select_n3A_2321, %while3A_2369 : i32
      %while3A_2371 = arith.addi %while3A_2369, %while3A_2370 : i32
      %while3A_2372 = arith.constant 1 : i32
      %while3A_2373 = arith.divsi %while3A_2370, %while3A_2372 : i32
      %while3A_2374 = arith.muli %while3A_2373, %while3A_2372 : i32
      %while3A_2375 = arith.addi %while3A_2369, %while3A_2374 : i32
      %while3A_2376 = arith.constant 1 : i32
      scf.for %while3A_2390 = %while3A_2369 to %while3A_2375 step %while3A_2376  : i32 {
        %mul3A_2391 = arith.constant 128 : i32
        %mul3A_2392 = arith.muli %while3A_2390, %mul3A_2391 : i32
        %dma_wait3A_2393 = arith.constant 0 : i32
        %dma_wait3A_2394 = tpu.memref_slice %arg14[%mul3A_2392, %dma_wait3A_2393] : memref<384x128xf32, #tpu.memory_space<vmem>> -> memref<128x128xf32, #tpu.memory_space<vmem>>
        %dma_wait3A_2395 = arith.constant 0 : i32
        %dma_wait3A_2396 = tpu.memref_slice %arg11[%while3A_2390, %dma_wait3A_2395] : memref<3x128xi32, #tpu.memory_space<vmem>> -> memref<1x128xi32, #tpu.memory_space<vmem>>
        %dma_wait3A_2397 = tpu.memref_squeeze %dma_wait3A_2396 : memref<1x128xi32, #tpu.memory_space<vmem>> -> memref<128xi32, #tpu.memory_space<vmem>>
        %dma_wait3A_2398 = arith.constant 0 : i32
        %dma_wait3A_2399 = arith.constant 0 : i32
        %dma_wait3A_2400 = tpu.memref_slice %arg4[%dma_wait3A_2398, %dma_wait3A_2399] : memref<100000x128xf32, #tpu.memory_space<hbm>> -> memref<100000x128xf32, #tpu.memory_space<hbm>>
        tpu.wait_indirect_dma semaphore(%arg17 : memref<!tpu.dma_semaphore, #tpu.memory_space<semaphore_mem>>) src(%dma_wait3A_2400 : memref<100000x128xf32, #tpu.memory_space<hbm>>) dst(%dma_wait3A_2394 : memref<128x128xf32, #tpu.memory_space<vmem>>)
      }
      %while3A_2377 = arith.constant 1 : i32
      scf.for %while3A_2390 = %while3A_2375 to %while3A_2371 step %while3A_2377  : i32 {
        %mul3A_2391 = arith.constant 128 : i32
        %mul3A_2392 = arith.muli %while3A_2390, %mul3A_2391 : i32
        %dma_wait3A_2393 = arith.constant 0 : i32
        %dma_wait3A_2394 = tpu.memref_slice %arg14[%mul3A_2392, %dma_wait3A_2393] : memref<384x128xf32, #tpu.memory_space<vmem>> -> memref<128x128xf32, #tpu.memory_space<vmem>>
        %dma_wait3A_2395 = arith.constant 0 : i32
        %dma_wait3A_2396 = tpu.memref_slice %arg11[%while3A_2390, %dma_wait3A_2395] : memref<3x128xi32, #tpu.memory_space<vmem>> -> memref<1x128xi32, #tpu.memory_space<vmem>>
        %dma_wait3A_2397 = tpu.memref_squeeze %dma_wait3A_2396 : memref<1x128xi32, #tpu.memory_space<vmem>> -> memref<128xi32, #tpu.memory_space<vmem>>
        %dma_wait3A_2398 = arith.constant 0 : i32
        %dma_wait3A_2399 = arith.constant 0 : i32
        %dma_wait3A_2400 = tpu.memref_slice %arg4[%dma_wait3A_2398, %dma_wait3A_2399] : memref<100000x128xf32, #tpu.memory_space<hbm>> -> memref<100000x128xf32, #tpu.memory_space<hbm>>
        tpu.wait_indirect_dma semaphore(%arg17 : memref<!tpu.dma_semaphore, #tpu.memory_space<semaphore_mem>>) src(%dma_wait3A_2400 : memref<100000x128xf32, #tpu.memory_space<hbm>>) dst(%dma_wait3A_2394 : memref<128x128xf32, #tpu.memory_space<vmem>>)
      }
      %mul3A_2378 = arith.constant 4 : i32
      %mul3A_2379 = arith.muli %add3A_2293, %mul3A_2378 : i32
      %while3A_2380 = arith.constant 0 : i32
      %while3A_2381 = arith.constant 0 : i32
      %while3A_2382 = arith.subi %mul3A_2379, %while3A_2381 : i32
      %while3A_2383 = arith.addi %while3A_2381, %while3A_2382 : i32
      %while3A_2384 = arith.constant 1 : i32
      %while3A_2385 = arith.divsi %while3A_2382, %while3A_2384 : i32
      %while3A_2386 = arith.muli %while3A_2385, %while3A_2384 : i32
      %while3A_2387 = arith.addi %while3A_2381, %while3A_2386 : i32
      %while3A_2388 = arith.constant 1 : i32
      scf.for %while3A_2390 = %while3A_2381 to %while3A_2387 step %while3A_2388  : i32 {
        %mul3A_2391 = arith.constant 16 : i32
        %mul3A_2392 = arith.muli %while3A_2390, %mul3A_2391 : i32
        %add3A_2393 = vector.broadcast %mul3A_2392 : i32 to vector<16xi32>
        %add3A_2394 = arith.addi %add3A_2393, %iota3A : vector<16xi32>
        %shift_right_arithmetic3A_2395 = arith.constant 6 : i32
        %shift_right_arithmetic3A_2396 = vector.broadcast %shift_right_arithmetic3A_2395 : i32 to vector<16xi32>
        %shift_right_arithmetic3A_2397 = arith.shrsi %add3A_2394, %shift_right_arithmetic3A_2396 : vector<16xi32>
        %and3A_2398 = arith.constant 63 : i32
        %and3A_2399 = vector.broadcast %and3A_2398 : i32 to vector<16xi32>
        %and3A_2400 = arith.andi %add3A_2394, %and3A_2399 : vector<16xi32>
        %gather3A = tpu.vector_load_idx %arg14[%shift_right_arithmetic3A_2397, %and3A_2400] : memref<384x128xf32, #tpu.memory_space<vmem>>[vector<16xi32>, vector<16xi32>], vector<16xf32>,
        %shift_right_arithmetic3A_2401 = arith.constant 7 : i32
        %shift_right_arithmetic3A_2402 = vector.broadcast %shift_right_arithmetic3A_2401 : i32 to vector<16xi32>
        %shift_right_arithmetic3A_2403 = arith.shrsi %shift_right_arithmetic3A_2397, %shift_right_arithmetic3A_2402 : vector<16xi32>
        %and3A_2404 = arith.constant 127 : i32
        %and3A_2405 = vector.broadcast %and3A_2404 : i32 to vector<16xi32>
        %and3A_2406 = arith.andi %shift_right_arithmetic3A_2397, %and3A_2405 : vector<16xi32>
        %gather3A_2407 = tpu.vector_load_idx %arg12[%shift_right_arithmetic3A_2403, %and3A_2406] : memref<3x128xi32, #tpu.memory_space<vmem>>[vector<16xi32>, vector<16xi32>], vector<16xi32>,
        %mul3A_2408 = arith.constant 64 : i32
        %mul3A_2409 = arith.muli %add3A_2293, %mul3A_2408 : i32
        %lt3A_2410 = vector.broadcast %mul3A_2409 : i32 to vector<16xi32>
        %lt3A_2411 = arith.cmpi slt, %add3A_2394, %lt3A_2410 : vector<16xi32>
        tpu.vector_store_idx %arg13[%gather3A_2407, %and3A_2400], %gather3A masked %lt3A_2411 : memref<320x128xf32, #tpu.memory_space<vmem>>[vector<16xi32>, vector<16xi32>], vector<16xf32>, vector<16xi1>
      }
      %while3A_2389 = arith.constant 1 : i32
      scf.for %while3A_2390 = %while3A_2387 to %while3A_2383 step %while3A_2389  : i32 {
        %mul3A_2391 = arith.constant 16 : i32
        %mul3A_2392 = arith.muli %while3A_2390, %mul3A_2391 : i32
        %add3A_2393 = vector.broadcast %mul3A_2392 : i32 to vector<16xi32>
        %add3A_2394 = arith.addi %add3A_2393, %iota3A : vector<16xi32>
        %shift_right_arithmetic3A_2395 = arith.constant 6 : i32
        %shift_right_arithmetic3A_2396 = vector.broadcast %shift_right_arithmetic3A_2395 : i32 to vector<16xi32>
        %shift_right_arithmetic3A_2397 = arith.shrsi %add3A_2394, %shift_right_arithmetic3A_2396 : vector<16xi32>
        %and3A_2398 = arith.constant 63 : i32
        %and3A_2399 = vector.broadcast %and3A_2398 : i32 to vector<16xi32>
        %and3A_2400 = arith.andi %add3A_2394, %and3A_2399 : vector<16xi32>
        %gather3A = tpu.vector_load_idx %arg14[%shift_right_arithmetic3A_2397, %and3A_2400] : memref<384x128xf32, #tpu.memory_space<vmem>>[vector<16xi32>, vector<16xi32>], vector<16xf32>,
        %shift_right_arithmetic3A_2401 = arith.constant 7 : i32
        %shift_right_arithmetic3A_2402 = vector.broadcast %shift_right_arithmetic3A_2401 : i32 to vector<16xi32>
        %shift_right_arithmetic3A_2403 = arith.shrsi %shift_right_arithmetic3A_2397, %shift_right_arithmetic3A_2402 : vector<16xi32>
        %and3A_2404 = arith.constant 127 : i32
        %and3A_2405 = vector.broadcast %and3A_2404 : i32 to vector<16xi32>
        %and3A_2406 = arith.andi %shift_right_arithmetic3A_2397, %and3A_2405 : vector<16xi32>
        %gather3A_2407 = tpu.vector_load_idx %arg12[%shift_right_arithmetic3A_2403, %and3A_2406] : memref<3x128xi32, #tpu.memory_space<vmem>>[vector<16xi32>, vector<16xi32>], vector<16xi32>,
        %mul3A_2408 = arith.constant 64 : i32
        %mul3A_2409 = arith.muli %add3A_2293, %mul3A_2408 : i32
        %lt3A_2410 = vector.broadcast %mul3A_2409 : i32 to vector<16xi32>
        %lt3A_2411 = arith.cmpi slt, %add3A_2394, %lt3A_2410 : vector<16xi32>
        tpu.vector_store_idx %arg13[%gather3A_2407, %and3A_2400], %gather3A masked %lt3A_2411 : memref<320x128xf32, #tpu.memory_space<vmem>>[vector<16xi32>, vector<16xi32>], vector<16xf32>, vector<16xi1>
      }
      "tpu.region"() ({
        %run_scoped3A = tpu.sem_alloc : memref<!tpu.dma_semaphore, #tpu.memory_space<semaphore_mem>>
        %dma_start3A_2390 = arith.constant 0 : i32
        %dma_start3A_2391 = tpu.memref_slice %arg5[%add3A_1280, %dma_start3A_2390] : memref<819200x128xf32, #tpu.memory_space<hbm>> -> memref<320x128xf32, #tpu.memory_space<hbm>>
        %dma_start3A_2392 = arith.constant 0 : i32
        %dma_start3A_2393 = tpu.memref_slice %arg5[%add3A_1280, %dma_start3A_2392] : memref<819200x128xf32, #tpu.memory_space<hbm>> -> memref<320x128xf32, #tpu.memory_space<hbm>>
        tpu.enqueue_dma source(%arg13 : memref<320x128xf32, #tpu.memory_space<vmem>>) target(%dma_start3A_2393 : memref<320x128xf32, #tpu.memory_space<hbm>>) target_semaphore(%run_scoped3A : memref<!tpu.dma_semaphore, #tpu.memory_space<semaphore_mem>>)
        %dma_wait3A_2394 = arith.constant 0 : i32
        %dma_wait3A_2395 = tpu.memref_slice %arg5[%add3A_1280, %dma_wait3A_2394] : memref<819200x128xf32, #tpu.memory_space<hbm>> -> memref<320x128xf32, #tpu.memory_space<hbm>>
        %dma_wait3A_2396 = arith.constant 0 : i32
        %dma_wait3A_2397 = tpu.memref_slice %arg5[%add3A_1280, %dma_wait3A_2396] : memref<819200x128xf32, #tpu.memory_space<hbm>> -> memref<320x128xf32, #tpu.memory_space<hbm>>
        tpu.wait_dma2 semaphore(%run_scoped3A : memref<!tpu.dma_semaphore, #tpu.memory_space<semaphore_mem>>) src(%arg13 : memref<320x128xf32, #tpu.memory_space<vmem>>) dst(%dma_wait3A_2397 : memref<320x128xf32, #tpu.memory_space<hbm>>)
        tpu.yield
      }) : () -> ()
    }
    %scan3A_177 = arith.constant 40 : i32
    return
  }
}

</mosaic_0001>

<sc_bundles>
// kernel: _embed_lookup.3.cloned.1.call-start
scs
__scs_entry_jumppad:
0x0: {  	(pc) =	sbr.rel $0x88, $3  }
0x1: {  	(tag) =	ssettag $0x0;
	lr =	simm.s32 $0x1  }
0x2: {  	[smem:$0x3F9E] =	sst lr;
	_ =	strace $0xD0000000  }
0x3: {  	_ = 	snop  }
0x4: {  	_ = 	snop  }
0x5: {  	_ = 	snop  }
0x6: {  	_ = 	snop  }
0x7: {  	_ = 	snop  }
__scs_overlays_trampoline_lowered:
0x8: {  	[smem:$0x3FAD] =	sst s0  }
0x9: {  	[smem:$0x3FAE] =	sst s1  }
0xa: {  	[smem:$0x3FAF] =	sst s2  }
0xb: {  	[smem:$0x3FB0] =	sst s3  }
0xc: {  	[smem:$0x3FB1] =	sst s4  }
0xd: {  	[smem:$0x3FB2] =	sst s5  }
0xe: {  	[smem:$0x3FB3] =	sst s6  }
0xf: {  	[smem:$0x3FB4] =	sst s7  }
0x10: {  	[smem:$0x3FB5] =	sst s8  }
0x11: {  	[smem:$0x3FB6] =	sst s9;
	s0 =	simm.s32 @!p0 $0x0  }
0x12: {  	s1 =	sld [smem:$0x3F9C];
	s0 =	simm.s32 @p0 $0x1  }
0x13: {  	[smem:$0x3FB7] =	sst s0;
	s0 =	simm.s32 @!p1 $0x0  }
0x14: {  	s2 =	sld [smem:$0x3F9B];
	s0 =	simm.s32 @p1 $0x1  }
0x15: {  	[smem:$0x3FB8] =	sst s0;
	s0 =	simm.s32 @!p2 $0x0  }
0x16: {  	s3 =	sld [smem:$0x3FDB];
	s0 =	simm.s32 @p2 $0x1  }
0x17: {  	s4 =	simm.s32 $0x1BF5;
	[smem:$0x3FBA] =	sst s0  }
0x18: {  	s0 =	sld [smem:$0x3F9D];
	_ =	swait.ge [sflag:s4], $0x0  }
0x19: {  	s7 =	sld [smem:$0x3F9E]  }
0x1a: {  	s8 =	sadd.s32 $0xFFFFE003, lr  }
0x1b: {  	s9 =	sadd.s32 $0xFFFFFEF7, lr;
	s5 =	simm.s32 $0xFFFFFFFF;
	p2 =	slt.u32 s8, $0xFFFFF086  }
0x1c: {  	p1 =	slt.u32 s9, $0xF7A;
	s5 =	simm.s32 @!p2 $0x0  }
0x1d: {  	s5 =	simm.s32 @p1 $0x1;
	p0 =	seq.s32 s7, s2  }
0x1e: {  	s7 =	smul.u32 @!p0 $0xF7A, s2;
	p2 =	seq.s32 @!p0 s5, $0x0  }
0x1f: {  	s9 =	smul.u32 $0xF7A, s1;
	s8 =	simm.s32 @!p0 $0x1BF5;
	p2 =	por !p2, p0  }
0x20: {  	[sflag:s8] =	ssyncset.s32 @!p0 $0xFFFFF086;
	s6 =	sadd.s32 @!p0 s3, s7;
	s7 =	simm.s32 @!p0 $0x108  }
0x21: {  	s3 =	sadd.s32 s3, s9;
	s6 =	sadd.s32 @!p0 $0x88, s6;
	s7 =	simm.s32 @p2 $0x1082  }
0x22: {  	[simem:s7], [sflag:s8] =	dma.local @!p0 [hbm:s6], $0xF7A  }
0x23: {  	s9 =	sor.u32 $0xD0000000, s2;
	s6 =	simm.s32 $0x108;
	_ =	swait.ge @!p0 [sflag:s8], $0x0  }
0x24: {  	s3 =	sadd.s32 $0x88, s3;
	s6 =	simm.s32 @!p1 $0x1082;
	[sflag:s4] =	ssyncset.s32 $0xFFFFF086  }
0x25: {  	[simem:s6], [sflag:s4] =	dma.local [hbm:s3], $0xF7A  }
0x26: {  	[smem:$0x3F9E] =	sst s1;
	(tag) =	ssettag s2;
	_ =	strace s9  }
0x27: {  	s1 =	sld [smem:$0x3FAE]  }
0x28: {  	s2 =	sld [smem:$0x3FAF]  }
0x29: {  	s4 =	sld [smem:$0x3FB1]  }
0x2a: {  	p0 =	seq.s32 s5, $0x0;
	s5 =	sld [smem:$0x3FB2]  }
0x2b: {  	s6 =	sld [smem:$0x3FB3]  }
0x2c: {  	s7 =	sld [smem:$0x3FB4]  }
0x2d: {  	s3 =	simm.s32 $0x108;
	s8 =	sld [smem:$0x3FB5]  }
0x2e: {  	s3 =	simm.s32 @!p0 $0x1082;
	s9 =	sld [smem:$0x3FB6]  }
0x2f: {  	lr =	sadd.s32 s0, s3;
	s0 =	sld [smem:$0x3FAD]  }
0x30: {  	s3 =	sld [smem:$0x3FB0]  }
0x31: {  	[smem:$0x3FB9] =	sst s10  }
0x32: {  	s10 =	sld [smem:$0x3FB7];
	_ =	sdelay $0x3  }
0x33: {  	p0 =	seq.s32 s10, $0x1;
	s10 =	sld [smem:$0x3FB9];
	_ =	sdelay $0x3  }
0x34: {  	[smem:$0x3FB9] =	sst s10  }
0x35: {  	s10 =	sld [smem:$0x3FB8];
	_ =	sdelay $0x3  }
0x36: {  	p1 =	seq.s32 s10, $0x1;
	s10 =	sld [smem:$0x3FB9];
	_ =	sdelay $0x3  }
0x37: {  	[smem:$0x3FB9] =	sst s10  }
0x38: {  	s10 =	sld [smem:$0x3FBA]  }
0x39: {  	_ = 	snop;
	(pc) =	sbr.ind lr, $3  }
0x3a: {  	_ = 	snop  }
0x3b: {  	_ = 	snop  }
0x3c: {  	p2 =	seq.s32 s10, $0x1;
	s10 =	sld [smem:$0x3FB9]  }
0x3d: {  	_ =	shalt  }
0x3e: {  	_ =	shalt  }
0x3f: {  	_ =	shalt  }
0x40: {  	_ =	shalt  }
0x41: {  	_ =	shalt  }
0x42: {  	_ =	shalt  }
0x43: {  	_ =	shalt  }
0x44: {  	_ =	shalt  }
0x45: {  	_ =	shalt  }
0x46: {  	_ =	shalt  }
0x47: {  	_ =	shalt  }
0x48: {  	_ =	shalt  }
0x49: {  	_ =	shalt  }
0x4a: {  	_ =	shalt  }
0x4b: {  	_ =	shalt  }
0x4c: {  	_ =	shalt  }
0x4d: {  	_ =	shalt  }
0x4e: {  	_ =	shalt  }
0x4f: {  	_ =	shalt  }
0x50: {  	_ =	shalt  }
0x51: {  	_ =	shalt  }
0x52: {  	_ =	shalt  }
0x53: {  	_ =	shalt  }
0x54: {  	_ =	shalt  }
0x55: {  	_ =	shalt  }
0x56: {  	_ =	shalt  }
0x57: {  	_ =	shalt  }
0x58: {  	_ =	shalt  }
0x59: {  	_ =	shalt  }
0x5a: {  	_ =	shalt  }
0x5b: {  	_ =	shalt  }
0x5c: {  	_ =	shalt  }
0x5d: {  	_ =	shalt  }
0x5e: {  	_ =	shalt  }
0x5f: {  	_ =	shalt  }
0x60: {  	_ =	shalt  }
0x61: {  	_ =	shalt  }
0x62: {  	_ =	shalt  }
0x63: {  	_ =	shalt  }
0x64: {  	_ =	shalt  }
0x65: {  	_ =	shalt  }
0x66: {  	_ =	shalt  }
0x67: {  	_ =	shalt  }
0x68: {  	_ =	shalt  }
0x69: {  	_ =	shalt  }
0x6a: {  	_ =	shalt  }
0x6b: {  	_ =	shalt  }
0x6c: {  	_ =	shalt  }
0x6d: {  	_ =	shalt  }
0x6e: {  	_ =	shalt  }
0x6f: {  	_ =	shalt  }
0x70: {  	_ =	shalt  }
0x71: {  	_ =	shalt  }
0x72: {  	_ =	shalt  }
0x73: {  	_ =	shalt  }
0x74: {  	_ =	shalt  }
0x75: {  	_ =	shalt  }
0x76: {  	_ =	shalt  }
0x77: {  	_ =	shalt  }
0x78: {  	_ =	shalt  }
0x79: {  	_ =	shalt  }
0x7a: {  	_ =	shalt  }
0x7b: {  	_ =	shalt  }
0x7c: {  	_ =	shalt  }
0x7d: {  	_ =	shalt  }
0x7e: {  	_ =	shalt  }
0x7f: {  	_ =	shalt  }
0x80: {  	_ =	shalt  }
0x81: {  	_ =	shalt  }
0x82: {  	_ =	shalt  }
0x83: {  	_ =	shalt  }
0x84: {  	_ =	shalt  }
0x85: {  	_ =	shalt  }
0x86: {  	_ =	shalt  }
0x87: {  	_ =	shalt  }
.Lfunc_end0:
.L_simem_size_0:
called_computation_lowered:
.L_overlay_start_0:
0x88: {  	s2 =	sld [smem:$0x3FD9]  }
0x89: {  	s3 =	sld [smem:$0x3FFE];
	_ =	sdelay $0x1  }
0x8a: {  	s1 =	srdreg.scid  }
0x8b: {  	s0 =	sand.u32 $0x1, s1  }
0x8c: {  	s18 =	sshll.u32 s0, $0xA;
	s2 =	sadd.s32 s3, s2  }
0x8d: {  	s2 =	sadd.s32 s2, s18  }
0x8e: {  	[smem:$0x3FC5] =	sst s2  }
0x8f: {  	_ = 	snop  }
0x90: {  	s2 =	sld [smem:$0x3FC9]  }
0x91: {  	s19 =	sld [smem:$0x3FC8]  }
0x92: {  	s4 =	sld [smem:$0x3FC7]  }
0x93: {  	s5 =	sld [smem:$0x3FD0];
	(tm) =	ssettm $0x1  }
0x94: {  	s6 =	sld [smem:$0x3FFB];
	_ =	sdelay $0x3  }
0x95: {  	_ =	strace s6  }
0x96: {  	s6 =	sld [smem:$0x3FFC];
	_ =	sdelay $0x3  }
0x97: {  	_ =	strace s6  }
0x98: {  	s6 =	sld [smem:$0x3FFD];
	_ =	sdelay $0x3  }
0x99: {  	_ =	strace s6  }
0x9a: {  	_ =	strace $0x8FFFFFFF  }
0x9b: {  	s20 =	sld [smem:$0x3FDB];
	_ =	sdelay $0x1  }
0x9c: {  	s7 =	simm.s32 $_scs_section_size  }
0x9d: {  	s8 =	simm.s32 $_size__tile_overlayer_lowered;
	s9 =	simm.s32 $_tile_overlayer_lowered  }
0x9e: {  	s23 =	simm.s32 $0x1BFF;
	s22 =	sshll.u32 s9, $0x1;
	s6 =	sadd.s32 s7, s20  }
0x9f: {  	s10 =	simm.s32 $0x0;
	s21 =	sshll.u32 s8, $0x1;
	s8 =	sadd.s32 s22, s6  }
0xa0: {  	[timem:s10], [sflag:s23] =	dma.local [hbm:s8], s21  }
0xa1: {  	_ =	swait.ge [sflag:s23], s21  }
0xa2: {  	s7 =	ssub.s32 $0x0, s21;
	[sflag:s23] =	ssyncset.done $0x0  }
0xa3: {  	[sflag:s23] =	ssyncadd.s32 s7;
	_ =	sdelay $0x1  }
0xa4: {  	s24 =	simm.s32 $0x1B8B  }
0xa5: {  	_ =	swait.ge [sflag:s24], $0x1  }
0xa6: {  	[sflag:s24] =	ssyncset.done $0x0  }
0xa7: {  	s25 =	simm.s32 $0x1B8E;
	[sflag:s24] =	ssyncadd.s32 $0xFFFFFFFF  }
0xa8: {  	s26 =	simm.s32 $execute0_lowered;
	[smem:$0x3FD2] =	sst s25  }
0xa9: {  	s7 =	sshll.u32 s26, $0x1;
	_ =	strace $0x80000046;
	[dreg:$0x1] =	wrdreg $0xFFFFFFFF  }
0xaa: {  	s28 =	simm.s32 $_size_execute0_lowered;
	s6 =	sadd.s32 s6, s7;
	[dreg:$0x0] =	wrdreg $0x0  }
0xab: {  	s7 =	sshll.u32 s28, $0x1;
	[dreg:$0x2] =	wrdreg s6  }
0xac: {  	[dreg:$0x3] =	wrdreg s7  }
0xad: {  	[dreg:$0x4] =	wrdreg $0xC0  }
0xae: {  	_ =	task [dreg:s10], $0x5FFFF  }
0xaf: {  	[dreg:$0x1] =	wrdreg $0xFFFFFFFF  }
0xb0: {  	[dreg:$0x0] =	wrdreg $0x60  }
0xb1: {  	[dreg:$0x2] =	wrdreg s2  }
0xb2: {  	[dreg:$0x3] =	wrdreg s19  }
0xb3: {  	[dreg:$0x4] =	wrdreg s4  }
0xb4: {  	[dreg:$0x5] =	wrdreg s5  }
0xb5: {  	[dreg:$0x6] =	wrdreg $0x9  }
0xb6: {  	_ =	task.clear_ibuf [dreg:s10], $0x7FFFF;
	_ =	strace $0x90000046  }
0xb7: {  	s29 =	simm.s32 $0x9;
	_ =	strace $0x80000048  }
0xb8: {  	_ =	swait.ge [sflag:s29], $0x1  }
0xb9: {  	[sflag:s29] =	ssyncadd.s32 $0xFFFFFFFF  }
0xba: {  	_ =	strace $0x90000048  }
0xbb: {  	_ =	sfence  }
0xbc: {  	s30 =	sld [smem:$0x0];
	_ =	sdelay $0x2  }
0xbd: {  	s31 =	sshll.u32 s1, $0xD;
	s1 =	sshrl.u32 s1, $0x2  }
0xbe: {  	s3 =	sand.u32 $0x4000, s31;
	s1 =	sadd.s32 s1, s30  }
0xbf: {  	s0 =	sor.u32 s3, s0;
	s1 =	sshll.u32 s1, $0x11  }
0xc0: {  	s0 =	sor.u32 s1, s0  }
0xc1: {  	s0 =	sadd.s32 $0x8F2B, s0  }
0xc2: {  	[sflag:s0] =	ssyncadd.remote.s32 $0x1  }
0xc3: {  	_ =	sfence.sel $0xFFFF  }
0xc4: {  	[dreg:$0x0] =	wrdreg $0xFFFFFFFF;
	(pc) =	sbr.abs _section_cstart, $3  }
0xc5: {  	[dreg:$0x1] =	wrdreg $0xFFFFFFFF  }
0xc6: {  	_ =	task.clear_ibuf [dreg:s10], $0x2FFFF;
	_ =	strace $0x9FFFFFFF  }
0xc7: {  	(tm) =	ssettm $0x7FFFFFFF  }
tec
execute0_lowered:
.L_overlay_start_1:
0x0: {  	(tag) =	ssettag $0x1  }
0x1: {  	s1 =	rddreg [dreg:$0x0]  }
0x2: {  	s2 =	rddreg [dreg:$0x1]  }
0x3: {  	s0 =	srdreg.scid;
	s4 =	rddreg [dreg:$0x2]  }
0x4: {  	s3 =	stileid.u32;
	s5 =	rddreg [dreg:$0x3];
	s6 =	simm.s32 $0x0  }
0x5: {  	s12 =	simm.s32 $0x1;
	s13 =	simm.s32 $0x180;
	s14 =	simm.s32 $0x680  }
0x6: {  	s15 =	simm.s32 $0x80;
	s16 =	simm.s32 $0x300;
	s17 =	simm.s32 $0x880  }
0x7: {  	v0 =	vlaneseq.u32;
	s18 =	simm.s32 $0x380;
	s19 =	simm.s32 $0x4880;
	s20 =	simm.s32 $0x40  }
0x8: {  	s21 =	simm.s32 $0x400;
	v24 =	vimm.s32 $0x0;
	s0 =	sand.u32 $0x1, s0;
	s3 =	sshll.u32 s3, $0x1;
	v1 =	vor.u32 $0x10, v0;
	v2 =	vor.u32 $0x20, v0  }
0x9: {  	s22 =	simm.s32 $0x8880;
	s23 =	simm.s32 $0x2;
	v3 =	vor.u32 $0x30, v0;
	v4 =	vor.u32 $0x40, v0;
	v5 =	vor.u32 $0x50, v0;
	s3 =	sor.u32 s0, s3  }
0xa: {  	s24 =	simm.s32 $0x3;
	v6 =	vor.u32 $0x60, v0;
	v7 =	vor.u32 $0x70, v0;
	v8 =	vor.u32 $0x80, v0;
	s0 =	ssub.s32 $0x2, s0;
	s7 =	smul.u32 $0x6400, s3  }
.Ltmp0:
0xb: {  	s25 =	simm.s32 $0xA880;
	v9 =	vor.u32 $0x90, v0;
	v10 =	vor.u32 $0xA0, v0;
	v11 =	vor.u32 $0xB0, v0;
	s30 =	sshrl.u32 s0, $0x1;
	(pc) =	sbr.rel .LBB2_1-.Ltmp0, $4  }
0xc: {  	s26 =	simm.s32 $0x4;
	[smem:$0x7FF] =	sst s6;
	v12 =	vor.u32 $0xC0, v0;
	v13 =	vor.u32 $0xD0, v0;
	v14 =	vor.u32 $0xE0, v0;
	s0 =	ssub.s32 s0, s30  }
0xd: {  	v15 =	vor.u32 $0xF0, v0;
	v16 =	vor.u32 $0x100, v0;
	v17 =	vor.u32 $0x110, v0;
	_ =	strace $0x80000047;
	s8 =	sshrl.u32 s7, $0x3;
	s0 =	smax.u32 s0, $0x1  }
0xe: {  	v18 =	vor.u32 $0x120, v0;
	v19 =	vor.u32 $0x130, v0;
	v20 =	vor.u32 $0x140, v0;
	s3 =	simm.s32 $0x0;
	s31 =	sadd.s32 s1, s8;
	[dreg:$0x6] =	wrdreg s0  }
0xf: {  	v21 =	vor.u32 $0x150, v0;
	v22 =	vor.u32 $0x160, v0;
	v23 =	vor.u32 $0x170, v0;
	s9 =	sor.u32 $0x140, s7;
	s10 =	sor.u32 $0x280, s7;
	[dreg:$0x5] =	wrdreg s31  }
.LBB2_29:
0x10: {  	s3 =	rddreg [dreg:$0x7]  }
0x11: {  	s0 =	rddreg [dreg:$0x6];
	s3 =	sadd.s32 $0x1, s3  }
0x12: {  	p0 =	sne.s32 s3, s0  }
.Ltmp1:
0x13: {  	_ = 	snop;
	(pc) =	sbr.rel @!p0 .LBB2_30-.Ltmp1, $1  }
0x14: {  	_ =	sdelay $0x3  }
.LBB2_1:
0x15: {  	[tilespmem:$0x480] =	vst v0  }
0x16: {  	[tilespmem:$0x490] =	vst v1  }
0x17: {  	[tilespmem:$0x4A0] =	vst v2  }
0x18: {  	[tilespmem:$0x4B0] =	vst v3  }
0x19: {  	[tilespmem:$0x4C0] =	vst v4  }
0x1a: {  	[tilespmem:$0x4D0] =	vst v5  }
0x1b: {  	[tilespmem:$0x4E0] =	vst v6  }
0x1c: {  	[tilespmem:$0x4F0] =	vst v7  }
0x1d: {  	[tilespmem:$0x500] =	vst v8  }
0x1e: {  	[tilespmem:$0x510] =	vst v9  }
0x1f: {  	[tilespmem:$0x520] =	vst v10  }
0x20: {  	[tilespmem:$0x530] =	vst v11  }
0x21: {  	[tilespmem:$0x540] =	vst v12  }
0x22: {  	[tilespmem:$0x550] =	vst v13  }
0x23: {  	[tilespmem:$0x560] =	vst v14  }
0x24: {  	[tilespmem:$0x570] =	vst v15  }
0x25: {  	[tilespmem:$0x580] =	vst v16  }
0x26: {  	[tilespmem:$0x590] =	vst v17  }
0x27: {  	[tilespmem:$0x5A0] =	vst v18  }
0x28: {  	[tilespmem:$0x5B0] =	vst v19  }
.Ltmp2:
0x29: {  	[tilespmem:$0x5C0] =	vst v20;
	(pc) =	sbr.rel .LBB2_2-.Ltmp2, $4  }
0x2a: {  	[tilespmem:$0x5D0] =	vst v21  }
0x2b: {  	[dreg:$0x7] =	wrdreg s3;
	[tilespmem:$0x5E0] =	vst v22  }
0x2c: {  	[tilespmem:$0x5F0] =	vst v23;
	s0 =	rddreg [dreg:$0x5];
	s29 =	simm.s32 $0x0  }
0x2d: {  	[tilespmem:s6], [sflag:$0x1] =	stream.linear.gather [hbm4b:s0+s6], $0x140, $0x38;
	[tilespmem:$0x16880] =	vst v63  }
.LBB2_24:
0x2e: {  	_ = 	snop  }
.LBB2_27:
0x2f: {  	_ = 	snop  }
0x30: {  	v27 =	vshra.s32 v27, $0x6;
	_ =	sdelay $0x3  }
0x31: {  	v29 =	vor.u32 s0, v0;
	[tilespmem:v28+s17+$0x0] =	vst.idx.msk @p0 vm0, v26  }
0x32: {  	v26 =	vand.u32 $0x3F, v29;
	v63 =	vshll.u32 v27, $0x7;
	v27 =	vld.idx.msk [tilespmem:v27+s14+$0x0], $0xffff  }
0x33: {  	v28 =	vor.u32 v26, v63;
	_ =	sdelay $0x3  }
0x34: {  	vm15 =	vlt.s32 v29, v25;
	v25 =	vshll.u32 v27, $0x7  }
0x35: {  	v27 =	vld.idx.msk [tilespmem:v28+s25+$0x0], $0xffff;
	v25 =	vor.u32 v26, v25;
	_ =	sdelay $0x4  }
0x36: {  	[tilespmem:v25+s17+$0x0] =	vst.idx.msk vm15, v27  }
.LBB2_28:
0x37: {  	s29 =	sadd.s32 $0x1, s29  }
0x38: {  	s0 =	sshll.u32 s30, $0x4;
	p0 =	sne.s32 s29, $0x28  }
.Ltmp3:
0x39: {  	s0 =	sadd.s32 s5, s0;
	(pc) =	sbr.rel @!p0 .LBB2_29-.Ltmp3, $4  }
0x3a: {  	[hbm4b:s0+s6] =	stream.linear.scatter [tilespmem:s17], [sflag:$0x4], $0xA000, $0x38;
	[tilespmem:$0x16880] =	vst v63  }
0x3b: {  	_ =	swait.ge [sflag:s26], $0xA000  }
0x3c: {  	[sflag:s26] =	ssyncset.done $0x0  }
0x3d: {  	[sflag:s26] =	ssyncadd.s32 $0xFFFF6000  }
.LBB2_2:
0x3e: {  	s31 =	smul.u32 $0x280, s29;
	_ =	sdelay $0x1  }
0x3f: {  	_ =	swait.ge [sflag:s12], $0x140;
	s30 =	sadd.s32 s31, s9  }
0x40: {  	[sflag:s12] =	ssyncset.done $0x0;
	s0 =	sshrl.u32 s30, $0x3  }
0x41: {  	[sflag:s12] =	ssyncadd.s32 $0xFFFFFEC0;
	s0 =	sadd.s32 s1, s0  }
0x42: {  	[tilespmem:s13], [sflag:$0x1] =	stream.linear.gather [hbm4b:s0+s6], $0x140, $0x38;
	[tilespmem:$0x16880] =	vst v63  }
0x43: {  	v25 =	vld [tilespmem:$0x0];
	_ =	sdelay $0x4  }
0x44: {  	vm0 =	vgt.s32 v25, $0xDBB9F  }
0x45: {  	v26 =	vsel vm0, $0x1, v24  }
0x46: {  	(xrf0) =	vadd.scan.msk.s32 $0xffff, v26;
	_ =	sdelay $0x5  }
0x47: {  	v27, _, _ =	vpop (xrf0)  }
0x48: {  	v26 =	vsub.s32 v27, v26;
	v27 =	vxor.u32 $0x80000000, v27  }
0x49: {  	(xrf0) =	vmax.scan.msk.u32 $0xffff, v27;
	_ =	sdelay $0x1  }
0x4a: {  	v27 =	vsel vm0, v0, v25  }
0x4b: {  	s3 =	simm.s32 $0x480;
	v25 =	vadd.s32 $0xFFF24460, v25;
	[tilespmem:$0x300] =	vst v27  }
0x4c: {  	[tilespmem:v26+s3+$0x0] =	vst.idx.msk vm0, v25  }
0x4d: {  	[tilespmem:v26+s14+$0x0] =	vst.idx.msk vm0, v0  }
0x4e: {  	v25, _, _ =	vpop (xrf0);
	v26 =	vld [tilespmem:$0x10]  }
0x4f: {  	(v2sf) =	vpush v25, $0xF;
	_ =	sdelay $0x3  }
0x50: {  	vm9 =	vgt.s32 v26, $0xDBB9F  }
0x51: {  	v25 =	vsel vm9, $0x1, v24  }
0x52: {  	(xrf0) =	vadd.scan.msk.s32 $0xffff, v25;
	_ =	sdelay $0x5  }
0x53: {  	v27, _, _ =	vpop (xrf0)  }
0x54: {  	v28 =	vxor.u32 $0x80000000, v27  }
0x55: {  	(xrf0) =	vmax.scan.msk.u32 $0xffff, v28  }
0x56: {  	s11 =	spop (v2sf)  }
0x57: {  	v25 =	vsub.s32 v27, v25;
	s0 =	sxor.u32 $0x80000000, s11  }
0x58: {  	v25 =	vadd.s32 s0, v25;
	_ =	sdelay $0x2  }
0x59: {  	v27 =	vsel vm9, v1, v26;
	v28, _, _ =	vpop (xrf0)  }
0x5a: {  	v26 =	vadd.s32 $0xFFF24460, v26;
	[tilespmem:$0x310] =	vst v27;
	(v2sf) =	vpush v28, $0xF  }
0x5b: {  	[tilespmem:v25+s3+$0x0] =	vst.idx.msk vm9, v26  }
0x5c: {  	[tilespmem:v25+s14+$0x0] =	vst.idx.msk vm9, v1  }
0x5d: {  	v25 =	vld [tilespmem:$0x20];
	_ =	sdelay $0x4  }
0x5e: {  	vm10 =	vgt.s32 v25, $0xDBB9F  }
0x5f: {  	v26 =	vsel vm10, $0x1, v24  }
0x60: {  	(xrf0) =	vadd.scan.msk.s32 $0xffff, v26;
	_ =	sdelay $0x4  }
0x61: {  	s8 =	spop (v2sf)  }
0x62: {  	s0 =	sadd.s32 s8, s0;
	v27, _, _ =	vpop (xrf0)  }
0x63: {  	s0 =	sadd.s32 $0x80000000, s0;
	v26 =	vsub.s32 v27, v26;
	v27 =	vxor.u32 $0x80000000, v27  }
0x64: {  	v26 =	vadd.s32 s0, v26;
	(xrf0) =	vmax.scan.msk.u32 $0xffff, v27;
	_ =	sdelay $0x2  }
0x65: {  	v27 =	vsel vm10, v2, v25;
	v25 =	vadd.s32 $0xFFF24460, v25  }
0x66: {  	[tilespmem:$0x320] =	vst v27  }
0x67: {  	[tilespmem:v26+s3+$0x0] =	vst.idx.msk vm10, v25  }
0x68: {  	[tilespmem:v26+s14+$0x0] =	vst.idx.msk vm10, v2;
	v25, _, _ =	vpop (xrf0)  }
0x69: {  	(v2sf) =	vpush v25, $0xF;
	v25 =	vld [tilespmem:$0x30];
	_ =	sdelay $0x4  }
0x6a: {  	vm11 =	vgt.s32 v25, $0xDBB9F  }
0x6b: {  	v26 =	vsel vm11, $0x1, v24  }
0x6c: {  	(xrf0) =	vadd.scan.msk.s32 $0xffff, v26;
	_ =	sdelay $0x5  }
0x6d: {  	v27, _, _ =	vpop (xrf0)  }
0x6e: {  	v54 =	vxor.u32 $0x80000000, v27  }
0x6f: {  	s28 =	spop (v2sf);
	(xrf0) =	vmax.scan.msk.u32 $0xffff, v54  }
0x70: {  	s0 =	sadd.s32 s28, s0  }
0x71: {  	v26 =	vsub.s32 v27, v26;
	s0 =	sadd.s32 $0x80000000, s0  }
0x72: {  	v26 =	vadd.s32 s0, v26;
	_ =	sdelay $0x2  }
0x73: {  	v27 =	vsel vm11, v3, v25;
	v28, _, _ =	vpop (xrf0)  }
0x74: {  	v25 =	vadd.s32 $0xFFF24460, v25;
	[tilespmem:$0x330] =	vst v27;
	(v2sf) =	vpush v28, $0xF  }
0x75: {  	[tilespmem:v26+s3+$0x0] =	vst.idx.msk vm11, v25  }
0x76: {  	[tilespmem:v26+s14+$0x0] =	vst.idx.msk vm11, v3  }
0x77: {  	v25 =	vld [tilespmem:$0x40];
	_ =	sdelay $0x4  }
0x78: {  	vm12 =	vgt.s32 v25, $0xDBB9F  }
0x79: {  	v26 =	vsel vm12, $0x1, v24  }
0x7a: {  	(xrf0) =	vadd.scan.msk.s32 $0xffff, v26;
	_ =	sdelay $0x4  }
0x7b: {  	s11 =	spop (v2sf)  }
0x7c: {  	s0 =	sadd.s32 s11, s0;
	v27, _, _ =	vpop (xrf0)  }
0x7d: {  	s0 =	sadd.s32 $0x80000000, s0;
	v26 =	vsub.s32 v27, v26;
	v27 =	vxor.u32 $0x80000000, v27  }
0x7e: {  	v26 =	vadd.s32 s0, v26;
	(xrf0) =	vmax.scan.msk.u32 $0xffff, v27;
	_ =	sdelay $0x2  }
0x7f: {  	v27 =	vsel vm12, v4, v25;
	v25 =	vadd.s32 $0xFFF24460, v25  }
0x80: {  	[tilespmem:$0x340] =	vst v27  }
0x81: {  	[tilespmem:v26+s3+$0x0] =	vst.idx.msk vm12, v25  }
0x82: {  	[tilespmem:v26+s14+$0x0] =	vst.idx.msk vm12, v4;
	v25, _, _ =	vpop (xrf0)  }
0x83: {  	(v2sf) =	vpush v25, $0xF;
	v25 =	vld [tilespmem:$0x50];
	_ =	sdelay $0x4  }
0x84: {  	vm13 =	vgt.s32 v25, $0xDBB9F  }
0x85: {  	v26 =	vsel vm13, $0x1, v24  }
0x86: {  	(xrf0) =	vadd.scan.msk.s32 $0xffff, v26;
	_ =	sdelay $0x5  }
0x87: {  	v27, _, _ =	vpop (xrf0)  }
0x88: {  	v55 =	vxor.u32 $0x80000000, v27  }
0x89: {  	s28 =	spop (v2sf);
	(xrf0) =	vmax.scan.msk.u32 $0xffff, v55  }
0x8a: {  	s0 =	sadd.s32 s28, s0  }
0x8b: {  	v26 =	vsub.s32 v27, v26;
	s0 =	sadd.s32 $0x80000000, s0  }
0x8c: {  	v26 =	vadd.s32 s0, v26;
	_ =	sdelay $0x2  }
0x8d: {  	v27 =	vsel vm13, v5, v25;
	v28, _, _ =	vpop (xrf0)  }
0x8e: {  	v25 =	vadd.s32 $0xFFF24460, v25;
	[tilespmem:$0x350] =	vst v27;
	(v2sf) =	vpush v28, $0xF  }
0x8f: {  	[tilespmem:v26+s3+$0x0] =	vst.idx.msk vm13, v25  }
0x90: {  	[tilespmem:v26+s14+$0x0] =	vst.idx.msk vm13, v5  }
0x91: {  	v25 =	vld [tilespmem:$0x60];
	_ =	sdelay $0x4  }
0x92: {  	vm14 =	vgt.s32 v25, $0xDBB9F  }
0x93: {  	v26 =	vsel vm14, $0x1, v24  }
0x94: {  	(xrf0) =	vadd.scan.msk.s32 $0xffff, v26;
	_ =	sdelay $0x4  }
0x95: {  	s11 =	spop (v2sf)  }
0x96: {  	s0 =	sadd.s32 s11, s0;
	v27, _, _ =	vpop (xrf0)  }
0x97: {  	s0 =	sadd.s32 $0x80000000, s0;
	v26 =	vsub.s32 v27, v26;
	v27 =	vxor.u32 $0x80000000, v27  }
0x98: {  	v26 =	vadd.s32 s0, v26;
	(xrf0) =	vmax.scan.msk.u32 $0xffff, v27;
	_ =	sdelay $0x2  }
0x99: {  	v27 =	vsel vm14, v6, v25;
	v25 =	vadd.s32 $0xFFF24460, v25  }
0x9a: {  	[tilespmem:$0x360] =	vst v27  }
0x9b: {  	[tilespmem:v26+s3+$0x0] =	vst.idx.msk vm14, v25  }
0x9c: {  	[tilespmem:v26+s14+$0x0] =	vst.idx.msk vm14, v6;
	v25, _, _ =	vpop (xrf0)  }
0x9d: {  	(v2sf) =	vpush v25, $0xF;
	v25 =	vld [tilespmem:$0x70];
	_ =	sdelay $0x4  }
0x9e: {  	vm15 =	vgt.s32 v25, $0xDBB9F  }
0x9f: {  	v26 =	vsel vm15, $0x1, v24  }
0xa0: {  	(xrf0) =	vadd.scan.msk.s32 $0xffff, v26;
	_ =	sdelay $0x5  }
0xa1: {  	v27, _, _ =	vpop (xrf0)  }
0xa2: {  	v56 =	vxor.u32 $0x80000000, v27  }
0xa3: {  	s28 =	spop (v2sf);
	(xrf0) =	vmax.scan.msk.u32 $0xffff, v56  }
0xa4: {  	s0 =	sadd.s32 s28, s0  }
0xa5: {  	v26 =	vsub.s32 v27, v26;
	s0 =	sadd.s32 $0x80000000, s0  }
0xa6: {  	v26 =	vadd.s32 s0, v26;
	_ =	sdelay $0x2  }
0xa7: {  	v27 =	vsel vm15, v7, v25;
	v28, _, _ =	vpop (xrf0)  }
0xa8: {  	v25 =	vadd.s32 $0xFFF24460, v25;
	[tilespmem:$0x370] =	vst v27;
	(v2sf) =	vpush v28, $0xF  }
0xa9: {  	[tilespmem:v26+s3+$0x0] =	vst.idx.msk vm15, v25  }
0xaa: {  	[tilespmem:v26+s14+$0x0] =	vst.idx.msk vm15, v7  }
0xab: {  	v25 =	vld [tilespmem:$0x80];
	_ =	sdelay $0x4  }
0xac: {  	vm4 =	vgt.s32 v25, $0xDBB9F  }
0xad: {  	v26 =	vsel vm4, $0x1, v24  }
0xae: {  	(xrf0) =	vadd.scan.msk.s32 $0xffff, v26;
	_ =	sdelay $0x4  }
0xaf: {  	s11 =	spop (v2sf)  }
0xb0: {  	s0 =	sadd.s32 s11, s0;
	v27, _, _ =	vpop (xrf0)  }
0xb1: {  	s0 =	sadd.s32 $0x80000000, s0;
	v26 =	vsub.s32 v27, v26;
	v27 =	vxor.u32 $0x80000000, v27  }
0xb2: {  	v26 =	vadd.s32 s0, v26;
	(xrf0) =	vmax.scan.msk.u32 $0xffff, v27;
	_ =	sdelay $0x2  }
0xb3: {  	v27 =	vsel vm4, v8, v25;
	v25 =	vadd.s32 $0xFFF24460, v25  }
0xb4: {  	[tilespmem:$0x380] =	vst v27  }
0xb5: {  	[tilespmem:v26+s3+$0x0] =	vst.idx.msk vm4, v25  }
0xb6: {  	[tilespmem:v26+s14+$0x0] =	vst.idx.msk vm4, v8;
	v25, _, _ =	vpop (xrf0)  }
0xb7: {  	(v2sf) =	vpush v25, $0xF;
	v25 =	vld [tilespmem:$0x90];
	_ =	sdelay $0x4  }
0xb8: {  	vm5 =	vgt.s32 v25, $0xDBB9F  }
0xb9: {  	v26 =	vsel vm5, $0x1, v24  }
0xba: {  	(xrf0) =	vadd.scan.msk.s32 $0xffff, v26;
	_ =	sdelay $0x5  }
0xbb: {  	v27, _, _ =	vpop (xrf0)  }
0xbc: {  	v57 =	vxor.u32 $0x80000000, v27  }
0xbd: {  	s28 =	spop (v2sf);
	(xrf0) =	vmax.scan.msk.u32 $0xffff, v57  }
0xbe: {  	s0 =	sadd.s32 s28, s0  }
0xbf: {  	v26 =	vsub.s32 v27, v26;
	s0 =	sadd.s32 $0x80000000, s0  }
0xc0: {  	v26 =	vadd.s32 s0, v26;
	_ =	sdelay $0x2  }
0xc1: {  	v27 =	vsel vm5, v9, v25;
	v28, _, _ =	vpop (xrf0)  }
0xc2: {  	v25 =	vadd.s32 $0xFFF24460, v25;
	[tilespmem:$0x390] =	vst v27;
	(v2sf) =	vpush v28, $0xF  }
0xc3: {  	[tilespmem:v26+s3+$0x0] =	vst.idx.msk vm5, v25  }
0xc4: {  	[tilespmem:v26+s14+$0x0] =	vst.idx.msk vm5, v9  }
0xc5: {  	v25 =	vld [tilespmem:$0xA0];
	_ =	sdelay $0x4  }
0xc6: {  	vm6 =	vgt.s32 v25, $0xDBB9F  }
0xc7: {  	v26 =	vsel vm6, $0x1, v24  }
0xc8: {  	(xrf0) =	vadd.scan.msk.s32 $0xffff, v26;
	_ =	sdelay $0x4  }
0xc9: {  	s11 =	spop (v2sf)  }
0xca: {  	s0 =	sadd.s32 s11, s0;
	v27, _, _ =	vpop (xrf0)  }
0xcb: {  	s0 =	sadd.s32 $0x80000000, s0;
	v26 =	vsub.s32 v27, v26;
	v27 =	vxor.u32 $0x80000000, v27  }
0xcc: {  	v26 =	vadd.s32 s0, v26;
	(xrf0) =	vmax.scan.msk.u32 $0xffff, v27;
	_ =	sdelay $0x2  }
0xcd: {  	v27 =	vsel vm6, v10, v25;
	v25 =	vadd.s32 $0xFFF24460, v25  }
0xce: {  	[tilespmem:$0x3A0] =	vst v27  }
0xcf: {  	[tilespmem:v26+s3+$0x0] =	vst.idx.msk vm6, v25  }
0xd0: {  	[tilespmem:v26+s14+$0x0] =	vst.idx.msk vm6, v10;
	v25, _, _ =	vpop (xrf0)  }
0xd1: {  	(v2sf) =	vpush v25, $0xF;
	v25 =	vld [tilespmem:$0xB0];
	_ =	sdelay $0x4  }
0xd2: {  	vm7 =	vgt.s32 v25, $0xDBB9F  }
0xd3: {  	v26 =	vsel vm7, $0x1, v24  }
0xd4: {  	(xrf0) =	vadd.scan.msk.s32 $0xffff, v26;
	_ =	sdelay $0x5  }
0xd5: {  	v27, _, _ =	vpop (xrf0)  }
0xd6: {  	v58 =	vxor.u32 $0x80000000, v27  }
0xd7: {  	s28 =	spop (v2sf);
	(xrf0) =	vmax.scan.msk.u32 $0xffff, v58  }
0xd8: {  	s0 =	sadd.s32 s28, s0  }
0xd9: {  	v26 =	vsub.s32 v27, v26;
	s0 =	sadd.s32 $0x80000000, s0  }
0xda: {  	v26 =	vadd.s32 s0, v26;
	_ =	sdelay $0x2  }
0xdb: {  	v27 =	vsel vm7, v11, v25;
	v28, _, _ =	vpop (xrf0)  }
0xdc: {  	v25 =	vadd.s32 $0xFFF24460, v25;
	[tilespmem:$0x3B0] =	vst v27;
	(v2sf) =	vpush v28, $0xF  }
0xdd: {  	[tilespmem:v26+s3+$0x0] =	vst.idx.msk vm7, v25  }
0xde: {  	[tilespmem:v26+s14+$0x0] =	vst.idx.msk vm7, v11  }
0xdf: {  	v25 =	vld [tilespmem:$0xC0];
	_ =	sdelay $0x4  }
0xe0: {  	vm8 =	vgt.s32 v25, $0xDBB9F  }
0xe1: {  	v26 =	vsel vm8, $0x1, v24  }
0xe2: {  	(xrf0) =	vadd.scan.msk.s32 $0xffff, v26;
	_ =	sdelay $0x4  }
0xe3: {  	s11 =	spop (v2sf)  }
0xe4: {  	s0 =	sadd.s32 s11, s0;
	v27, _, _ =	vpop (xrf0)  }
0xe5: {  	s0 =	sadd.s32 $0x80000000, s0;
	v26 =	vsub.s32 v27, v26;
	v27 =	vxor.u32 $0x80000000, v27  }
0xe6: {  	v26 =	vadd.s32 s0, v26;
	(xrf0) =	vmax.scan.msk.u32 $0xffff, v27;
	_ =	sdelay $0x2  }
0xe7: {  	v27 =	vsel vm8, v12, v25;
	v25 =	vadd.s32 $0xFFF24460, v25  }
0xe8: {  	[tilespmem:$0x3C0] =	vst v27  }
0xe9: {  	[tilespmem:v26+s3+$0x0] =	vst.idx.msk vm8, v25  }
0xea: {  	[tilespmem:v26+s14+$0x0] =	vst.idx.msk vm8, v12;
	v25, _, _ =	vpop (xrf0)  }
0xeb: {  	(v2sf) =	vpush v25, $0xF;
	v25 =	vld [tilespmem:$0xD0];
	_ =	sdelay $0x4  }
0xec: {  	vm9 =	vgt.s32 v25, $0xDBB9F  }
0xed: {  	v26 =	vsel vm9, $0x1, v24  }
0xee: {  	(xrf0) =	vadd.scan.msk.s32 $0xffff, v26;
	_ =	sdelay $0x5  }
0xef: {  	v27, _, _ =	vpop (xrf0)  }
0xf0: {  	v59 =	vxor.u32 $0x80000000, v27  }
0xf1: {  	s28 =	spop (v2sf);
	(xrf0) =	vmax.scan.msk.u32 $0xffff, v59  }
0xf2: {  	s0 =	sadd.s32 s28, s0  }
0xf3: {  	v26 =	vsub.s32 v27, v26;
	s0 =	sadd.s32 $0x80000000, s0  }
0xf4: {  	v26 =	vadd.s32 s0, v26;
	_ =	sdelay $0x2  }
0xf5: {  	v27 =	vsel vm9, v13, v25;
	v28, _, _ =	vpop (xrf0)  }
0xf6: {  	v25 =	vadd.s32 $0xFFF24460, v25;
	[tilespmem:$0x3D0] =	vst v27;
	(v2sf) =	vpush v28, $0xF  }
0xf7: {  	[tilespmem:v26+s3+$0x0] =	vst.idx.msk vm9, v25  }
0xf8: {  	[tilespmem:v26+s14+$0x0] =	vst.idx.msk vm9, v13  }
0xf9: {  	v25 =	vld [tilespmem:$0xE0];
	_ =	sdelay $0x4  }
0xfa: {  	vm10 =	vgt.s32 v25, $0xDBB9F  }
0xfb: {  	v26 =	vsel vm10, $0x1, v24  }
0xfc: {  	(xrf0) =	vadd.scan.msk.s32 $0xffff, v26;
	_ =	sdelay $0x4  }
0xfd: {  	s11 =	spop (v2sf)  }
0xfe: {  	s0 =	sadd.s32 s11, s0;
	v27, _, _ =	vpop (xrf0)  }
0xff: {  	s0 =	sadd.s32 $0x80000000, s0;
	v26 =	vsub.s32 v27, v26;
	v27 =	vxor.u32 $0x80000000, v27  }
0x100: {  	v26 =	vadd.s32 s0, v26;
	(xrf0) =	vmax.scan.msk.u32 $0xffff, v27;
	_ =	sdelay $0x2  }
0x101: {  	v27 =	vsel vm10, v14, v25;
	v25 =	vadd.s32 $0xFFF24460, v25  }
0x102: {  	[tilespmem:$0x3E0] =	vst v27  }
0x103: {  	[tilespmem:v26+s3+$0x0] =	vst.idx.msk vm10, v25  }
0x104: {  	[tilespmem:v26+s14+$0x0] =	vst.idx.msk vm10, v14;
	v25, _, _ =	vpop (xrf0)  }
0x105: {  	(v2sf) =	vpush v25, $0xF;
	v25 =	vld [tilespmem:$0xF0];
	_ =	sdelay $0x4  }
0x106: {  	vm11 =	vgt.s32 v25, $0xDBB9F  }
0x107: {  	v26 =	vsel vm11, $0x1, v24  }
0x108: {  	(xrf0) =	vadd.scan.msk.s32 $0xffff, v26;
	_ =	sdelay $0x5  }
0x109: {  	v27, _, _ =	vpop (xrf0)  }
0x10a: {  	v60 =	vxor.u32 $0x80000000, v27  }
0x10b: {  	s28 =	spop (v2sf);
	(xrf0) =	vmax.scan.msk.u32 $0xffff, v60  }
0x10c: {  	s0 =	sadd.s32 s28, s0  }
0x10d: {  	v26 =	vsub.s32 v27, v26;
	s0 =	sadd.s32 $0x80000000, s0  }
0x10e: {  	v26 =	vadd.s32 s0, v26;
	_ =	sdelay $0x2  }
0x10f: {  	v27 =	vsel vm11, v15, v25;
	v28, _, _ =	vpop (xrf0)  }
0x110: {  	v25 =	vadd.s32 $0xFFF24460, v25;
	[tilespmem:$0x3F0] =	vst v27;
	(v2sf) =	vpush v28, $0xF  }
0x111: {  	[tilespmem:v26+s3+$0x0] =	vst.idx.msk vm11, v25  }
0x112: {  	[tilespmem:v26+s14+$0x0] =	vst.idx.msk vm11, v15  }
0x113: {  	v25 =	vld [tilespmem:$0x100];
	_ =	sdelay $0x4  }
0x114: {  	vm12 =	vgt.s32 v25, $0xDBB9F  }
0x115: {  	v26 =	vsel vm12, $0x1, v24  }
0x116: {  	(xrf0) =	vadd.scan.msk.s32 $0xffff, v26;
	_ =	sdelay $0x4  }
0x117: {  	s11 =	spop (v2sf)  }
0x118: {  	s0 =	sadd.s32 s11, s0;
	v27, _, _ =	vpop (xrf0)  }
0x119: {  	s0 =	sadd.s32 $0x80000000, s0;
	v26 =	vsub.s32 v27, v26;
	v27 =	vxor.u32 $0x80000000, v27  }
0x11a: {  	v26 =	vadd.s32 s0, v26;
	(xrf0) =	vmax.scan.msk.u32 $0xffff, v27;
	_ =	sdelay $0x2  }
0x11b: {  	v27 =	vsel vm12, v16, v25;
	v25 =	vadd.s32 $0xFFF24460, v25  }
0x11c: {  	[tilespmem:$0x400] =	vst v27  }
0x11d: {  	[tilespmem:v26+s3+$0x0] =	vst.idx.msk vm12, v25  }
0x11e: {  	[tilespmem:v26+s14+$0x0] =	vst.idx.msk vm12, v16;
	v25, _, _ =	vpop (xrf0)  }
0x11f: {  	(v2sf) =	vpush v25, $0xF;
	v25 =	vld [tilespmem:$0x110];
	_ =	sdelay $0x4  }
0x120: {  	vm13 =	vgt.s32 v25, $0xDBB9F  }
0x121: {  	v26 =	vsel vm13, $0x1, v24  }
0x122: {  	(xrf0) =	vadd.scan.msk.s32 $0xffff, v26;
	_ =	sdelay $0x5  }
0x123: {  	v27, _, _ =	vpop (xrf0)  }
0x124: {  	v61 =	vxor.u32 $0x80000000, v27  }
0x125: {  	s28 =	spop (v2sf);
	(xrf0) =	vmax.scan.msk.u32 $0xffff, v61  }
0x126: {  	s0 =	sadd.s32 s28, s0  }
0x127: {  	v26 =	vsub.s32 v27, v26;
	s0 =	sadd.s32 $0x80000000, s0  }
0x128: {  	v26 =	vadd.s32 s0, v26;
	_ =	sdelay $0x2  }
0x129: {  	v27 =	vsel vm13, v17, v25;
	v28, _, _ =	vpop (xrf0)  }
0x12a: {  	v25 =	vadd.s32 $0xFFF24460, v25;
	[tilespmem:$0x410] =	vst v27;
	(v2sf) =	vpush v28, $0xF  }
0x12b: {  	[tilespmem:v26+s3+$0x0] =	vst.idx.msk vm13, v25  }
0x12c: {  	[tilespmem:v26+s14+$0x0] =	vst.idx.msk vm13, v17  }
0x12d: {  	v25 =	vld [tilespmem:$0x120];
	_ =	sdelay $0x4  }
0x12e: {  	vm14 =	vgt.s32 v25, $0xDBB9F  }
0x12f: {  	v26 =	vsel vm14, $0x1, v24  }
0x130: {  	(xrf0) =	vadd.scan.msk.s32 $0xffff, v26;
	_ =	sdelay $0x4  }
0x131: {  	s11 =	spop (v2sf)  }
0x132: {  	s0 =	sadd.s32 s11, s0;
	v27, _, _ =	vpop (xrf0)  }
0x133: {  	s0 =	sadd.s32 $0x80000000, s0;
	v26 =	vsub.s32 v27, v26  }
0x134: {  	v26 =	vadd.s32 s0, v26;
	_ =	sdelay $0x2  }
0x135: {  	v62 =	vsel vm14, v18, v25  }
0x136: {  	v25 =	vadd.s32 $0xFFF24460, v25;
	[tilespmem:$0x420] =	vst v62  }
0x137: {  	[tilespmem:v26+s3+$0x0] =	vst.idx.msk vm14, v25  }
0x138: {  	[tilespmem:v26+s14+$0x0] =	vst.idx.msk vm14, v18  }
0x139: {  	v25 =	vld [tilespmem:$0x130];
	_ =	sdelay $0x2  }
0x13a: {  	v26 =	vxor.u32 $0x80000000, v27  }
0x13b: {  	(xrf0) =	vmax.scan.msk.u32 $0xffff, v26  }
0x13c: {  	vm15 =	vgt.s32 v25, $0xDBB9F  }
0x13d: {  	v26 =	vsel vm15, $0x1, v24  }
0x13e: {  	(xrf0) =	vadd.scan.msk.s32 $0xffff, v26;
	_ =	sdelay $0x2  }
0x13f: {  	v27, _, _ =	vpop (xrf0)  }
0x140: {  	(v2sf) =	vpush v27, $0xF;
	_ =	sdelay $0x1  }
0x141: {  	v63, _, _ =	vpop (xrf0)  }
0x142: {  	v29 =	vxor.u32 $0x80000000, v63  }
0x143: {  	(xrf0) =	vmax.scan.msk.u32 $0xffff, v29;
	_ =	sdelay $0x5  }
0x144: {  	v27, _, _ =	vpop (xrf0)  }
0x145: {  	(v2sf) =	vpush v27, $0xF;
	_ =	sdelay $0x3  }
0x146: {  	s28 =	spop (v2sf)  }
0x147: {  	s0 =	sadd.s32 s28, s0  }
0x148: {  	v26 =	vsub.s32 v63, v26;
	s0 =	sadd.s32 $0x80000000, s0  }
0x149: {  	v26 =	vadd.s32 s0, v26;
	_ =	sdelay $0x2  }
0x14a: {  	v27 =	vsel vm15, v19, v25  }
0x14b: {  	v25 =	vadd.s32 $0xFFF24460, v25;
	[tilespmem:$0x430] =	vst v27  }
0x14c: {  	[tilespmem:v26+s3+$0x0] =	vst.idx.msk vm15, v25  }
0x14d: {  	[tilespmem:v26+s14+$0x0] =	vst.idx.msk vm15, v19  }
0x14e: {  	[tilespmem:s17], [sflag:$0x2] =	stream.indirect.gather [hbm4b:s2+s15], $0x80, s16, s15, $0xb8;
	[tilespmem:$0x16880] =	vst v63  }
0x14f: {  	s11 =	spop (v2sf)  }
0x150: {  	s0 =	sadd.s32 s11, s0  }
0x151: {  	s8 =	sadd.s32 $0x8000007F, s0  }
0x152: {  	s11 =	sand.u32 $0x7F, s8  }
0x153: {  	s28 =	sshra.s32 s8, $0x1F;
	p1 =	slt.s32 s8, $0x1;
	p0 =	sne.s32 s11, $0x0  }
0x154: {  	s11 =	sshrl.u32 s28, $0x19;
	p0 =	por !p1, !p0  }
0x155: {  	s8 =	sadd.s32 s11, s8;
	s11 =	simm.s32 $0x1;
	p0 =	por !p0, !p0  }
0x156: {  	s8 =	sshra.s32 s8, $0x7;
	s11 =	simm.s32 @!p0 $0x0  }
0x157: {  	s8 =	ssub.s32 s8, s11  }
0x158: {  	p0 =	slt.s32 s8, $0x1  }
.Ltmp4:
0x159: {  	_ = 	snop;
	(pc) =	sbr.rel @p0 .LBB2_8-.Ltmp4, $4  }
0x15a: {  	[tilespmem:s19], [sflag:$0x2] =	stream.indirect.gather [hbm4b:s2+s15], $0x80, s18, s15, $0xb8;
	[tilespmem:$0x16880] =	vst v63  }
0x15b: {  	_ = 	snop  }
0x15c: {  	[tilespmem:s22], [sflag:$0x2] =	stream.indirect.gather [hbm4b:s2+s20], $0x80, s21, s20, $0xb8;
	[tilespmem:$0x16880] =	vst v63  }
0x15d: {  	s11 =	simm.s32 $0xA880  }
0x15e: {  	p0 =	sne.s32 s8, $0x1  }
.Ltmp5:
0x15f: {  	_ = 	snop;
	(pc) =	sbr.rel @!p0 .LBB2_5-.Ltmp5, $3  }
0x160: {  	_ =	sdelay $0x1  }
0x161: {  	[tilespmem:s11], [sflag:$0x3] =	stream.indirect.gather [hbm4b:s4+s15], $0x80, s3, s15, $0xb8;
	[tilespmem:$0x16880] =	vst v63  }
0x162: {  	s28 =	sadd.s32 $0xFFFFFFFF, s8  }
.LBB2_4:
0x163: {  	p0 =	sne.s32 s28, $0x1  }
.Ltmp6:
0x164: {  	_ = 	snop;
	(pc) =	sbr.rel @p0 .LBB2_4-.Ltmp6, $4  }
0x165: {  	_ = 	snop  }
0x166: {  	s3 =	sadd.s32 $0x80, s3;
	s11 =	sadd.s32 $0x4000, s11  }
0x167: {  	s28 =	sadd.s32 $0xFFFFFFFF, s28  }
0x168: {  	[tilespmem:s11], [sflag:$0x3] =	stream.indirect.gather [hbm4b:s4+s15], $0x80, s3, s15, $0xb8;
	[tilespmem:$0x16880] =	vst v63  }
.LBB2_5:
0x169: {  	_ =	swait.ge [sflag:s23], $0x4000  }
0x16a: {  	[sflag:s23] =	ssyncset.done $0x0  }
0x16b: {  	[sflag:s23] =	ssyncadd.s32 $0xFFFFC000  }
0x16c: {  	_ =	swait.ge [sflag:s23], $0x4000  }
0x16d: {  	[sflag:s23] =	ssyncset.done $0x0  }
0x16e: {  	p0 =	seq.s32 s8, $0x1;
	[sflag:s23] =	ssyncadd.s32 $0xFFFFC000  }
.Ltmp7:
0x16f: {  	_ =	swait.ge [sflag:s23], $0x2000;
	(pc) =	sbr.rel @p0 .LBB2_7-.Ltmp7, $4  }
0x170: {  	[sflag:s23] =	ssyncset.done $0x0  }
0x171: {  	[sflag:s23] =	ssyncadd.s32 $0xFFFFE000  }
0x172: {  	_ =	swait.ge [sflag:s24], $0x4000  }
0x173: {  	s3 =	sadd.s32 $0xFFFFFFFF, s8;
	[sflag:s24] =	ssyncset.done $0x0  }
.LBB2_6:
0x174: {  	p0 =	seq.s32 s3, $0x1;
	s3 =	sadd.s32 $0xFFFFFFFF, s3;
	[sflag:s24] =	ssyncadd.s32 $0xFFFFC000  }
.Ltmp8:
0x175: {  	(pc) =	sbr.rel @!p0 .LBB2_6-.Ltmp8, $3  }
0x176: {  	_ =	sdelay $0x1  }
0x177: {  	_ =	swait.ge [sflag:s24], $0x4000  }
0x178: {  	[sflag:s24] =	ssyncset.done $0x0  }
.LBB2_7:
.Ltmp9:
0x179: {  	(pc) =	sbr.rel .LBB2_9-.Ltmp9, $2  }
0x17a: {  	_ =	sdelay $0x2  }
0x17b: {  	[sflag:s24] =	ssyncadd.s32 $0xFFFFC000  }
.LBB2_8:
0x17c: {  	_ =	swait.ge [sflag:s23], $0x4000  }
0x17d: {  	[sflag:s23] =	ssyncset.done $0x0  }
0x17e: {  	[sflag:s23] =	ssyncadd.s32 $0xFFFFC000  }
0x17f: {  	_ =	swait.ge [sflag:s23], $0x4000  }
0x180: {  	[sflag:s23] =	ssyncset.done $0x0  }
0x181: {  	[sflag:s23] =	ssyncadd.s32 $0xFFFFC000  }
0x182: {  	_ =	swait.ge [sflag:s23], $0x2000  }
0x183: {  	[sflag:s23] =	ssyncset.done $0x0  }
0x184: {  	[sflag:s23] =	ssyncadd.s32 $0xFFFFE000  }
.LBB2_9:
0x185: {  	s0 =	sadd.s32 $0x80000000, s0  }
0x186: {  	s3 =	sshll.u32 s0, $0x2  }
0x187: {  	p0 =	slt.s32 s3, $0x1  }
.Ltmp10:
0x188: {  	_ = 	snop;
	(pc) =	sbr.rel @p0 .LBB2_15-.Ltmp10, $1  }
0x189: {  	_ =	sdelay $0x3  }
0x18a: {  	p1 =	sne.s32 s3, $0x1  }
.Ltmp11:
0x18b: {  	_ = 	snop;
	(pc) =	sbr.rel @!p1 .LBB2_11-.Ltmp11, $3  }
0x18c: {  	_ =	sdelay $0x1  }
0x18d: {  	s8 =	sshll.u32 s0, $0x6;
	s0 =	simm.s32 $0x0  }
0x18e: {  	s3 =	sadd.s32 $0xFFFFFFFF, s3;
	p0 =	por $0x0, $0x0;
	v25 =	vmov s8;
	v27 =	vmov s0  }
0x18f: {  	v26 =	vshra.s32 v27, $0x6;
	_ =	sdelay $0x3  }
0x190: {  	v27 =	vor.u32 s0, v0  }
0x191: {  	v28 =	vand.u32 $0x3F, v27;
	v29 =	vshll.u32 v26, $0x7;
	v26 =	vld.idx.msk [tilespmem:v26+s14+$0x0], $0xffff  }
0x192: {  	p1 =	sne.s32 s3, $0x1;
	v29 =	vor.u32 v28, v29  }
.Ltmp12:
0x193: {  	_ = 	snop;
	(pc) =	sbr.rel @!p1 .LBB2_14-.Ltmp12, $3  }
0x194: {  	_ =	sdelay $0x1  }
0x195: {  	s0 =	simm.s32 $0x10;
	vm0 =	vlt.s32 v27, v25;
	v30 =	vshll.u32 v26, $0x7  }
0x196: {  	s3 =	sadd.s32 $0xFFFFFFFF, s3;
	p0 =	por $0x1, $0x1;
	v27 =	vmov s0;
	v26 =	vld.idx.msk [tilespmem:v29+s25+$0x0], $0xffff;
	v28 =	vor.u32 v28, v30  }
.LBB2_13:
0x197: {  	p1 =	sne.s32 s3, $0x1;
	v27 =	vshra.s32 v27, $0x6;
	_ =	sdelay $0x3  }
0x198: {  	v29 =	vor.u32 s0, v0;
	[tilespmem:v28+s17+$0x0] =	vst.idx.msk vm0, v26  }
0x199: {  	v28 =	vand.u32 $0x3F, v29;
	v26 =	vshll.u32 v27, $0x7;
	v27 =	vld.idx.msk [tilespmem:v27+s14+$0x0], $0xffff  }
0x19a: {  	v26 =	vor.u32 v28, v26;
	_ =	sdelay $0x1  }
.Ltmp13:
0x19b: {  	(pc) =	sbr.rel @p1 .LBB2_13-.Ltmp13, $3  }
0x19c: {  	_ =	sdelay $0x1  }
0x19d: {  	s0 =	sadd.s32 $0x10, s0;
	vm0 =	vlt.s32 v29, v25;
	v29 =	vshll.u32 v27, $0x7;
	v26 =	vld.idx.msk [tilespmem:v26+s25+$0x0], $0xffff  }
0x19e: {  	s3 =	sadd.s32 $0xFFFFFFFF, s3;
	v27 =	vmov s0;
	v28 =	vor.u32 v28, v29  }
.LBB2_14:
0x19f: {  	_ = 	snop  }
0x1a0: {  	v27 =	vshra.s32 v27, $0x6;
	_ =	sdelay $0x3  }
0x1a1: {  	v29 =	vor.u32 s0, v0;
	[tilespmem:v28+s17+$0x0] =	vst.idx.msk @p0 vm0, v26  }
0x1a2: {  	v63 =	vshll.u32 v27, $0x7;
	v26 =	vand.u32 $0x3F, v29;
	v27 =	vld.idx.msk [tilespmem:v27+s14+$0x0], $0xffff  }
0x1a3: {  	v28 =	vor.u32 v26, v63;
	_ =	sdelay $0x3  }
0x1a4: {  	vm15 =	vlt.s32 v29, v25;
	v25 =	vshll.u32 v27, $0x7  }
0x1a5: {  	v27 =	vld.idx.msk [tilespmem:v28+s25+$0x0], $0xffff;
	v25 =	vor.u32 v26, v25;
	_ =	sdelay $0x4  }
0x1a6: {  	[tilespmem:v25+s17+$0x0] =	vst.idx.msk vm15, v27  }
.LBB2_15:
0x1a7: {  	s0 =	sadd.s32 s7, s31  }
0x1a8: {  	s0 =	sshll.u32 s0, $0x4  }
0x1a9: {  	s0 =	sadd.s32 s5, s0  }
0x1aa: {  	[hbm4b:s0+s6] =	stream.linear.scatter [tilespmem:s17], [sflag:$0x4], $0xA000, $0x38;
	[tilespmem:$0x16880] =	vst v63  }
0x1ab: {  	_ =	swait.ge [sflag:s26], $0xA000  }
0x1ac: {  	[sflag:s26] =	ssyncset.done $0x0  }
0x1ad: {  	p0 =	seq.s32 s29, $0x27;
	[sflag:s26] =	ssyncadd.s32 $0xFFFF6000  }
0x1ae: {  	s0 =	sadd.s32 @!p0 s31, s10;
	_ =	swait.ge [sflag:s12], $0x140  }
0x1af: {  	s0 =	sshrl.u32 @!p0 s0, $0x3;
	[sflag:s12] =	ssyncset.done $0x0  }
0x1b0: {  	s3 =	simm.s32 @!p0 $0x0;
	s0 =	sadd.s32 @!p0 s1, s0;
	[sflag:s12] =	ssyncadd.s32 $0xFFFFFEC0  }
0x1b1: {  	[tilespmem:s3], [sflag:$0x1] =	stream.linear.gather @!p0 [hbm4b:s0+s3], $0x140, $0x38;
	[tilespmem:$0x16880] =	vst v63  }
0x1b2: {  	v25 =	vld [tilespmem:$0x180];
	_ =	sdelay $0x4  }
0x1b3: {  	vm0 =	vgt.s32 v25, $0xDBB9F  }
0x1b4: {  	v26 =	vsel vm0, $0x1, v24  }
0x1b5: {  	(xrf0) =	vadd.scan.msk.s32 $0xffff, v26;
	_ =	sdelay $0x5  }
0x1b6: {  	v27, _, _ =	vpop (xrf0)  }
0x1b7: {  	v26 =	vsub.s32 v27, v26;
	v27 =	vxor.u32 $0x80000000, v27  }
0x1b8: {  	(xrf0) =	vmax.scan.msk.u32 $0xffff, v27;
	_ =	sdelay $0x1  }
0x1b9: {  	v27 =	vsel vm0, v0, v25  }
0x1ba: {  	s3 =	simm.s32 $0x480;
	v25 =	vadd.s32 $0xFFF24460, v25;
	[tilespmem:$0x300] =	vst v27  }
0x1bb: {  	[tilespmem:v26+s3+$0x0] =	vst.idx.msk vm0, v25  }
0x1bc: {  	[tilespmem:v26+s14+$0x0] =	vst.idx.msk vm0, v0  }
0x1bd: {  	v25, _, _ =	vpop (xrf0);
	v26 =	vld [tilespmem:$0x190]  }
0x1be: {  	(v2sf) =	vpush v25, $0xF;
	_ =	sdelay $0x3  }
0x1bf: {  	vm9 =	vgt.s32 v26, $0xDBB9F  }
0x1c0: {  	v25 =	vsel vm9, $0x1, v24  }
0x1c1: {  	(xrf0) =	vadd.scan.msk.s32 $0xffff, v25;
	_ =	sdelay $0x5  }
0x1c2: {  	v27, _, _ =	vpop (xrf0)  }
0x1c3: {  	v28 =	vxor.u32 $0x80000000, v27  }
0x1c4: {  	(xrf0) =	vmax.scan.msk.u32 $0xffff, v28  }
0x1c5: {  	s28 =	spop (v2sf)  }
0x1c6: {  	v25 =	vsub.s32 v27, v25;
	s0 =	sxor.u32 $0x80000000, s28  }
0x1c7: {  	v25 =	vadd.s32 s0, v25;
	_ =	sdelay $0x2  }
0x1c8: {  	v27 =	vsel vm9, v1, v26;
	v28, _, _ =	vpop (xrf0)  }
0x1c9: {  	v26 =	vadd.s32 $0xFFF24460, v26;
	[tilespmem:$0x310] =	vst v27;
	(v2sf) =	vpush v28, $0xF  }
0x1ca: {  	[tilespmem:v25+s3+$0x0] =	vst.idx.msk vm9, v26  }
0x1cb: {  	[tilespmem:v25+s14+$0x0] =	vst.idx.msk vm9, v1  }
0x1cc: {  	v25 =	vld [tilespmem:$0x1A0];
	_ =	sdelay $0x4  }
0x1cd: {  	vm10 =	vgt.s32 v25, $0xDBB9F  }
0x1ce: {  	v26 =	vsel vm10, $0x1, v24  }
0x1cf: {  	(xrf0) =	vadd.scan.msk.s32 $0xffff, v26;
	_ =	sdelay $0x4  }
0x1d0: {  	s8 =	spop (v2sf)  }
0x1d1: {  	s0 =	sadd.s32 s8, s0;
	v27, _, _ =	vpop (xrf0)  }
0x1d2: {  	s0 =	sadd.s32 $0x80000000, s0;
	v26 =	vsub.s32 v27, v26;
	v27 =	vxor.u32 $0x80000000, v27  }
0x1d3: {  	v26 =	vadd.s32 s0, v26;
	(xrf0) =	vmax.scan.msk.u32 $0xffff, v27;
	_ =	sdelay $0x2  }
0x1d4: {  	v27 =	vsel vm10, v2, v25;
	v25 =	vadd.s32 $0xFFF24460, v25  }
0x1d5: {  	[tilespmem:$0x320] =	vst v27  }
0x1d6: {  	[tilespmem:v26+s3+$0x0] =	vst.idx.msk vm10, v25  }
0x1d7: {  	[tilespmem:v26+s14+$0x0] =	vst.idx.msk vm10, v2;
	v25, _, _ =	vpop (xrf0)  }
0x1d8: {  	(v2sf) =	vpush v25, $0xF;
	v25 =	vld [tilespmem:$0x1B0];
	_ =	sdelay $0x4  }
0x1d9: {  	vm11 =	vgt.s32 v25, $0xDBB9F  }
0x1da: {  	v26 =	vsel vm11, $0x1, v24  }
0x1db: {  	(xrf0) =	vadd.scan.msk.s32 $0xffff, v26;
	_ =	sdelay $0x5  }
0x1dc: {  	v27, _, _ =	vpop (xrf0)  }
0x1dd: {  	v54 =	vxor.u32 $0x80000000, v27  }
0x1de: {  	s31 =	spop (v2sf);
	(xrf0) =	vmax.scan.msk.u32 $0xffff, v54  }
0x1df: {  	s0 =	sadd.s32 s31, s0  }
0x1e0: {  	v26 =	vsub.s32 v27, v26;
	s0 =	sadd.s32 $0x80000000, s0  }
0x1e1: {  	v26 =	vadd.s32 s0, v26;
	_ =	sdelay $0x2  }
0x1e2: {  	v27 =	vsel vm11, v3, v25;
	v28, _, _ =	vpop (xrf0)  }
0x1e3: {  	v25 =	vadd.s32 $0xFFF24460, v25;
	[tilespmem:$0x330] =	vst v27;
	(v2sf) =	vpush v28, $0xF  }
0x1e4: {  	[tilespmem:v26+s3+$0x0] =	vst.idx.msk vm11, v25  }
0x1e5: {  	[tilespmem:v26+s14+$0x0] =	vst.idx.msk vm11, v3  }
0x1e6: {  	v25 =	vld [tilespmem:$0x1C0];
	_ =	sdelay $0x4  }
0x1e7: {  	vm12 =	vgt.s32 v25, $0xDBB9F  }
0x1e8: {  	v26 =	vsel vm12, $0x1, v24  }
0x1e9: {  	(xrf0) =	vadd.scan.msk.s32 $0xffff, v26;
	_ =	sdelay $0x4  }
0x1ea: {  	s11 =	spop (v2sf)  }
0x1eb: {  	s0 =	sadd.s32 s11, s0;
	v27, _, _ =	vpop (xrf0)  }
0x1ec: {  	s0 =	sadd.s32 $0x80000000, s0;
	v26 =	vsub.s32 v27, v26;
	v27 =	vxor.u32 $0x80000000, v27  }
0x1ed: {  	v26 =	vadd.s32 s0, v26;
	(xrf0) =	vmax.scan.msk.u32 $0xffff, v27;
	_ =	sdelay $0x2  }
0x1ee: {  	v27 =	vsel vm12, v4, v25;
	v25 =	vadd.s32 $0xFFF24460, v25  }
0x1ef: {  	[tilespmem:$0x340] =	vst v27  }
0x1f0: {  	[tilespmem:v26+s3+$0x0] =	vst.idx.msk vm12, v25  }
0x1f1: {  	[tilespmem:v26+s14+$0x0] =	vst.idx.msk vm12, v4;
	v25, _, _ =	vpop (xrf0)  }
0x1f2: {  	(v2sf) =	vpush v25, $0xF;
	v25 =	vld [tilespmem:$0x1D0];
	_ =	sdelay $0x4  }
0x1f3: {  	vm13 =	vgt.s32 v25, $0xDBB9F  }
0x1f4: {  	v26 =	vsel vm13, $0x1, v24  }
0x1f5: {  	(xrf0) =	vadd.scan.msk.s32 $0xffff, v26;
	_ =	sdelay $0x5  }
0x1f6: {  	v27, _, _ =	vpop (xrf0)  }
0x1f7: {  	v55 =	vxor.u32 $0x80000000, v27  }
0x1f8: {  	s28 =	spop (v2sf);
	(xrf0) =	vmax.scan.msk.u32 $0xffff, v55  }
0x1f9: {  	s0 =	sadd.s32 s28, s0  }
0x1fa: {  	v26 =	vsub.s32 v27, v26;
	s0 =	sadd.s32 $0x80000000, s0  }
0x1fb: {  	v26 =	vadd.s32 s0, v26;
	_ =	sdelay $0x2  }
0x1fc: {  	v27 =	vsel vm13, v5, v25;
	v28, _, _ =	vpop (xrf0)  }
0x1fd: {  	v25 =	vadd.s32 $0xFFF24460, v25;
	[tilespmem:$0x350] =	vst v27;
	(v2sf) =	vpush v28, $0xF  }
0x1fe: {  	[tilespmem:v26+s3+$0x0] =	vst.idx.msk vm13, v25  }
0x1ff: {  	[tilespmem:v26+s14+$0x0] =	vst.idx.msk vm13, v5  }
0x200: {  	v25 =	vld [tilespmem:$0x1E0];
	_ =	sdelay $0x4  }
0x201: {  	vm14 =	vgt.s32 v25, $0xDBB9F  }
0x202: {  	v26 =	vsel vm14, $0x1, v24  }
0x203: {  	(xrf0) =	vadd.scan.msk.s32 $0xffff, v26;
	_ =	sdelay $0x4  }
0x204: {  	s31 =	spop (v2sf)  }
0x205: {  	s0 =	sadd.s32 s31, s0;
	v27, _, _ =	vpop (xrf0)  }
0x206: {  	s0 =	sadd.s32 $0x80000000, s0;
	v26 =	vsub.s32 v27, v26;
	v27 =	vxor.u32 $0x80000000, v27  }
0x207: {  	v26 =	vadd.s32 s0, v26;
	(xrf0) =	vmax.scan.msk.u32 $0xffff, v27;
	_ =	sdelay $0x2  }
0x208: {  	v27 =	vsel vm14, v6, v25;
	v25 =	vadd.s32 $0xFFF24460, v25  }
0x209: {  	[tilespmem:$0x360] =	vst v27  }
0x20a: {  	[tilespmem:v26+s3+$0x0] =	vst.idx.msk vm14, v25  }
0x20b: {  	[tilespmem:v26+s14+$0x0] =	vst.idx.msk vm14, v6;
	v25, _, _ =	vpop (xrf0)  }
0x20c: {  	(v2sf) =	vpush v25, $0xF;
	v25 =	vld [tilespmem:$0x1F0];
	_ =	sdelay $0x4  }
0x20d: {  	vm15 =	vgt.s32 v25, $0xDBB9F  }
0x20e: {  	v26 =	vsel vm15, $0x1, v24  }
0x20f: {  	(xrf0) =	vadd.scan.msk.s32 $0xffff, v26;
	_ =	sdelay $0x5  }
0x210: {  	v27, _, _ =	vpop (xrf0)  }
0x211: {  	v56 =	vxor.u32 $0x80000000, v27  }
0x212: {  	s11 =	spop (v2sf);
	(xrf0) =	vmax.scan.msk.u32 $0xffff, v56  }
0x213: {  	s0 =	sadd.s32 s11, s0  }
0x214: {  	v26 =	vsub.s32 v27, v26;
	s0 =	sadd.s32 $0x80000000, s0  }
0x215: {  	v26 =	vadd.s32 s0, v26;
	_ =	sdelay $0x2  }
0x216: {  	v27 =	vsel vm15, v7, v25;
	v28, _, _ =	vpop (xrf0)  }
0x217: {  	v25 =	vadd.s32 $0xFFF24460, v25;
	[tilespmem:$0x370] =	vst v27;
	(v2sf) =	vpush v28, $0xF  }
0x218: {  	[tilespmem:v26+s3+$0x0] =	vst.idx.msk vm15, v25  }
0x219: {  	[tilespmem:v26+s14+$0x0] =	vst.idx.msk vm15, v7  }
0x21a: {  	v25 =	vld [tilespmem:$0x200];
	_ =	sdelay $0x4  }
0x21b: {  	vm4 =	vgt.s32 v25, $0xDBB9F  }
0x21c: {  	v26 =	vsel vm4, $0x1, v24  }
0x21d: {  	(xrf0) =	vadd.scan.msk.s32 $0xffff, v26;
	_ =	sdelay $0x4  }
0x21e: {  	s28 =	spop (v2sf)  }
0x21f: {  	s0 =	sadd.s32 s28, s0;
	v27, _, _ =	vpop (xrf0)  }
0x220: {  	s0 =	sadd.s32 $0x80000000, s0;
	v26 =	vsub.s32 v27, v26;
	v27 =	vxor.u32 $0x80000000, v27  }
0x221: {  	v26 =	vadd.s32 s0, v26;
	(xrf0) =	vmax.scan.msk.u32 $0xffff, v27;
	_ =	sdelay $0x2  }
0x222: {  	v27 =	vsel vm4, v8, v25;
	v25 =	vadd.s32 $0xFFF24460, v25  }
0x223: {  	[tilespmem:$0x380] =	vst v27  }
0x224: {  	[tilespmem:v26+s3+$0x0] =	vst.idx.msk vm4, v25  }
0x225: {  	[tilespmem:v26+s14+$0x0] =	vst.idx.msk vm4, v8;
	v25, _, _ =	vpop (xrf0)  }
0x226: {  	(v2sf) =	vpush v25, $0xF;
	v25 =	vld [tilespmem:$0x210];
	_ =	sdelay $0x4  }
0x227: {  	vm5 =	vgt.s32 v25, $0xDBB9F  }
0x228: {  	v26 =	vsel vm5, $0x1, v24  }
0x229: {  	(xrf0) =	vadd.scan.msk.s32 $0xffff, v26;
	_ =	sdelay $0x5  }
0x22a: {  	v27, _, _ =	vpop (xrf0)  }
0x22b: {  	v57 =	vxor.u32 $0x80000000, v27  }
0x22c: {  	s31 =	spop (v2sf);
	(xrf0) =	vmax.scan.msk.u32 $0xffff, v57  }
0x22d: {  	s0 =	sadd.s32 s31, s0  }
0x22e: {  	v26 =	vsub.s32 v27, v26;
	s0 =	sadd.s32 $0x80000000, s0  }
0x22f: {  	v26 =	vadd.s32 s0, v26;
	_ =	sdelay $0x2  }
0x230: {  	v27 =	vsel vm5, v9, v25;
	v28, _, _ =	vpop (xrf0)  }
0x231: {  	v25 =	vadd.s32 $0xFFF24460, v25;
	[tilespmem:$0x390] =	vst v27;
	(v2sf) =	vpush v28, $0xF  }
0x232: {  	[tilespmem:v26+s3+$0x0] =	vst.idx.msk vm5, v25  }
0x233: {  	[tilespmem:v26+s14+$0x0] =	vst.idx.msk vm5, v9  }
0x234: {  	v25 =	vld [tilespmem:$0x220];
	_ =	sdelay $0x4  }
0x235: {  	vm6 =	vgt.s32 v25, $0xDBB9F  }
0x236: {  	v26 =	vsel vm6, $0x1, v24  }
0x237: {  	(xrf0) =	vadd.scan.msk.s32 $0xffff, v26;
	_ =	sdelay $0x4  }
0x238: {  	s11 =	spop (v2sf)  }
0x239: {  	s0 =	sadd.s32 s11, s0;
	v27, _, _ =	vpop (xrf0)  }
0x23a: {  	s0 =	sadd.s32 $0x80000000, s0;
	v26 =	vsub.s32 v27, v26;
	v27 =	vxor.u32 $0x80000000, v27  }
0x23b: {  	v26 =	vadd.s32 s0, v26;
	(xrf0) =	vmax.scan.msk.u32 $0xffff, v27;
	_ =	sdelay $0x2  }
0x23c: {  	v27 =	vsel vm6, v10, v25;
	v25 =	vadd.s32 $0xFFF24460, v25  }
0x23d: {  	[tilespmem:$0x3A0] =	vst v27  }
0x23e: {  	[tilespmem:v26+s3+$0x0] =	vst.idx.msk vm6, v25  }
0x23f: {  	[tilespmem:v26+s14+$0x0] =	vst.idx.msk vm6, v10;
	v25, _, _ =	vpop (xrf0)  }
0x240: {  	(v2sf) =	vpush v25, $0xF;
	v25 =	vld [tilespmem:$0x230];
	_ =	sdelay $0x4  }
0x241: {  	vm7 =	vgt.s32 v25, $0xDBB9F  }
0x242: {  	v26 =	vsel vm7, $0x1, v24  }
0x243: {  	(xrf0) =	vadd.scan.msk.s32 $0xffff, v26;
	_ =	sdelay $0x5  }
0x244: {  	v27, _, _ =	vpop (xrf0)  }
0x245: {  	v58 =	vxor.u32 $0x80000000, v27  }
0x246: {  	s28 =	spop (v2sf);
	(xrf0) =	vmax.scan.msk.u32 $0xffff, v58  }
0x247: {  	s0 =	sadd.s32 s28, s0  }
0x248: {  	v26 =	vsub.s32 v27, v26;
	s0 =	sadd.s32 $0x80000000, s0  }
0x249: {  	v26 =	vadd.s32 s0, v26;
	_ =	sdelay $0x2  }
0x24a: {  	v27 =	vsel vm7, v11, v25;
	v28, _, _ =	vpop (xrf0)  }
0x24b: {  	v25 =	vadd.s32 $0xFFF24460, v25;
	[tilespmem:$0x3B0] =	vst v27;
	(v2sf) =	vpush v28, $0xF  }
0x24c: {  	[tilespmem:v26+s3+$0x0] =	vst.idx.msk vm7, v25  }
0x24d: {  	[tilespmem:v26+s14+$0x0] =	vst.idx.msk vm7, v11  }
0x24e: {  	v25 =	vld [tilespmem:$0x240];
	_ =	sdelay $0x4  }
0x24f: {  	vm8 =	vgt.s32 v25, $0xDBB9F  }
0x250: {  	v26 =	vsel vm8, $0x1, v24  }
0x251: {  	(xrf0) =	vadd.scan.msk.s32 $0xffff, v26;
	_ =	sdelay $0x4  }
0x252: {  	s31 =	spop (v2sf)  }
0x253: {  	s0 =	sadd.s32 s31, s0;
	v27, _, _ =	vpop (xrf0)  }
0x254: {  	s0 =	sadd.s32 $0x80000000, s0;
	v26 =	vsub.s32 v27, v26;
	v27 =	vxor.u32 $0x80000000, v27  }
0x255: {  	v26 =	vadd.s32 s0, v26;
	(xrf0) =	vmax.scan.msk.u32 $0xffff, v27;
	_ =	sdelay $0x2  }
0x256: {  	v27 =	vsel vm8, v12, v25;
	v25 =	vadd.s32 $0xFFF24460, v25  }
0x257: {  	[tilespmem:$0x3C0] =	vst v27  }
0x258: {  	[tilespmem:v26+s3+$0x0] =	vst.idx.msk vm8, v25  }
0x259: {  	[tilespmem:v26+s14+$0x0] =	vst.idx.msk vm8, v12;
	v25, _, _ =	vpop (xrf0)  }
0x25a: {  	(v2sf) =	vpush v25, $0xF;
	v25 =	vld [tilespmem:$0x250];
	_ =	sdelay $0x4  }
0x25b: {  	vm9 =	vgt.s32 v25, $0xDBB9F  }
0x25c: {  	v26 =	vsel vm9, $0x1, v24  }
0x25d: {  	(xrf0) =	vadd.scan.msk.s32 $0xffff, v26;
	_ =	sdelay $0x5  }
0x25e: {  	v27, _, _ =	vpop (xrf0)  }
0x25f: {  	v59 =	vxor.u32 $0x80000000, v27  }
0x260: {  	s11 =	spop (v2sf);
	(xrf0) =	vmax.scan.msk.u32 $0xffff, v59  }
0x261: {  	s0 =	sadd.s32 s11, s0  }
0x262: {  	v26 =	vsub.s32 v27, v26;
	s0 =	sadd.s32 $0x80000000, s0  }
0x263: {  	v26 =	vadd.s32 s0, v26;
	_ =	sdelay $0x2  }
0x264: {  	v27 =	vsel vm9, v13, v25;
	v28, _, _ =	vpop (xrf0)  }
0x265: {  	v25 =	vadd.s32 $0xFFF24460, v25;
	[tilespmem:$0x3D0] =	vst v27;
	(v2sf) =	vpush v28, $0xF  }
0x266: {  	[tilespmem:v26+s3+$0x0] =	vst.idx.msk vm9, v25  }
0x267: {  	[tilespmem:v26+s14+$0x0] =	vst.idx.msk vm9, v13  }
0x268: {  	v25 =	vld [tilespmem:$0x260];
	_ =	sdelay $0x4  }
0x269: {  	vm10 =	vgt.s32 v25, $0xDBB9F  }
0x26a: {  	v26 =	vsel vm10, $0x1, v24  }
0x26b: {  	(xrf0) =	vadd.scan.msk.s32 $0xffff, v26;
	_ =	sdelay $0x4  }
0x26c: {  	s28 =	spop (v2sf)  }
0x26d: {  	s0 =	sadd.s32 s28, s0;
	v27, _, _ =	vpop (xrf0)  }
0x26e: {  	s0 =	sadd.s32 $0x80000000, s0;
	v26 =	vsub.s32 v27, v26;
	v27 =	vxor.u32 $0x80000000, v27  }
0x26f: {  	v26 =	vadd.s32 s0, v26;
	(xrf0) =	vmax.scan.msk.u32 $0xffff, v27;
	_ =	sdelay $0x2  }
0x270: {  	v27 =	vsel vm10, v14, v25;
	v25 =	vadd.s32 $0xFFF24460, v25  }
0x271: {  	[tilespmem:$0x3E0] =	vst v27  }
0x272: {  	[tilespmem:v26+s3+$0x0] =	vst.idx.msk vm10, v25  }
0x273: {  	[tilespmem:v26+s14+$0x0] =	vst.idx.msk vm10, v14;
	v25, _, _ =	vpop (xrf0)  }
0x274: {  	(v2sf) =	vpush v25, $0xF;
	v25 =	vld [tilespmem:$0x270];
	_ =	sdelay $0x4  }
0x275: {  	vm11 =	vgt.s32 v25, $0xDBB9F  }
0x276: {  	v26 =	vsel vm11, $0x1, v24  }
0x277: {  	(xrf0) =	vadd.scan.msk.s32 $0xffff, v26;
	_ =	sdelay $0x5  }
0x278: {  	v27, _, _ =	vpop (xrf0)  }
0x279: {  	v60 =	vxor.u32 $0x80000000, v27  }
0x27a: {  	s31 =	spop (v2sf);
	(xrf0) =	vmax.scan.msk.u32 $0xffff, v60  }
0x27b: {  	s0 =	sadd.s32 s31, s0  }
0x27c: {  	v26 =	vsub.s32 v27, v26;
	s0 =	sadd.s32 $0x80000000, s0  }
0x27d: {  	v26 =	vadd.s32 s0, v26;
	_ =	sdelay $0x2  }
0x27e: {  	v27 =	vsel vm11, v15, v25;
	v28, _, _ =	vpop (xrf0)  }
0x27f: {  	v25 =	vadd.s32 $0xFFF24460, v25;
	[tilespmem:$0x3F0] =	vst v27;
	(v2sf) =	vpush v28, $0xF  }
0x280: {  	[tilespmem:v26+s3+$0x0] =	vst.idx.msk vm11, v25  }
0x281: {  	[tilespmem:v26+s14+$0x0] =	vst.idx.msk vm11, v15  }
0x282: {  	v25 =	vld [tilespmem:$0x280];
	_ =	sdelay $0x4  }
0x283: {  	vm12 =	vgt.s32 v25, $0xDBB9F  }
0x284: {  	v26 =	vsel vm12, $0x1, v24  }
0x285: {  	(xrf0) =	vadd.scan.msk.s32 $0xffff, v26;
	_ =	sdelay $0x4  }
0x286: {  	s11 =	spop (v2sf)  }
0x287: {  	s0 =	sadd.s32 s11, s0;
	v27, _, _ =	vpop (xrf0)  }
0x288: {  	s0 =	sadd.s32 $0x80000000, s0;
	v26 =	vsub.s32 v27, v26;
	v27 =	vxor.u32 $0x80000000, v27  }
0x289: {  	v26 =	vadd.s32 s0, v26;
	(xrf0) =	vmax.scan.msk.u32 $0xffff, v27;
	_ =	sdelay $0x2  }
0x28a: {  	v27 =	vsel vm12, v16, v25;
	v25 =	vadd.s32 $0xFFF24460, v25  }
0x28b: {  	[tilespmem:$0x400] =	vst v27  }
0x28c: {  	[tilespmem:v26+s3+$0x0] =	vst.idx.msk vm12, v25  }
0x28d: {  	[tilespmem:v26+s14+$0x0] =	vst.idx.msk vm12, v16;
	v25, _, _ =	vpop (xrf0)  }
0x28e: {  	(v2sf) =	vpush v25, $0xF;
	v25 =	vld [tilespmem:$0x290];
	_ =	sdelay $0x4  }
0x28f: {  	vm13 =	vgt.s32 v25, $0xDBB9F  }
0x290: {  	v26 =	vsel vm13, $0x1, v24  }
0x291: {  	(xrf0) =	vadd.scan.msk.s32 $0xffff, v26;
	_ =	sdelay $0x5  }
0x292: {  	v27, _, _ =	vpop (xrf0)  }
0x293: {  	v61 =	vxor.u32 $0x80000000, v27  }
0x294: {  	s28 =	spop (v2sf);
	(xrf0) =	vmax.scan.msk.u32 $0xffff, v61  }
0x295: {  	s0 =	sadd.s32 s28, s0  }
0x296: {  	v26 =	vsub.s32 v27, v26;
	s0 =	sadd.s32 $0x80000000, s0  }
0x297: {  	v26 =	vadd.s32 s0, v26;
	_ =	sdelay $0x2  }
0x298: {  	v27 =	vsel vm13, v17, v25;
	v28, _, _ =	vpop (xrf0)  }
0x299: {  	v25 =	vadd.s32 $0xFFF24460, v25;
	[tilespmem:$0x410] =	vst v27;
	(v2sf) =	vpush v28, $0xF  }
0x29a: {  	[tilespmem:v26+s3+$0x0] =	vst.idx.msk vm13, v25  }
0x29b: {  	[tilespmem:v26+s14+$0x0] =	vst.idx.msk vm13, v17  }
0x29c: {  	v25 =	vld [tilespmem:$0x2A0];
	_ =	sdelay $0x4  }
0x29d: {  	vm14 =	vgt.s32 v25, $0xDBB9F  }
0x29e: {  	v26 =	vsel vm14, $0x1, v24  }
0x29f: {  	(xrf0) =	vadd.scan.msk.s32 $0xffff, v26;
	_ =	sdelay $0x4  }
0x2a0: {  	s31 =	spop (v2sf)  }
0x2a1: {  	s0 =	sadd.s32 s31, s0;
	v27, _, _ =	vpop (xrf0)  }
0x2a2: {  	s0 =	sadd.s32 $0x80000000, s0;
	v26 =	vsub.s32 v27, v26  }
0x2a3: {  	v26 =	vadd.s32 s0, v26;
	_ =	sdelay $0x2  }
0x2a4: {  	v62 =	vsel vm14, v18, v25  }
0x2a5: {  	v25 =	vadd.s32 $0xFFF24460, v25;
	[tilespmem:$0x420] =	vst v62  }
0x2a6: {  	[tilespmem:v26+s3+$0x0] =	vst.idx.msk vm14, v25  }
0x2a7: {  	[tilespmem:v26+s14+$0x0] =	vst.idx.msk vm14, v18  }
0x2a8: {  	v25 =	vld [tilespmem:$0x2B0];
	_ =	sdelay $0x2  }
0x2a9: {  	v26 =	vxor.u32 $0x80000000, v27  }
0x2aa: {  	(xrf0) =	vmax.scan.msk.u32 $0xffff, v26  }
0x2ab: {  	vm15 =	vgt.s32 v25, $0xDBB9F  }
0x2ac: {  	v26 =	vsel vm15, $0x1, v24  }
0x2ad: {  	(xrf0) =	vadd.scan.msk.s32 $0xffff, v26;
	_ =	sdelay $0x2  }
0x2ae: {  	v27, _, _ =	vpop (xrf0)  }
0x2af: {  	(v2sf) =	vpush v27, $0xF;
	_ =	sdelay $0x1  }
0x2b0: {  	v63, _, _ =	vpop (xrf0)  }
0x2b1: {  	v29 =	vxor.u32 $0x80000000, v63  }
0x2b2: {  	(xrf0) =	vmax.scan.msk.u32 $0xffff, v29;
	_ =	sdelay $0x5  }
0x2b3: {  	v27, _, _ =	vpop (xrf0)  }
0x2b4: {  	(v2sf) =	vpush v27, $0xF;
	_ =	sdelay $0x3  }
0x2b5: {  	s11 =	spop (v2sf)  }
0x2b6: {  	s0 =	sadd.s32 s11, s0  }
0x2b7: {  	v26 =	vsub.s32 v63, v26;
	s0 =	sadd.s32 $0x80000000, s0  }
0x2b8: {  	v26 =	vadd.s32 s0, v26;
	_ =	sdelay $0x2  }
0x2b9: {  	v27 =	vsel vm15, v19, v25  }
0x2ba: {  	v25 =	vadd.s32 $0xFFF24460, v25;
	[tilespmem:$0x430] =	vst v27  }
0x2bb: {  	[tilespmem:v26+s3+$0x0] =	vst.idx.msk vm15, v25  }
0x2bc: {  	[tilespmem:v26+s14+$0x0] =	vst.idx.msk vm15, v19  }
0x2bd: {  	[tilespmem:s17], [sflag:$0x2] =	stream.indirect.gather [hbm4b:s2+s15], $0x80, s16, s15, $0xb8;
	[tilespmem:$0x16880] =	vst v63  }
0x2be: {  	s28 =	spop (v2sf)  }
0x2bf: {  	s0 =	sadd.s32 s28, s0  }
0x2c0: {  	s8 =	sadd.s32 $0x8000007F, s0  }
0x2c1: {  	s11 =	sand.u32 $0x7F, s8  }
0x2c2: {  	s31 =	sshra.s32 s8, $0x1F;
	p1 =	slt.s32 s8, $0x1;
	p6 =	sne.s32 s11, $0x0  }
0x2c3: {  	s11 =	sshrl.u32 s31, $0x19;
	p0 =	por !p1, !p6  }
0x2c4: {  	s8 =	sadd.s32 s11, s8;
	s11 =	simm.s32 $0x1;
	p0 =	por !p0, !p0  }
0x2c5: {  	s8 =	sshra.s32 s8, $0x7;
	s11 =	simm.s32 @!p0 $0x0  }
0x2c6: {  	s8 =	ssub.s32 s8, s11  }
0x2c7: {  	p0 =	slt.s32 s8, $0x1  }
.Ltmp14:
0x2c8: {  	_ = 	snop;
	(pc) =	sbr.rel @p0 .LBB2_21-.Ltmp14, $4  }
0x2c9: {  	[tilespmem:s19], [sflag:$0x2] =	stream.indirect.gather [hbm4b:s2+s15], $0x80, s18, s15, $0xb8;
	[tilespmem:$0x16880] =	vst v63  }
0x2ca: {  	_ = 	snop  }
0x2cb: {  	[tilespmem:s22], [sflag:$0x2] =	stream.indirect.gather [hbm4b:s2+s20], $0x80, s21, s20, $0xb8;
	[tilespmem:$0x16880] =	vst v63  }
0x2cc: {  	s11 =	simm.s32 $0xA880  }
0x2cd: {  	p0 =	sne.s32 s8, $0x1  }
.Ltmp15:
0x2ce: {  	_ = 	snop;
	(pc) =	sbr.rel @!p0 .LBB2_18-.Ltmp15, $3  }
0x2cf: {  	_ =	sdelay $0x1  }
0x2d0: {  	[tilespmem:s11], [sflag:$0x3] =	stream.indirect.gather [hbm4b:s4+s15], $0x80, s3, s15, $0xb8;
	[tilespmem:$0x16880] =	vst v63  }
0x2d1: {  	s28 =	sadd.s32 $0xFFFFFFFF, s8  }
.LBB2_17:
0x2d2: {  	p0 =	sne.s32 s28, $0x1  }
.Ltmp16:
0x2d3: {  	_ = 	snop;
	(pc) =	sbr.rel @p0 .LBB2_17-.Ltmp16, $4  }
0x2d4: {  	_ = 	snop  }
0x2d5: {  	s3 =	sadd.s32 $0x80, s3;
	s11 =	sadd.s32 $0x4000, s11  }
0x2d6: {  	s28 =	sadd.s32 $0xFFFFFFFF, s28  }
0x2d7: {  	[tilespmem:s11], [sflag:$0x3] =	stream.indirect.gather [hbm4b:s4+s15], $0x80, s3, s15, $0xb8;
	[tilespmem:$0x16880] =	vst v63  }
.LBB2_18:
0x2d8: {  	_ =	swait.ge [sflag:s23], $0x4000  }
0x2d9: {  	[sflag:s23] =	ssyncset.done $0x0  }
0x2da: {  	[sflag:s23] =	ssyncadd.s32 $0xFFFFC000  }
0x2db: {  	_ =	swait.ge [sflag:s23], $0x4000  }
0x2dc: {  	[sflag:s23] =	ssyncset.done $0x0  }
0x2dd: {  	p0 =	seq.s32 s8, $0x1;
	[sflag:s23] =	ssyncadd.s32 $0xFFFFC000  }
.Ltmp17:
0x2de: {  	_ =	swait.ge [sflag:s23], $0x2000;
	(pc) =	sbr.rel @p0 .LBB2_20-.Ltmp17, $4  }
0x2df: {  	[sflag:s23] =	ssyncset.done $0x0  }
0x2e0: {  	[sflag:s23] =	ssyncadd.s32 $0xFFFFE000  }
0x2e1: {  	_ =	swait.ge [sflag:s24], $0x4000  }
0x2e2: {  	s3 =	sadd.s32 $0xFFFFFFFF, s8;
	[sflag:s24] =	ssyncset.done $0x0  }
.LBB2_19:
0x2e3: {  	p0 =	seq.s32 s3, $0x1;
	s3 =	sadd.s32 $0xFFFFFFFF, s3;
	[sflag:s24] =	ssyncadd.s32 $0xFFFFC000  }
.Ltmp18:
0x2e4: {  	(pc) =	sbr.rel @!p0 .LBB2_19-.Ltmp18, $3  }
0x2e5: {  	_ =	sdelay $0x1  }
0x2e6: {  	_ =	swait.ge [sflag:s24], $0x4000  }
0x2e7: {  	[sflag:s24] =	ssyncset.done $0x0  }
.LBB2_20:
.Ltmp19:
0x2e8: {  	(pc) =	sbr.rel .LBB2_22-.Ltmp19, $2  }
0x2e9: {  	_ =	sdelay $0x2  }
0x2ea: {  	[sflag:s24] =	ssyncadd.s32 $0xFFFFC000  }
.LBB2_21:
0x2eb: {  	_ =	swait.ge [sflag:s23], $0x4000  }
0x2ec: {  	[sflag:s23] =	ssyncset.done $0x0  }
0x2ed: {  	[sflag:s23] =	ssyncadd.s32 $0xFFFFC000  }
0x2ee: {  	_ =	swait.ge [sflag:s23], $0x4000  }
0x2ef: {  	[sflag:s23] =	ssyncset.done $0x0  }
0x2f0: {  	[sflag:s23] =	ssyncadd.s32 $0xFFFFC000  }
0x2f1: {  	_ =	swait.ge [sflag:s23], $0x2000  }
0x2f2: {  	[sflag:s23] =	ssyncset.done $0x0  }
0x2f3: {  	[sflag:s23] =	ssyncadd.s32 $0xFFFFE000  }
.LBB2_22:
0x2f4: {  	s0 =	sadd.s32 $0x80000000, s0  }
0x2f5: {  	s3 =	sshll.u32 s0, $0x2  }
0x2f6: {  	p0 =	slt.s32 s3, $0x1  }
.Ltmp20:
0x2f7: {  	_ = 	snop;
	(pc) =	sbr.rel @p0 .LBB2_28-.Ltmp20, $1  }
0x2f8: {  	_ =	sdelay $0x3  }
0x2f9: {  	p1 =	sne.s32 s3, $0x1  }
.Ltmp21:
0x2fa: {  	_ = 	snop;
	(pc) =	sbr.rel @!p1 .LBB2_24-.Ltmp21, $3  }
0x2fb: {  	_ =	sdelay $0x1  }
0x2fc: {  	s8 =	sshll.u32 s0, $0x6;
	s0 =	simm.s32 $0x0  }
0x2fd: {  	s3 =	sadd.s32 $0xFFFFFFFF, s3;
	p0 =	por $0x0, $0x0;
	v25 =	vmov s8;
	v27 =	vmov s0  }
0x2fe: {  	v26 =	vshra.s32 v27, $0x6;
	_ =	sdelay $0x3  }
0x2ff: {  	v27 =	vor.u32 s0, v0  }
0x300: {  	v28 =	vand.u32 $0x3F, v27;
	v29 =	vshll.u32 v26, $0x7;
	v26 =	vld.idx.msk [tilespmem:v26+s14+$0x0], $0xffff  }
0x301: {  	p1 =	sne.s32 s3, $0x1;
	v29 =	vor.u32 v28, v29  }
.Ltmp22:
0x302: {  	_ = 	snop;
	(pc) =	sbr.rel @!p1 .LBB2_27-.Ltmp22, $3  }
0x303: {  	_ =	sdelay $0x1  }
0x304: {  	s0 =	simm.s32 $0x10;
	vm0 =	vlt.s32 v27, v25;
	v30 =	vshll.u32 v26, $0x7  }
0x305: {  	s3 =	sadd.s32 $0xFFFFFFFF, s3;
	p0 =	por $0x1, $0x1;
	v27 =	vmov s0;
	v26 =	vld.idx.msk [tilespmem:v29+s25+$0x0], $0xffff;
	v28 =	vor.u32 v28, v30  }
.LBB2_26:
0x306: {  	p1 =	sne.s32 s3, $0x1;
	v27 =	vshra.s32 v27, $0x6;
	_ =	sdelay $0x3  }
0x307: {  	v29 =	vor.u32 s0, v0;
	[tilespmem:v28+s17+$0x0] =	vst.idx.msk vm0, v26  }
0x308: {  	v28 =	vand.u32 $0x3F, v29;
	v26 =	vshll.u32 v27, $0x7;
	v27 =	vld.idx.msk [tilespmem:v27+s14+$0x0], $0xffff  }
0x309: {  	v26 =	vor.u32 v28, v26;
	_ =	sdelay $0x1  }
.Ltmp23:
0x30a: {  	(pc) =	sbr.rel @p1 .LBB2_26-.Ltmp23, $3  }
0x30b: {  	_ =	sdelay $0x1  }
0x30c: {  	s0 =	sadd.s32 $0x10, s0;
	vm0 =	vlt.s32 v29, v25;
	v29 =	vshll.u32 v27, $0x7;
	v26 =	vld.idx.msk [tilespmem:v26+s25+$0x0], $0xffff  }
0x30d: {  	s3 =	sadd.s32 $0xFFFFFFFF, s3;
	v27 =	vmov s0;
	v28 =	vor.u32 v28, v29  }
.Ltmp24:
0x30e: {  	_ = 	snop;
	(pc) =	sbr.rel .LBB2_27-.Ltmp24, $1  }
0x30f: {  	_ =	sdelay $0x3  }
.LBB2_11:
.Ltmp25:
0x310: {  	(pc) =	sbr.rel .LBB2_14-.Ltmp25, $2  }
0x311: {  	_ =	sdelay $0x2  }
0x312: {  	_ = 	snop  }
.LBB2_30:
0x313: {  	_ =	sfence.sel $0x180000  }
0x314: {  	[bflag:$0x0] =	sbarrier.arrive $0xFFFF  }
0x315: {  	_ =	strace $0x90000047  }
0x316: {  	s0 =	stileid.u32;
	[bflag:$0x2] =	sbarrier.arrive $0xFFFF  }
0x317: {  	p0 =	sne.s32 s0, $0x0;
	s0 =	rddreg [dreg:$0x4]  }
0x318: {  	s0 =	sadd.s32 @!p0 $0x100000, s0  }
0x319: {  	[sflag:s0] =	ssyncadd.tile.s32 @!p0 $0x1;
	_ =	shalt  }
.Lfunc_end2:
_tile_overlayer_lowered:
.L_overlay_start_2:
0x31a: {  	(tag) =	ssettag $0x2  }
0x31b: {  	s0 =	rddreg [dreg:$0x0];
	s2 =	stileid.u32  }
0x31c: {  	s1 =	rddreg [dreg:$0x1];
	p0 =	sne.s32 s2, $0x0  }
0x31d: {  	s3 =	rddreg [dreg:$0x2];
	[bflag:$0x3] =	sbarrier.arrive $0xFFFF;
	s2 =	simm.s32 @!p0 $0x1C04  }
0x31e: {  	[timem:s3], [sflag:s2] =	dma.local @!p0 [hbm:s0], s1  }
0x31f: {  	s0 =	simm.s32 @!p0 $0x4  }
0x320: {  	_ =	swait.ge @!p0 [sflag:s0], s1  }
0x321: {  	s1 =	ssub.s32 @!p0 $0x0, s1;
	[sflag:s0] =	ssyncset.done @!p0 $0x0  }
0x322: {  	[sflag:s0] =	ssyncadd.s32 @!p0 s1  }
0x323: {  	[bflag:$0x3] =	sbarrier.arrive $0xFFFF  }
0x324: {  	_ =	shalt  }

</sc_bundles>
